<compile_context>
chip_gen: v7x
topology: tpu7x:2x2x1
jax: 0.10.2.dev20260603
libtpu: 0.0.44.dev20260713+nightly
codegen_flags: <defaults>
</compile_context>

<pallas_src>
import functools
import math

import jax
import jax.numpy as jnp
from jax import lax
from jax.experimental import pallas as pl
from jax.experimental.pallas import tpu as pltpu
from jax.experimental.pallas import tpu_sc as plsc

D = 1024
Z = 256
C = 128
B = 2
L = 4096
NCH = L // C
BL = B * L
NEG = -50000.0

N_DIM_CONST = 2

NC = 2
NS = 16
NW = NC * NS
GCH = 32
GCH_LOG2 = 5
ECH = 32
ECH_LOG2 = 5


def _tri():
    r = lax.broadcasted_iota(jnp.int32, (C, C), 0)
    c = lax.broadcasted_iota(jnp.int32, (C, C), 1)
    return (c <= r).astype(jnp.float32)



def _k1_body(x_ref, a_ref, p_ref, pq_ref, cb_ref, om_ref, wcs_ref,
             wq_ref, wk_ref, wv_ref,
             zq_ref, zk_ref, v_ref, g2_ref, sidx_ref, carry_ref, cnt_ref):
    j = pl.program_id(1)

    @pl.when(j == 0)
    def _():
        carry_ref[...] = jnp.zeros_like(carry_ref)
        cnt_ref[0] = 0.0

    x = x_ref[0]
    x2 = jnp.concatenate([x, x], axis=1)
    tri = _tri()
    y = x2 * a_ref[...]
    cum = jnp.dot(tri, y, preferred_element_type=jnp.float32)
    s = cum * p_ref[...] + carry_ref[0:1, :] * pq_ref[...]
    carry_ref[0:1, :] = s[C - 1:C, :]
    sc = s * cb_ref[...]
    conv = sc[:, :D] + sc[:, D:]
    mx = conv + x * om_ref[...]
    mx = mx * jax.nn.sigmoid(mx)

    logit = jnp.sum(mx * wcs_ref[...], axis=1, keepdims=True)
    sel = (logit > 0.0).astype(jnp.float32)
    g2_ref[0] = jax.nn.sigmoid(logit) * sel
    csel = jnp.dot(tri, sel, preferred_element_type=jnp.float32)
    sidx_ref[0] = (csel + cnt_ref[0]) * sel
    cnt_ref[0] = cnt_ref[0] + csel[C - 1, 0]

    mxb = mx.astype(jnp.bfloat16)
    zq_ref[...] = jnp.dot(mxb, wq_ref[...],
                          preferred_element_type=jnp.float32
                          ).astype(jnp.bfloat16)
    zk_ref[...] = jnp.dot(mxb, wk_ref[...],
                          preferred_element_type=jnp.float32
                          ).astype(jnp.bfloat16)
    vv = jnp.dot(x.astype(jnp.bfloat16), wv_ref[...],
                 preferred_element_type=jnp.float32)
    v_ref[...] = vv * jax.nn.sigmoid(vv)


def _run_k1(x, a, p, pq, cb, om, wcs, wqb, wkb, wvb):
    full = lambda s: pl.BlockSpec(s, lambda b, j: (0,) * len(s))
    return pl.pallas_call(
        _k1_body,
        grid=(B, NCH),
        in_specs=[
            pl.BlockSpec((1, C, D), lambda b, j: (b, j, 0)),
            full((C, 2 * D)), full((C, 2 * D)), full((C, 2 * D)),
            full((1, 2 * D)), full((1, D)), full((1, D)),
            full((D, Z)), full((D, Z)), full((D, D)),
        ],
        out_specs=[
            pl.BlockSpec((C, Z), lambda b, j: (b * NCH + j, 0)),
            pl.BlockSpec((C, Z), lambda b, j: (b * NCH + j, 0)),
            pl.BlockSpec((C, D), lambda b, j: (b * NCH + j, 0)),
            pl.BlockSpec((1, C, 1), lambda b, j: (b, j, 0)),
            pl.BlockSpec((1, C, 1), lambda b, j: (b, j, 0)),
        ],
        out_shape=[
            jax.ShapeDtypeStruct((BL, Z), jnp.bfloat16),
            jax.ShapeDtypeStruct((BL, Z), jnp.bfloat16),
            jax.ShapeDtypeStruct((BL, D), jnp.float32),
            jax.ShapeDtypeStruct((B, L, 1), jnp.float32),
            jax.ShapeDtypeStruct((B, L, 1), jnp.float32),
        ],
        scratch_shapes=[
            pltpu.VMEM((8, 2 * D), jnp.float32),
            pltpu.SMEM((1,), jnp.float32),
        ],
        compiler_params=pltpu.CompilerParams(
            dimension_semantics=("arbitrary", "arbitrary")),
    )(x, a, p, pq, cb, om, wcs, wqb, wkb, wvb)



def _build_pos(sidx_flat, sidx_v, pos_v, b, init_val, lg=GCH_LOG2):
    w = 1 << lg
    pltpu.sync_copy(sidx_flat.at[pl.ds(b * L, L)], sidx_v)

    def zf(i, c):
        for k in range(w // 16):
            pos_v[i, pl.ds(k * 16, 16)] = jnp.full((16,), init_val,
                                                   jnp.int32)
        return c
    lax.fori_loop(0, L // w, zf, 0)

    base = b * L

    def scat(i, mvec):
        ranks = sidx_v[pl.ds(i * 16, 16)]
        r0 = jnp.maximum(ranks - 1, 0)
        tvec = lax.iota(jnp.int32, 16) + (i * 16 + base)
        plsc.store_scatter(pos_v,
                           [lax.shift_right_logical(r0, lg),
                            lax.bitwise_and(r0, (1 << lg) - 1)],
                           tvec, mask=ranks > 0)
        return jnp.maximum(mvec, ranks)
    mvec = lax.fori_loop(0, L // 16, scat, jnp.zeros((16,), jnp.int32))
    return jnp.max(mvec)



def _scgather_body(meta, sidx_flat, *rest):
    nsrc = len(meta)
    srcs = rest[:nsrc]
    outs = rest[nsrc:2 * nsrc]
    sidx_v = rest[2 * nsrc]
    pos_v = rest[2 * nsrc + 1]
    bufs = rest[2 * nsrc + 2:2 * nsrc + 2 + 2 * nsrc]
    sem = rest[-1]
    cid = lax.axis_index("c")
    sid = lax.axis_index("s")
    for t, (w, lo, hi, dt) in enumerate(meta):
        ntiles = (hi - lo) * NC
        rpt = BL // ntiles
        nch = rpt // GCH
        src, out, b0, b1 = srcs[t], outs[t], bufs[2 * t], bufs[2 * t + 1]

        @pl.when((sid >= lo) & (sid < hi))
        def _(src=src, out=out, b0=b0, b1=b1, lo=lo, rpt=rpt, nch=nch):
            r = (sid - lo) * NC + cid
            row0 = r * rpt
            b = row0 // L
            lrow0 = row0 - b * L
            cnt = _build_pos(sidx_flat, sidx_v, pos_v, b, 0)
            bound = ((cnt + C - 1) // C) * C
            n_eff = jnp.clip((bound - lrow0 + GCH - 1) // GCH, 0, nch)
            ch0 = lrow0 // GCH

            @pl.when(n_eff > 0)
            def _():
                pltpu.async_copy(src.at[pos_v.at[ch0]], b0, sem)

                def step(i, carry):
                    for par, (cur, nxt) in enumerate(((b0, b1), (b1, b0))):
                        @pl.when(lax.rem(i, 2) == par)
                        def _(cur=cur, nxt=nxt):
                            @pl.when(i + 1 < n_eff)
                            def _():
                                pltpu.async_copy(
                                    src.at[pos_v.at[ch0 + i + 1]], nxt, sem)
                            pltpu.make_async_copy(
                                src.at[pos_v.at[ch0 + i]], cur, sem).wait()
                            pltpu.sync_copy(
                                cur, out.at[pl.ds(row0 + i * GCH, GCH)])
                    return carry
                lax.fori_loop(0, n_eff, step, 0)


def _run_scgather(sidx_flat, srcs, meta):
    mesh = plsc.VectorSubcoreMesh(core_axis_name="c", subcore_axis_name="s")
    return pl.kernel(
        functools.partial(_scgather_body, meta),
        out_type=tuple(jax.ShapeDtypeStruct((BL, w), dt)
                       for (w, lo, hi, dt) in meta),
        mesh=mesh,
        scratch_types=(
            [pltpu.VMEM((L,), jnp.int32),
             pltpu.VMEM((L // GCH, GCH), jnp.int32)]
            + [pltpu.VMEM((GCH, w), dt)
               for (w, lo, hi, dt) in meta for _ in range(2)]
            + [pltpu.SemaphoreType.DMA]
        ),
        compiler_params=pltpu.CompilerParams(needs_layout_passes=False,
                                             use_tc_tiling_on_sc=False),
    )(sidx_flat, *srcs)


def _scext_body(sidx_flat, chw_hbm, out_hbm, sidx_v, pos_v, b0, b1, sem):
    cid = lax.axis_index("c")
    sid = lax.axis_index("s")
    rpt = BL // NW
    nch = rpt // ECH
    r = sid * NC + cid
    row0 = r * rpt
    b = row0 // L
    lrow0 = row0 - b * L
    cnt = _build_pos(sidx_flat, sidx_v, pos_v, b, BL, lg=ECH_LOG2)
    n_eff = jnp.clip((cnt - lrow0 + ECH - 1) // ECH, 0, nch)
    ch0 = lrow0 // ECH

    @pl.when(n_eff > 0)
    def _():
        def step(i, carry):
            for par, (cur, nxt) in enumerate(((b0, b1), (b1, b0))):
                @pl.when(lax.rem(i, 2) == par)
                def _(cur=cur, nxt=nxt):
                    pltpu.sync_copy(
                        chw_hbm.at[pl.ds(row0 + i * ECH, ECH)], cur)

                    @pl.when(i >= 1)
                    def _():
                        pltpu.make_async_copy(
                            nxt, out_hbm.at[pos_v.at[ch0 + i]], sem).wait()
                    pltpu.async_copy(cur, out_hbm.at[pos_v.at[ch0 + i]],
                                     sem)
            return carry
        lax.fori_loop(0, n_eff, step, 0)
        pltpu.make_async_copy(b0, out_hbm.at[pos_v.at[ch0]], sem).wait()


def _run_scext(sidx_flat, chw2):
    mesh = plsc.VectorSubcoreMesh(core_axis_name="c", subcore_axis_name="s")
    return pl.kernel(
        _scext_body,
        out_type=jax.ShapeDtypeStruct((BL + 16, D), jnp.float32),
        mesh=mesh,
        scratch_types=[
            pltpu.VMEM((L,), jnp.int32),
            pltpu.VMEM((L // ECH, ECH), jnp.int32),
            pltpu.VMEM((ECH, D), jnp.float32),
            pltpu.VMEM((ECH, D), jnp.float32),
            pltpu.SemaphoreType.DMA,
        ],
        compiler_params=pltpu.CompilerParams(needs_layout_passes=False,
                                             use_tc_tiling_on_sc=False),
    )(sidx_flat, chw2)



def _k3_body(czq_ref, czk_ref, cv_ref, bias_ref, whb_ref, counts_ref,
             chw_ref):
    b = pl.program_id(0)
    j = pl.program_id(1)
    cnt = counts_ref[b]

    @pl.when(j * C < cnt)
    def _():
        q = czq_ref[...]
        k = czk_ref[...]
        s = lax.dot_general(q, k, (((1,), (1,)), ((), ())),
                            preferred_element_type=jnp.float32)
        s = s * (1.0 / math.sqrt(Z)) + bias_ref[...]
        col = lax.broadcasted_iota(jnp.int32, (C, C), 1) + j * C
        s = jnp.where(col < cnt, s, NEG)
        m = jnp.max(s, axis=-1, keepdims=True)
        e = jnp.exp(s - m)
        attn = (e / jnp.sum(e, axis=-1, keepdims=True)).astype(jnp.bfloat16)
        h = jnp.dot(attn, cv_ref[...].astype(jnp.bfloat16),
                    preferred_element_type=jnp.float32)
        chw_ref[...] = jnp.dot(h.astype(jnp.bfloat16), whb_ref[...],
                               preferred_element_type=jnp.float32)


def _run_k3(czq, czk, cv, bias, whb, counts):
    full = lambda s: pl.BlockSpec(s, lambda b, j: (0,) * len(s))
    return pl.pallas_call(
        _k3_body,
        grid=(B, NCH),
        in_specs=[
            pl.BlockSpec((C, Z), lambda b, j: (b * NCH + j, 0)),
            pl.BlockSpec((C, Z), lambda b, j: (b * NCH + j, 0)),
            pl.BlockSpec((C, D), lambda b, j: (b * NCH + j, 0)),
            full((C, C)), full((D, D)),
            pl.BlockSpec(memory_space=pltpu.SMEM),
        ],
        out_specs=pl.BlockSpec((C, D), lambda b, j: (b * NCH + j, 0)),
        out_shape=jax.ShapeDtypeStruct((BL, D), jnp.float32),
        compiler_params=pltpu.CompilerParams(
            dimension_semantics=("arbitrary", "arbitrary")),
    )(czq, czk, cv, bias, whb, counts)



def _k4_body(x_ref, hxw_ref, g2_ref, out_ref):
    g = g2_ref[0]
    hw = hxw_ref[...]
    out_ref[0] = jnp.where(g > 0.0, x_ref[0] + hw * g, x_ref[0])


def _run_k4(x, hxw, g2):
    R = 512
    NB = L // R
    return pl.pallas_call(
        _k4_body,
        grid=(B, NB),
        in_specs=[
            pl.BlockSpec((1, R, D), lambda b, i: (b, i, 0)),
            pl.BlockSpec((R, D), lambda b, i: (b * NB + i, 0)),
            pl.BlockSpec((1, R, 1), lambda b, i: (b, i, 0)),
        ],
        out_specs=pl.BlockSpec((1, R, D), lambda b, i: (b, i, 0)),
        out_shape=jax.ShapeDtypeStruct((B, L, D), jnp.float32),
        compiler_params=pltpu.CompilerParams(
            dimension_semantics=("arbitrary", "arbitrary")),
    )(x, hxw, g2)



def kernel(x, delta, alpha, beta, gamma, omega, temp, w_conf, w_q, w_k,
           w_v, w_h, rel_pos_bias):
    p = jax.nn.sigmoid(delta[:, :, 0])
    aa = jax.nn.sigmoid(alpha[:, :, 0])
    qd = 1.0 - p * aa
    logq = jnp.log(qd)
    cc = p * beta[:, :, 0] * gamma * math.sqrt(1.0 / N_DIM_CONST)
    t = jnp.arange(C, dtype=jnp.float32)[:, None, None]
    apow = jnp.exp(-t * logq[None])
    ppow = jnp.exp(t * logq[None])
    pq = ppow * qd[None]
    to2d = lambda z: jnp.concatenate([z[:, :, 0], z[:, :, 1]], axis=1)
    a2 = to2d(apow)
    p2 = to2d(ppow)
    pq2 = to2d(pq)
    cb = jnp.concatenate([cc[:, 0], cc[:, 1]])[None, :]
    om = omega[None, :]
    wcs = (w_conf[:, 0] / jnp.exp(temp[0]))[None, :]

    zq2, zk2, v2, g2, sidx = _run_k1(
        x, a2, p2, pq2, cb, om, wcs,
        w_q.astype(jnp.bfloat16), w_k.astype(jnp.bfloat16),
        w_v.astype(jnp.bfloat16))

    sidx_i = sidx[:, :, 0].astype(jnp.int32)
    counts = jnp.max(sidx_i, axis=1)
    sidx_flat = sidx_i.reshape(BL)

    czq2, czk2, cv2 = _run_scgather(
        sidx_flat, (zq2, zk2, v2),
        ((Z, 8, 12, jnp.bfloat16), (Z, 12, 16, jnp.bfloat16),
         (D, 0, 8, jnp.float32)))

    u3 = jnp.concatenate([rel_pos_bias[::-1], jnp.zeros((1,), jnp.float32)])
    bias = jnp.tile(u3, C)[:C * (2 * C - 1)].reshape(C, 2 * C - 1)
    bias = bias[:, C - 1:]
    chw2 = _run_k3(czq2, czk2, cv2, bias, w_h.astype(jnp.bfloat16), counts)

    hxw = _run_scext(sidx_flat, chw2)

    return _run_k4(x, hxw, g2)

# --- scband reference (transcript-rebuilt; emitter-appended) ---
"""Pipeline reference for scband-seq-boat-layer-1821066133757 (READ-ONLY COPY).

The authoritative reference and input builder live on the scoring server;
editing this copy changes nothing except your own understanding.
"""

import jax, jax.numpy as jnp
import numpy as np
import math

EMBED_DIM = 1024
Z_DIM = 256
N_DIM = 2
CHUNK = 128
B, L = 2, 4096


def _trunc(k, shape, std):
    return jnp.clip(jax.random.normal(k, shape, dtype=jnp.float32) * std, -2.0 * std, 2.0 * std)


def setup_inputs(seed: int = 0):
    key = jax.random.key(seed)
    ks = jax.random.split(key, 13)
    x = jax.random.normal(ks[0], (B, L, EMBED_DIM), dtype=jnp.float32)
    delta = _trunc(ks[1], (EMBED_DIM, N_DIM, 1), 0.2)
    alpha = _trunc(ks[2], (EMBED_DIM, N_DIM, 1), 0.2)
    val = np.ones((N_DIM, 1), dtype=np.float32)
    val[1::2] = -1.0
    beta = _trunc(ks[3], (EMBED_DIM, N_DIM, 1), 0.02) + jnp.asarray(val)[None, :, :]
    gamma = _trunc(ks[4], (EMBED_DIM, N_DIM), 1.0)
    omega = _trunc(ks[5], (EMBED_DIM,), 1.0)
    temp = jnp.ones((1,), dtype=jnp.float32) * math.log(EMBED_DIM ** 0.5)
    w_conf = _trunc(ks[6], (EMBED_DIM, 1), 0.02)
    w_q = _trunc(ks[7], (EMBED_DIM, Z_DIM), 0.02)
    w_k = _trunc(ks[8], (EMBED_DIM, Z_DIM), 0.02)
    w_v = _trunc(ks[9], (EMBED_DIM, EMBED_DIM), 0.02)
    w_h = _trunc(ks[10], (EMBED_DIM, EMBED_DIM), 0.02)
    rel_pos_bias = _trunc(ks[11], (2 * CHUNK - 1,), 0.02)
    return {'x': x, 'delta': delta, 'alpha': alpha, 'beta': beta, 'gamma': gamma, 'omega': omega, 'temp': temp, 'w_conf': w_conf, 'w_q': w_q, 'w_k': w_k, 'w_v': w_v, 'w_h': w_h, 'rel_pos_bias': rel_pos_bias}


def _ema_conv(x, delta, alpha, beta, gamma, omega):
    b, l, d = x.shape
    ndim = delta.shape[1]
    scale = math.sqrt(1.0 / ndim)
    p = jax.nn.sigmoid(delta)
    a = jax.nn.sigmoid(alpha)
    q = 1.0 - p * a
    vander = jnp.arange(l, dtype=jnp.float32)[None, None, :] * jnp.log(q)
    kernel = p * beta * jnp.exp(vander)
    k = jnp.einsum('dnl,dn->dl', kernel, gamma * scale)
    xt = jnp.swapaxes(x, 1, 2)
    n_fft = 2 * l
    kf = jnp.fft.rfft(k, n=n_fft)
    xf = jnp.fft.rfft(xt, n=n_fft)
    conv = jnp.fft.irfft(xf * kf[None, :, :], n=n_fft)[..., :l]
    out = conv + xt * omega[None, :, None]
    return jnp.swapaxes(out, 1, 2)


def _forward(x, delta, alpha, beta, gamma, omega, temp, w_conf, w_q, w_k, w_v, w_h, rel_pos_bias):
    b, l, d = x.shape
    zdim = w_q.shape[1]
    # MEGA-style multi-head EMA over the sequence
    mx = jax.nn.silu(_ema_conv(x, delta, alpha, beta, gamma, omega))
    # LatentConfigurator: sigmoid gate (proj_dim=1) with learned temperature
    gate = jax.nn.sigmoid((mx @ w_conf) / jnp.exp(temp))
    sel = gate[..., 0] > 0.5
    sel_i = sel.astype(jnp.int32)
    # 1-based compressed positions for selected tokens; 0 = dropped (SMA / compress_seq)
    idx = jnp.cumsum(sel_i, axis=1) * sel_i
    max_sl = l
    bidx = jnp.arange(b)[:, None]

    def compress(t):
        buf = jnp.zeros((b, max_sl + 1, t.shape[-1]), dtype=t.dtype)
        buf = buf.at[bidx, idx].set(t)
        return buf[:, 1:]

    v = jax.nn.silu(x @ w_v)
    cmx = compress(mx)
    cv = compress(v)
    zq = cmx @ w_q
    zk = cmx @ w_k
    n_ch = max_sl // CHUNK
    qc = zq.reshape(b, n_ch, CHUNK, zdim)
    kc = zk.reshape(b, n_ch, CHUNK, zdim)
    vc = cv.reshape(b, n_ch, CHUNK, d)
    # FastRelativePositionalBias (toeplitz) within each chunk
    off = jnp.arange(CHUNK)[:, None] - jnp.arange(CHUNK)[None, :] + CHUNK - 1
    bias = rel_pos_bias[off]
    scores = jnp.einsum('bncz,bnkz->bnck', qc, kc) / math.sqrt(zdim) + bias[None, None]
    counts = jnp.sum(sel_i, axis=1)
    pos = jnp.arange(max_sl).reshape(n_ch, CHUNK)
    valid = pos[None, :, :] < counts[:, None, None]
    scores = jnp.where(valid[:, :, None, :], scores, -50000.0)
    attn = jax.nn.softmax(scores, axis=-1)
    h = jnp.einsum('bnck,bnkd->bncd', attn, vc).reshape(b, max_sl, d)
    # extract: gather results back to original token positions (pad row 0 = zeros)
    hp = jnp.concatenate([jnp.zeros((b, 1, d), dtype=h.dtype), h], axis=1)
    gidx = jnp.broadcast_to(idx[:, :, None], (b, l, d))
    hx = jnp.take_along_axis(hp, gidx, axis=1)
    out = x + (hx @ w_h) * gate
    return out


def reference(x, delta, alpha, beta, gamma, omega, temp, w_conf, w_q, w_k, w_v, w_h, rel_pos_bias):
    return _forward(x, delta, alpha, beta, gamma, omega, temp, w_conf, w_q, w_k, w_v, w_h, rel_pos_bias)

if __name__ == "__main__":
    import jax
    _d = setup_inputs()
    print(jax.jit(kernel)(*tuple(_d.values())))

</pallas_src>

<mosaic_0001>
#map = affine_map<(d0, d1) -> (0)>
#map1 = affine_map<(d0, d1) -> (0, 0)>
module attributes {stable_mosaic.version = 14 : i64} {
  func.func @_scext_body(%arg0: i32, %arg1: i32, %arg2: memref<8192xi32, #tpu.memory_space<hbm>>, %arg3: memref<8192x1024xf32, #tpu.memory_space<hbm>>, %arg4: memref<8208x1024xf32, #tpu.memory_space<hbm>>, %arg5: memref<4096xi32, #tpu.memory_space<vmem>>, %arg6: memref<128x32xi32, #tpu.memory_space<vmem>>, %arg7: memref<32x1024xf32, #tpu.memory_space<vmem>>, %arg8: memref<32x1024xf32, #tpu.memory_space<vmem>>, %arg9: memref<!tpu.dma_semaphore, #tpu.memory_space<semaphore_mem>>) attributes {dimension_semantics = [#tpu.dimension_semantics<core_parallel>, #tpu.dimension_semantics<subcore_parallel>], iteration_bounds = array<i64: 2, 16>, scalar_prefetch = 0 : i64, scratch_operands = 5 : i64, tpu.core_type = #tpu.core_type<sc_vector_subcore>, window_params = [{transform_indices = #map}, {transform_indices = #map1}, {transform_indices = #map1}]} {
    %mul3A = arith.constant 2 : i32
    %mul3A_0 = arith.muli %arg1, %mul3A : i32
    %add3A = arith.addi %mul3A_0, %arg0 : i32
    %mul3A_1 = arith.constant 256 : i32
    %mul3A_2 = arith.muli %add3A, %mul3A_1 : i32
    %jit3A = arith.constant 4096 : i32
    %div3A = arith.divsi %mul3A_2, %jit3A : i32
    %sign3A = arith.constant 0 : i32
    %sign3A_3 = arith.cmpi sgt, %mul3A_2, %sign3A : i32
    %sign3A_4 = arith.extui %sign3A_3 : i1 to i32
    %sign3A_5 = arith.constant 0 : i32
    %sign3A_6 = arith.cmpi slt, %mul3A_2, %sign3A_5 : i32
    %sign3A_7 = arith.extui %sign3A_6 : i1 to i32
    %sign3A_8 = arith.subi %sign3A_4, %sign3A_7 : i32
    %sign3A_9 = arith.constant 0 : i32
    %sign3A_10 = arith.cmpi sgt, %jit3A, %sign3A_9 : i32
    %sign3A_11 = arith.extui %sign3A_10 : i1 to i32
    %sign3A_12 = arith.constant 0 : i32
    %sign3A_13 = arith.cmpi slt, %jit3A, %sign3A_12 : i32
    %sign3A_14 = arith.extui %sign3A_13 : i1 to i32
    %sign3A_15 = arith.subi %sign3A_11, %sign3A_14 : i32
    %ne3A = arith.cmpi ne, %sign3A_8, %sign3A_15 : i32
    %rem3A = arith.remsi %mul3A_2, %jit3A : i32
    %ne3A_16 = arith.constant 0 : i32
    %ne3A_17 = arith.cmpi ne, %rem3A, %ne3A_16 : i32
    %and3A = arith.andi %ne3A, %ne3A_17 : i1
    %sub3A = arith.constant 1 : i32
    %sub3A_18 = arith.subi %div3A, %sub3A : i32
    %select_n3A = arith.select %and3A, %sub3A_18, %div3A : i32
    %mul3A_19 = arith.constant 4096 : i32
    %mul3A_20 = arith.muli %select_n3A, %mul3A_19 : i32
    %sub3A_21 = arith.subi %mul3A_2, %mul3A_20 : i32
    %mul3A_22 = arith.constant 4096 : i32
    %mul3A_23 = arith.muli %select_n3A, %mul3A_22 : i32
    "tpu.region"() ({
      %run_scoped3A = tpu.sem_alloc : memref<!tpu.dma_semaphore, #tpu.memory_space<semaphore_mem>>
      %dma_start3A = tpu.memref_slice %arg2[%mul3A_23] : memref<8192xi32, #tpu.memory_space<hbm>> -> memref<4096xi32, #tpu.memory_space<hbm>>
      %dma_start3A_102 = tpu.memref_slice %arg2[%mul3A_23] : memref<8192xi32, #tpu.memory_space<hbm>> -> memref<4096xi32, #tpu.memory_space<hbm>>
      tpu.enqueue_dma source(%dma_start3A_102 : memref<4096xi32, #tpu.memory_space<hbm>>) target(%arg5 : memref<4096xi32, #tpu.memory_space<vmem>>) target_semaphore(%run_scoped3A : memref<!tpu.dma_semaphore, #tpu.memory_space<semaphore_mem>>)
      %dma_wait3A = tpu.memref_slice %arg2[%mul3A_23] : memref<8192xi32, #tpu.memory_space<hbm>> -> memref<4096xi32, #tpu.memory_space<hbm>>
      %dma_wait3A_103 = tpu.memref_slice %arg2[%mul3A_23] : memref<8192xi32, #tpu.memory_space<hbm>> -> memref<4096xi32, #tpu.memory_space<hbm>>
      tpu.wait_dma2 semaphore(%run_scoped3A : memref<!tpu.dma_semaphore, #tpu.memory_space<semaphore_mem>>) src(%dma_wait3A_103 : memref<4096xi32, #tpu.memory_space<hbm>>) dst(%arg5 : memref<4096xi32, #tpu.memory_space<vmem>>)
      tpu.yield
    }) : () -> ()
    %scan3A = arith.constant 0 : i32
    %scan3A_24 = arith.constant 0 : i32
    %scan3A_25 = arith.constant 128 : i32
    %scan3A_26 = arith.addi %scan3A_24, %scan3A_25 : i32
    %scan3A_27 = arith.constant 1 : i32
    scf.for %scan3A_102 = %scan3A_24 to %scan3A_26 step %scan3A_27  : i32 {
      %broadcast_in_dim3A_103 = arith.constant 8192 : i32
      %broadcast_in_dim3A_104 = vector.broadcast %broadcast_in_dim3A_103 : i32 to vector<16xi32>
      %swap3A = arith.index_cast %scan3A_102 : i32 to index
      %swap3A_105 = arith.constant 0 : index
      %swap3A_106 = tpu.vector_load %arg6[%swap3A, %swap3A_105] {strides = array<i32>} : memref<128x32xi32, #tpu.memory_space<vmem>>, vector<16xi32>,
      tpu.vector_store %arg6[%swap3A, %swap3A_105], %broadcast_in_dim3A_104 {strides = array<i32>} : memref<128x32xi32, #tpu.memory_space<vmem>>, vector<16xi32>,
      %broadcast_in_dim3A_107 = arith.constant 8192 : i32
      %broadcast_in_dim3A_108 = vector.broadcast %broadcast_in_dim3A_107 : i32 to vector<16xi32>
      %swap3A_109 = arith.index_cast %scan3A_102 : i32 to index
      %swap3A_110 = arith.constant 16 : index
      %swap3A_111 = tpu.vector_load %arg6[%swap3A_109, %swap3A_110] {strides = array<i32>} : memref<128x32xi32, #tpu.memory_space<vmem>>, vector<16xi32>,
      tpu.vector_store %arg6[%swap3A_109, %swap3A_110], %broadcast_in_dim3A_108 {strides = array<i32>} : memref<128x32xi32, #tpu.memory_space<vmem>>, vector<16xi32>,
    }
    %scan3A_28 = arith.constant 128 : i32
    %mul3A_29 = arith.constant 4096 : i32
    %mul3A_30 = arith.muli %select_n3A, %mul3A_29 : i32
    %broadcast_in_dim3A = arith.constant 0 : i32
    %broadcast_in_dim3A_31 = vector.broadcast %broadcast_in_dim3A : i32 to vector<16xi32>
    %scan3A_32 = arith.constant 0 : i32
    %scan3A_33 = arith.constant 256 : i32
    %scan3A_34 = arith.addi %scan3A_32, %scan3A_33 : i32
    %scan3A_35 = arith.constant 1 : i32
    %scan3A_36 = scf.for %scan3A_102 = %scan3A_32 to %scan3A_34 step %scan3A_35 iter_args(%scan3A_103 = %broadcast_in_dim3A_31) -> (vector<16xi32>)  : i32 {
      %mul3A_104 = arith.constant 16 : i32
      %mul3A_105 = arith.muli %scan3A_102, %mul3A_104 : i32
      %get3A = arith.index_cast %mul3A_105 : i32 to index
      %get3A_106 = tpu.vector_load %arg5[%get3A] {strides = array<i32>} : memref<4096xi32, #tpu.memory_space<vmem>>, vector<16xi32>,
      %sub3A_107 = arith.constant 1 : i32
      %sub3A_108 = vector.broadcast %sub3A_107 : i32 to vector<16xi32>
      %sub3A_109 = arith.subi %get3A_106, %sub3A_108 : vector<16xi32>
      %max3A_110 = arith.constant 0 : i32
      %max3A_111 = vector.broadcast %max3A_110 : i32 to vector<16xi32>
      %max3A_112 = arith.maxsi %sub3A_109, %max3A_111 : vector<16xi32>
      %iota3A = tpu.iota {dimensions = array<i32: 0>} : vector<16xi32>
      %mul3A_113 = arith.constant 16 : i32
      %mul3A_114 = arith.muli %scan3A_102, %mul3A_113 : i32
      %add3A_115 = arith.addi %mul3A_114, %mul3A_30 : i32
      %add3A_116 = vector.broadcast %add3A_115 : i32 to vector<16xi32>
      %add3A_117 = arith.addi %iota3A, %add3A_116 : vector<16xi32>
      %shift_right_logical3A = arith.constant 5 : i32
      %shift_right_logical3A_118 = vector.broadcast %shift_right_logical3A : i32 to vector<16xi32>
      %shift_right_logical3A_119 = arith.shrui %max3A_112, %shift_right_logical3A_118 : vector<16xi32>
      %and3A_120 = arith.constant 31 : i32
      %and3A_121 = vector.broadcast %and3A_120 : i32 to vector<16xi32>
      %and3A_122 = arith.andi %max3A_112, %and3A_121 : vector<16xi32>
      %gt3A_123 = arith.constant 0 : i32
      %gt3A_124 = vector.broadcast %gt3A_123 : i32 to vector<16xi32>
      %gt3A_125 = arith.cmpi sgt, %get3A_106, %gt3A_124 : vector<16xi32>
      tpu.vector_store_idx %arg6[%shift_right_logical3A_119, %and3A_122], %add3A_117 masked %gt3A_125 : memref<128x32xi32, #tpu.memory_space<vmem>>[vector<16xi32>, vector<16xi32>], vector<16xi32>, vector<16xi1>
      %max3A_126 = arith.maxsi %scan3A_103, %get3A_106 : vector<16xi32>
      scf.yield %max3A_126 : vector<16xi32>
    }
    %scan3A_37 = arith.constant 256 : i32
    %reduce_max3A = arith.constant true
    %reduce_max3A_38 = vector.broadcast %reduce_max3A : i1 to vector<16xi1>
    %reduce_max3A_39 = arith.constant -2147483648 : i32
    %reduce_max3A_40 = vector.broadcast %reduce_max3A_39 : i32 to vector<16xi32>
    %reduce_max3A_41 = arith.xori %scan3A_36, %reduce_max3A_40 : vector<16xi32>
    %reduce_max3A_42 = tpu.scan <max>, %reduce_max3A_41 masked %reduce_max3A_38 : vector<16xi32>, vector<16xi1> -> vector<16xi32>
    %reduce_max3A_43 = arith.xori %reduce_max3A_42, %reduce_max3A_40 : vector<16xi32>
    %reduce_max3A_44 = vector.extract %reduce_max3A_43[15] : i32 from vector<16xi32>
    %sub3A_45 = arith.subi %reduce_max3A_44, %sub3A_21 : i32
    %add3A_46 = arith.constant 32 : i32
    %add3A_47 = arith.addi %sub3A_45, %add3A_46 : i32
    %sub3A_48 = arith.constant 1 : i32
    %sub3A_49 = arith.subi %add3A_47, %sub3A_48 : i32
    %jit3A_50 = arith.constant 32 : i32
    %div3A_51 = arith.divsi %sub3A_49, %jit3A_50 : i32
    %sign3A_52 = arith.constant 0 : i32
    %sign3A_53 = arith.cmpi sgt, %sub3A_49, %sign3A_52 : i32
    %sign3A_54 = arith.extui %sign3A_53 : i1 to i32
    %sign3A_55 = arith.constant 0 : i32
    %sign3A_56 = arith.cmpi slt, %sub3A_49, %sign3A_55 : i32
    %sign3A_57 = arith.extui %sign3A_56 : i1 to i32
    %sign3A_58 = arith.subi %sign3A_54, %sign3A_57 : i32
    %sign3A_59 = arith.constant 0 : i32
    %sign3A_60 = arith.cmpi sgt, %jit3A_50, %sign3A_59 : i32
    %sign3A_61 = arith.extui %sign3A_60 : i1 to i32
    %sign3A_62 = arith.constant 0 : i32
    %sign3A_63 = arith.cmpi slt, %jit3A_50, %sign3A_62 : i32
    %sign3A_64 = arith.extui %sign3A_63 : i1 to i32
    %sign3A_65 = arith.subi %sign3A_61, %sign3A_64 : i32
    %ne3A_66 = arith.cmpi ne, %sign3A_58, %sign3A_65 : i32
    %rem3A_67 = arith.remsi %sub3A_49, %jit3A_50 : i32
    %ne3A_68 = arith.constant 0 : i32
    %ne3A_69 = arith.cmpi ne, %rem3A_67, %ne3A_68 : i32
    %and3A_70 = arith.andi %ne3A_66, %ne3A_69 : i1
    %sub3A_71 = arith.constant 1 : i32
    %sub3A_72 = arith.subi %div3A_51, %sub3A_71 : i32
    %select_n3A_73 = arith.select %and3A_70, %sub3A_72, %div3A_51 : i32
    %jit3A_74 = arith.constant 0 : i32
    %jit3A_75 = arith.constant 8 : i32
    %max3A = arith.maxsi %jit3A_74, %select_n3A_73 : i32
    %min3A = arith.minsi %jit3A_75, %max3A : i32
    %jit3A_76 = arith.constant 32 : i32
    %div3A_77 = arith.divsi %sub3A_21, %jit3A_76 : i32
    %sign3A_78 = arith.constant 0 : i32
    %sign3A_79 = arith.cmpi sgt, %sub3A_21, %sign3A_78 : i32
    %sign3A_80 = arith.extui %sign3A_79 : i1 to i32
    %sign3A_81 = arith.constant 0 : i32
    %sign3A_82 = arith.cmpi slt, %sub3A_21, %sign3A_81 : i32
    %sign3A_83 = arith.extui %sign3A_82 : i1 to i32
    %sign3A_84 = arith.subi %sign3A_80, %sign3A_83 : i32
    %sign3A_85 = arith.constant 0 : i32
    %sign3A_86 = arith.cmpi sgt, %jit3A_76, %sign3A_85 : i32
    %sign3A_87 = arith.extui %sign3A_86 : i1 to i32
    %sign3A_88 = arith.constant 0 : i32
    %sign3A_89 = arith.cmpi slt, %jit3A_76, %sign3A_88 : i32
    %sign3A_90 = arith.extui %sign3A_89 : i1 to i32
    %sign3A_91 = arith.subi %sign3A_87, %sign3A_90 : i32
    %ne3A_92 = arith.cmpi ne, %sign3A_84, %sign3A_91 : i32
    %rem3A_93 = arith.remsi %sub3A_21, %jit3A_76 : i32
    %ne3A_94 = arith.constant 0 : i32
    %ne3A_95 = arith.cmpi ne, %rem3A_93, %ne3A_94 : i32
    %and3A_96 = arith.andi %ne3A_92, %ne3A_95 : i1
    %sub3A_97 = arith.constant 1 : i32
    %sub3A_98 = arith.subi %div3A_77, %sub3A_97 : i32
    %select_n3A_99 = arith.select %and3A_96, %sub3A_98, %div3A_77 : i32
    %gt3A = arith.constant 0 : i32
    %gt3A_100 = arith.cmpi sgt, %min3A, %gt3A : i32
    %convert_element_type3A = arith.extui %gt3A_100 : i1 to i32
    %cond3A = arith.constant 0 : i32
    %cond3A_101 = arith.cmpi ne, %convert_element_type3A, %cond3A : i32
    scf.if %cond3A_101 {
      %while3A = arith.constant 0 : i32
      %while3A_102 = arith.constant 0 : i32
      %while3A_103 = arith.subi %min3A, %while3A_102 : i32
      %while3A_104 = arith.addi %while3A_102, %while3A_103 : i32
      %while3A_105 = arith.constant 1 : i32
      %while3A_106 = arith.divsi %while3A_103, %while3A_105 : i32
      %while3A_107 = arith.muli %while3A_106, %while3A_105 : i32
      %while3A_108 = arith.addi %while3A_102, %while3A_107 : i32
      %while3A_109 = arith.constant 1 : i32
      scf.for %while3A_116 = %while3A_102 to %while3A_108 step %while3A_109  : i32 {
        %rem3A_117 = arith.constant 2 : i32
        %rem3A_118 = arith.remsi %while3A_116, %rem3A_117 : i32
        %eq3A = arith.constant 0 : i32
        %eq3A_119 = arith.cmpi eq, %rem3A_118, %eq3A : i32
        %convert_element_type3A_120 = arith.extui %eq3A_119 : i1 to i32
        %cond3A_121 = arith.constant 0 : i32
        %cond3A_122 = arith.cmpi ne, %convert_element_type3A_120, %cond3A_121 : i32
        scf.if %cond3A_122 {
          %mul3A_130 = arith.constant 32 : i32
          %mul3A_131 = arith.muli %while3A_116, %mul3A_130 : i32
          %add3A_132 = arith.addi %mul3A_2, %mul3A_131 : i32
          "tpu.region"() ({
            %run_scoped3A = tpu.sem_alloc : memref<!tpu.dma_semaphore, #tpu.memory_space<semaphore_mem>>
            %dma_start3A_143 = arith.constant 0 : i32
            %dma_start3A_144 = tpu.memref_slice %arg3[%add3A_132, %dma_start3A_143] : memref<8192x1024xf32, #tpu.memory_space<hbm>> -> memref<32x1024xf32, #tpu.memory_space<hbm>>
            %dma_start3A_145 = arith.constant 0 : i32
            %dma_start3A_146 = tpu.memref_slice %arg3[%add3A_132, %dma_start3A_145] : memref<8192x1024xf32, #tpu.memory_space<hbm>> -> memref<32x1024xf32, #tpu.memory_space<hbm>>
            tpu.enqueue_dma source(%dma_start3A_146 : memref<32x1024xf32, #tpu.memory_space<hbm>>) target(%arg7 : memref<32x1024xf32, #tpu.memory_space<vmem>>) target_semaphore(%run_scoped3A : memref<!tpu.dma_semaphore, #tpu.memory_space<semaphore_mem>>)
            %dma_wait3A_147 = arith.constant 0 : i32
            %dma_wait3A_148 = tpu.memref_slice %arg3[%add3A_132, %dma_wait3A_147] : memref<8192x1024xf32, #tpu.memory_space<hbm>> -> memref<32x1024xf32, #tpu.memory_space<hbm>>
            %dma_wait3A_149 = arith.constant 0 : i32
            %dma_wait3A_150 = tpu.memref_slice %arg3[%add3A_132, %dma_wait3A_149] : memref<8192x1024xf32, #tpu.memory_space<hbm>> -> memref<32x1024xf32, #tpu.memory_space<hbm>>
            tpu.wait_dma2 semaphore(%run_scoped3A : memref<!tpu.dma_semaphore, #tpu.memory_space<semaphore_mem>>) src(%dma_wait3A_150 : memref<32x1024xf32, #tpu.memory_space<hbm>>) dst(%arg7 : memref<32x1024xf32, #tpu.memory_space<vmem>>)
            tpu.yield
          }) : () -> ()
          %ge3A = arith.constant 1 : i32
          %ge3A_133 = arith.cmpi sge, %while3A_116, %ge3A : i32
          %convert_element_type3A_134 = arith.extui %ge3A_133 : i1 to i32
          %cond3A_135 = arith.constant 0 : i32
          %cond3A_136 = arith.cmpi ne, %convert_element_type3A_134, %cond3A_135 : i32
          scf.if %cond3A_136 {
            %add3A_143 = arith.addi %select_n3A_99, %while3A_116 : i32
            %dma_wait3A_144 = arith.constant 0 : i32
            %dma_wait3A_145 = tpu.memref_slice %arg6[%add3A_143, %dma_wait3A_144] : memref<128x32xi32, #tpu.memory_space<vmem>> -> memref<1x32xi32, #tpu.memory_space<vmem>>
            %dma_wait3A_146 = tpu.memref_squeeze %dma_wait3A_145 : memref<1x32xi32, #tpu.memory_space<vmem>> -> memref<32xi32, #tpu.memory_space<vmem>>
            %dma_wait3A_147 = arith.constant 0 : i32
            %dma_wait3A_148 = arith.constant 0 : i32
            %dma_wait3A_149 = tpu.memref_slice %arg4[%dma_wait3A_147, %dma_wait3A_148] : memref<8208x1024xf32, #tpu.memory_space<hbm>> -> memref<8208x1024xf32, #tpu.memory_space<hbm>>
            tpu.wait_indirect_dma semaphore(%arg9 : memref<!tpu.dma_semaphore, #tpu.memory_space<semaphore_mem>>) src(%arg8 : memref<32x1024xf32, #tpu.memory_space<vmem>>) dst(%dma_wait3A_149 : memref<8208x1024xf32, #tpu.memory_space<hbm>>)
          } else {
          }
          %add3A_137 = arith.addi %select_n3A_99, %while3A_116 : i32
          %dma_start3A = arith.constant 0 : i32
          %dma_start3A_138 = tpu.memref_slice %arg6[%add3A_137, %dma_start3A] : memref<128x32xi32, #tpu.memory_space<vmem>> -> memref<1x32xi32, #tpu.memory_space<vmem>>
          %dma_start3A_139 = tpu.memref_squeeze %dma_start3A_138 : memref<1x32xi32, #tpu.memory_space<vmem>> -> memref<32xi32, #tpu.memory_space<vmem>>
          %dma_start3A_140 = arith.constant 0 : i32
          %dma_start3A_141 = arith.constant 0 : i32
          %dma_start3A_142 = tpu.memref_slice %arg4[%dma_start3A_140, %dma_start3A_141] : memref<8208x1024xf32, #tpu.memory_space<hbm>> -> memref<8208x1024xf32, #tpu.memory_space<hbm>>
          tpu.enqueue_indirect_dma source(%arg7 : memref<32x1024xf32, #tpu.memory_space<vmem>>) target(%dma_start3A_142 : memref<8208x1024xf32, #tpu.memory_space<hbm>>) offsets(%dma_start3A_139 : memref<32xi32, #tpu.memory_space<vmem>>) semaphore(%arg9 : memref<!tpu.dma_semaphore, #tpu.memory_space<semaphore_mem>>)
        } else {
        }
        %rem3A_123 = arith.constant 2 : i32
        %rem3A_124 = arith.remsi %while3A_116, %rem3A_123 : i32
        %eq3A_125 = arith.constant 1 : i32
        %eq3A_126 = arith.cmpi eq, %rem3A_124, %eq3A_125 : i32
        %convert_element_type3A_127 = arith.extui %eq3A_126 : i1 to i32
        %cond3A_128 = arith.constant 0 : i32
        %cond3A_129 = arith.cmpi ne, %convert_element_type3A_127, %cond3A_128 : i32
        scf.if %cond3A_129 {
          %mul3A_130 = arith.constant 32 : i32
          %mul3A_131 = arith.muli %while3A_116, %mul3A_130 : i32
          %add3A_132 = arith.addi %mul3A_2, %mul3A_131 : i32
          "tpu.region"() ({
            %run_scoped3A = tpu.sem_alloc : memref<!tpu.dma_semaphore, #tpu.memory_space<semaphore_mem>>
            %dma_start3A_143 = arith.constant 0 : i32
            %dma_start3A_144 = tpu.memref_slice %arg3[%add3A_132, %dma_start3A_143] : memref<8192x1024xf32, #tpu.memory_space<hbm>> -> memref<32x1024xf32, #tpu.memory_space<hbm>>
            %dma_start3A_145 = arith.constant 0 : i32
            %dma_start3A_146 = tpu.memref_slice %arg3[%add3A_132, %dma_start3A_145] : memref<8192x1024xf32, #tpu.memory_space<hbm>> -> memref<32x1024xf32, #tpu.memory_space<hbm>>
            tpu.enqueue_dma source(%dma_start3A_146 : memref<32x1024xf32, #tpu.memory_space<hbm>>) target(%arg8 : memref<32x1024xf32, #tpu.memory_space<vmem>>) target_semaphore(%run_scoped3A : memref<!tpu.dma_semaphore, #tpu.memory_space<semaphore_mem>>)
            %dma_wait3A_147 = arith.constant 0 : i32
            %dma_wait3A_148 = tpu.memref_slice %arg3[%add3A_132, %dma_wait3A_147] : memref<8192x1024xf32, #tpu.memory_space<hbm>> -> memref<32x1024xf32, #tpu.memory_space<hbm>>
            %dma_wait3A_149 = arith.constant 0 : i32
            %dma_wait3A_150 = tpu.memref_slice %arg3[%add3A_132, %dma_wait3A_149] : memref<8192x1024xf32, #tpu.memory_space<hbm>> -> memref<32x1024xf32, #tpu.memory_space<hbm>>
            tpu.wait_dma2 semaphore(%run_scoped3A : memref<!tpu.dma_semaphore, #tpu.memory_space<semaphore_mem>>) src(%dma_wait3A_150 : memref<32x1024xf32, #tpu.memory_space<hbm>>) dst(%arg8 : memref<32x1024xf32, #tpu.memory_space<vmem>>)
            tpu.yield
          }) : () -> ()
          %ge3A = arith.constant 1 : i32
          %ge3A_133 = arith.cmpi sge, %while3A_116, %ge3A : i32
          %convert_element_type3A_134 = arith.extui %ge3A_133 : i1 to i32
          %cond3A_135 = arith.constant 0 : i32
          %cond3A_136 = arith.cmpi ne, %convert_element_type3A_134, %cond3A_135 : i32
          scf.if %cond3A_136 {
            %add3A_143 = arith.addi %select_n3A_99, %while3A_116 : i32
            %dma_wait3A_144 = arith.constant 0 : i32
            %dma_wait3A_145 = tpu.memref_slice %arg6[%add3A_143, %dma_wait3A_144] : memref<128x32xi32, #tpu.memory_space<vmem>> -> memref<1x32xi32, #tpu.memory_space<vmem>>
            %dma_wait3A_146 = tpu.memref_squeeze %dma_wait3A_145 : memref<1x32xi32, #tpu.memory_space<vmem>> -> memref<32xi32, #tpu.memory_space<vmem>>
            %dma_wait3A_147 = arith.constant 0 : i32
            %dma_wait3A_148 = arith.constant 0 : i32
            %dma_wait3A_149 = tpu.memref_slice %arg4[%dma_wait3A_147, %dma_wait3A_148] : memref<8208x1024xf32, #tpu.memory_space<hbm>> -> memref<8208x1024xf32, #tpu.memory_space<hbm>>
            tpu.wait_indirect_dma semaphore(%arg9 : memref<!tpu.dma_semaphore, #tpu.memory_space<semaphore_mem>>) src(%arg7 : memref<32x1024xf32, #tpu.memory_space<vmem>>) dst(%dma_wait3A_149 : memref<8208x1024xf32, #tpu.memory_space<hbm>>)
          } else {
          }
          %add3A_137 = arith.addi %select_n3A_99, %while3A_116 : i32
          %dma_start3A = arith.constant 0 : i32
          %dma_start3A_138 = tpu.memref_slice %arg6[%add3A_137, %dma_start3A] : memref<128x32xi32, #tpu.memory_space<vmem>> -> memref<1x32xi32, #tpu.memory_space<vmem>>
          %dma_start3A_139 = tpu.memref_squeeze %dma_start3A_138 : memref<1x32xi32, #tpu.memory_space<vmem>> -> memref<32xi32, #tpu.memory_space<vmem>>
          %dma_start3A_140 = arith.constant 0 : i32
          %dma_start3A_141 = arith.constant 0 : i32
          %dma_start3A_142 = tpu.memref_slice %arg4[%dma_start3A_140, %dma_start3A_141] : memref<8208x1024xf32, #tpu.memory_space<hbm>> -> memref<8208x1024xf32, #tpu.memory_space<hbm>>
          tpu.enqueue_indirect_dma source(%arg8 : memref<32x1024xf32, #tpu.memory_space<vmem>>) target(%dma_start3A_142 : memref<8208x1024xf32, #tpu.memory_space<hbm>>) offsets(%dma_start3A_139 : memref<32xi32, #tpu.memory_space<vmem>>) semaphore(%arg9 : memref<!tpu.dma_semaphore, #tpu.memory_space<semaphore_mem>>)
        } else {
        }
      }
      %while3A_110 = arith.constant 1 : i32
      scf.for %while3A_116 = %while3A_108 to %while3A_104 step %while3A_110  : i32 {
        %rem3A_117 = arith.constant 2 : i32
        %rem3A_118 = arith.remsi %while3A_116, %rem3A_117 : i32
        %eq3A = arith.constant 0 : i32
        %eq3A_119 = arith.cmpi eq, %rem3A_118, %eq3A : i32
        %convert_element_type3A_120 = arith.extui %eq3A_119 : i1 to i32
        %cond3A_121 = arith.constant 0 : i32
        %cond3A_122 = arith.cmpi ne, %convert_element_type3A_120, %cond3A_121 : i32
        scf.if %cond3A_122 {
          %mul3A_130 = arith.constant 32 : i32
          %mul3A_131 = arith.muli %while3A_116, %mul3A_130 : i32
          %add3A_132 = arith.addi %mul3A_2, %mul3A_131 : i32
          "tpu.region"() ({
            %run_scoped3A = tpu.sem_alloc : memref<!tpu.dma_semaphore, #tpu.memory_space<semaphore_mem>>
            %dma_start3A_143 = arith.constant 0 : i32
            %dma_start3A_144 = tpu.memref_slice %arg3[%add3A_132, %dma_start3A_143] : memref<8192x1024xf32, #tpu.memory_space<hbm>> -> memref<32x1024xf32, #tpu.memory_space<hbm>>
            %dma_start3A_145 = arith.constant 0 : i32
            %dma_start3A_146 = tpu.memref_slice %arg3[%add3A_132, %dma_start3A_145] : memref<8192x1024xf32, #tpu.memory_space<hbm>> -> memref<32x1024xf32, #tpu.memory_space<hbm>>
            tpu.enqueue_dma source(%dma_start3A_146 : memref<32x1024xf32, #tpu.memory_space<hbm>>) target(%arg7 : memref<32x1024xf32, #tpu.memory_space<vmem>>) target_semaphore(%run_scoped3A : memref<!tpu.dma_semaphore, #tpu.memory_space<semaphore_mem>>)
            %dma_wait3A_147 = arith.constant 0 : i32
            %dma_wait3A_148 = tpu.memref_slice %arg3[%add3A_132, %dma_wait3A_147] : memref<8192x1024xf32, #tpu.memory_space<hbm>> -> memref<32x1024xf32, #tpu.memory_space<hbm>>
            %dma_wait3A_149 = arith.constant 0 : i32
            %dma_wait3A_150 = tpu.memref_slice %arg3[%add3A_132, %dma_wait3A_149] : memref<8192x1024xf32, #tpu.memory_space<hbm>> -> memref<32x1024xf32, #tpu.memory_space<hbm>>
            tpu.wait_dma2 semaphore(%run_scoped3A : memref<!tpu.dma_semaphore, #tpu.memory_space<semaphore_mem>>) src(%dma_wait3A_150 : memref<32x1024xf32, #tpu.memory_space<hbm>>) dst(%arg7 : memref<32x1024xf32, #tpu.memory_space<vmem>>)
            tpu.yield
          }) : () -> ()
          %ge3A = arith.constant 1 : i32
          %ge3A_133 = arith.cmpi sge, %while3A_116, %ge3A : i32
          %convert_element_type3A_134 = arith.extui %ge3A_133 : i1 to i32
          %cond3A_135 = arith.constant 0 : i32
          %cond3A_136 = arith.cmpi ne, %convert_element_type3A_134, %cond3A_135 : i32
          scf.if %cond3A_136 {
            %add3A_143 = arith.addi %select_n3A_99, %while3A_116 : i32
            %dma_wait3A_144 = arith.constant 0 : i32
            %dma_wait3A_145 = tpu.memref_slice %arg6[%add3A_143, %dma_wait3A_144] : memref<128x32xi32, #tpu.memory_space<vmem>> -> memref<1x32xi32, #tpu.memory_space<vmem>>
            %dma_wait3A_146 = tpu.memref_squeeze %dma_wait3A_145 : memref<1x32xi32, #tpu.memory_space<vmem>> -> memref<32xi32, #tpu.memory_space<vmem>>
            %dma_wait3A_147 = arith.constant 0 : i32
            %dma_wait3A_148 = arith.constant 0 : i32
            %dma_wait3A_149 = tpu.memref_slice %arg4[%dma_wait3A_147, %dma_wait3A_148] : memref<8208x1024xf32, #tpu.memory_space<hbm>> -> memref<8208x1024xf32, #tpu.memory_space<hbm>>
            tpu.wait_indirect_dma semaphore(%arg9 : memref<!tpu.dma_semaphore, #tpu.memory_space<semaphore_mem>>) src(%arg8 : memref<32x1024xf32, #tpu.memory_space<vmem>>) dst(%dma_wait3A_149 : memref<8208x1024xf32, #tpu.memory_space<hbm>>)
          } else {
          }
          %add3A_137 = arith.addi %select_n3A_99, %while3A_116 : i32
          %dma_start3A = arith.constant 0 : i32
          %dma_start3A_138 = tpu.memref_slice %arg6[%add3A_137, %dma_start3A] : memref<128x32xi32, #tpu.memory_space<vmem>> -> memref<1x32xi32, #tpu.memory_space<vmem>>
          %dma_start3A_139 = tpu.memref_squeeze %dma_start3A_138 : memref<1x32xi32, #tpu.memory_space<vmem>> -> memref<32xi32, #tpu.memory_space<vmem>>
          %dma_start3A_140 = arith.constant 0 : i32
          %dma_start3A_141 = arith.constant 0 : i32
          %dma_start3A_142 = tpu.memref_slice %arg4[%dma_start3A_140, %dma_start3A_141] : memref<8208x1024xf32, #tpu.memory_space<hbm>> -> memref<8208x1024xf32, #tpu.memory_space<hbm>>
          tpu.enqueue_indirect_dma source(%arg7 : memref<32x1024xf32, #tpu.memory_space<vmem>>) target(%dma_start3A_142 : memref<8208x1024xf32, #tpu.memory_space<hbm>>) offsets(%dma_start3A_139 : memref<32xi32, #tpu.memory_space<vmem>>) semaphore(%arg9 : memref<!tpu.dma_semaphore, #tpu.memory_space<semaphore_mem>>)
        } else {
        }
        %rem3A_123 = arith.constant 2 : i32
        %rem3A_124 = arith.remsi %while3A_116, %rem3A_123 : i32
        %eq3A_125 = arith.constant 1 : i32
        %eq3A_126 = arith.cmpi eq, %rem3A_124, %eq3A_125 : i32
        %convert_element_type3A_127 = arith.extui %eq3A_126 : i1 to i32
        %cond3A_128 = arith.constant 0 : i32
        %cond3A_129 = arith.cmpi ne, %convert_element_type3A_127, %cond3A_128 : i32
        scf.if %cond3A_129 {
          %mul3A_130 = arith.constant 32 : i32
          %mul3A_131 = arith.muli %while3A_116, %mul3A_130 : i32
          %add3A_132 = arith.addi %mul3A_2, %mul3A_131 : i32
          "tpu.region"() ({
            %run_scoped3A = tpu.sem_alloc : memref<!tpu.dma_semaphore, #tpu.memory_space<semaphore_mem>>
            %dma_start3A_143 = arith.constant 0 : i32
            %dma_start3A_144 = tpu.memref_slice %arg3[%add3A_132, %dma_start3A_143] : memref<8192x1024xf32, #tpu.memory_space<hbm>> -> memref<32x1024xf32, #tpu.memory_space<hbm>>
            %dma_start3A_145 = arith.constant 0 : i32
            %dma_start3A_146 = tpu.memref_slice %arg3[%add3A_132, %dma_start3A_145] : memref<8192x1024xf32, #tpu.memory_space<hbm>> -> memref<32x1024xf32, #tpu.memory_space<hbm>>
            tpu.enqueue_dma source(%dma_start3A_146 : memref<32x1024xf32, #tpu.memory_space<hbm>>) target(%arg8 : memref<32x1024xf32, #tpu.memory_space<vmem>>) target_semaphore(%run_scoped3A : memref<!tpu.dma_semaphore, #tpu.memory_space<semaphore_mem>>)
            %dma_wait3A_147 = arith.constant 0 : i32
            %dma_wait3A_148 = tpu.memref_slice %arg3[%add3A_132, %dma_wait3A_147] : memref<8192x1024xf32, #tpu.memory_space<hbm>> -> memref<32x1024xf32, #tpu.memory_space<hbm>>
            %dma_wait3A_149 = arith.constant 0 : i32
            %dma_wait3A_150 = tpu.memref_slice %arg3[%add3A_132, %dma_wait3A_149] : memref<8192x1024xf32, #tpu.memory_space<hbm>> -> memref<32x1024xf32, #tpu.memory_space<hbm>>
            tpu.wait_dma2 semaphore(%run_scoped3A : memref<!tpu.dma_semaphore, #tpu.memory_space<semaphore_mem>>) src(%dma_wait3A_150 : memref<32x1024xf32, #tpu.memory_space<hbm>>) dst(%arg8 : memref<32x1024xf32, #tpu.memory_space<vmem>>)
            tpu.yield
          }) : () -> ()
          %ge3A = arith.constant 1 : i32
          %ge3A_133 = arith.cmpi sge, %while3A_116, %ge3A : i32
          %convert_element_type3A_134 = arith.extui %ge3A_133 : i1 to i32
          %cond3A_135 = arith.constant 0 : i32
          %cond3A_136 = arith.cmpi ne, %convert_element_type3A_134, %cond3A_135 : i32
          scf.if %cond3A_136 {
            %add3A_143 = arith.addi %select_n3A_99, %while3A_116 : i32
            %dma_wait3A_144 = arith.constant 0 : i32
            %dma_wait3A_145 = tpu.memref_slice %arg6[%add3A_143, %dma_wait3A_144] : memref<128x32xi32, #tpu.memory_space<vmem>> -> memref<1x32xi32, #tpu.memory_space<vmem>>
            %dma_wait3A_146 = tpu.memref_squeeze %dma_wait3A_145 : memref<1x32xi32, #tpu.memory_space<vmem>> -> memref<32xi32, #tpu.memory_space<vmem>>
            %dma_wait3A_147 = arith.constant 0 : i32
            %dma_wait3A_148 = arith.constant 0 : i32
            %dma_wait3A_149 = tpu.memref_slice %arg4[%dma_wait3A_147, %dma_wait3A_148] : memref<8208x1024xf32, #tpu.memory_space<hbm>> -> memref<8208x1024xf32, #tpu.memory_space<hbm>>
            tpu.wait_indirect_dma semaphore(%arg9 : memref<!tpu.dma_semaphore, #tpu.memory_space<semaphore_mem>>) src(%arg7 : memref<32x1024xf32, #tpu.memory_space<vmem>>) dst(%dma_wait3A_149 : memref<8208x1024xf32, #tpu.memory_space<hbm>>)
          } else {
          }
          %add3A_137 = arith.addi %select_n3A_99, %while3A_116 : i32
          %dma_start3A = arith.constant 0 : i32
          %dma_start3A_138 = tpu.memref_slice %arg6[%add3A_137, %dma_start3A] : memref<128x32xi32, #tpu.memory_space<vmem>> -> memref<1x32xi32, #tpu.memory_space<vmem>>
          %dma_start3A_139 = tpu.memref_squeeze %dma_start3A_138 : memref<1x32xi32, #tpu.memory_space<vmem>> -> memref<32xi32, #tpu.memory_space<vmem>>
          %dma_start3A_140 = arith.constant 0 : i32
          %dma_start3A_141 = arith.constant 0 : i32
          %dma_start3A_142 = tpu.memref_slice %arg4[%dma_start3A_140, %dma_start3A_141] : memref<8208x1024xf32, #tpu.memory_space<hbm>> -> memref<8208x1024xf32, #tpu.memory_space<hbm>>
          tpu.enqueue_indirect_dma source(%arg8 : memref<32x1024xf32, #tpu.memory_space<vmem>>) target(%dma_start3A_142 : memref<8208x1024xf32, #tpu.memory_space<hbm>>) offsets(%dma_start3A_139 : memref<32xi32, #tpu.memory_space<vmem>>) semaphore(%arg9 : memref<!tpu.dma_semaphore, #tpu.memory_space<semaphore_mem>>)
        } else {
        }
      }
      %dma_wait3A = arith.constant 0 : i32
      %dma_wait3A_111 = tpu.memref_slice %arg6[%select_n3A_99, %dma_wait3A] : memref<128x32xi32, #tpu.memory_space<vmem>> -> memref<1x32xi32, #tpu.memory_space<vmem>>
      %dma_wait3A_112 = tpu.memref_squeeze %dma_wait3A_111 : memref<1x32xi32, #tpu.memory_space<vmem>> -> memref<32xi32, #tpu.memory_space<vmem>>
      %dma_wait3A_113 = arith.constant 0 : i32
      %dma_wait3A_114 = arith.constant 0 : i32
      %dma_wait3A_115 = tpu.memref_slice %arg4[%dma_wait3A_113, %dma_wait3A_114] : memref<8208x1024xf32, #tpu.memory_space<hbm>> -> memref<8208x1024xf32, #tpu.memory_space<hbm>>
      tpu.wait_indirect_dma semaphore(%arg9 : memref<!tpu.dma_semaphore, #tpu.memory_space<semaphore_mem>>) src(%arg7 : memref<32x1024xf32, #tpu.memory_space<vmem>>) dst(%dma_wait3A_115 : memref<8208x1024xf32, #tpu.memory_space<hbm>>)
    } else {
    }
    return
  }
}

#map = affine_map<(d0, d1) -> (0)>
#map1 = affine_map<(d0, d1) -> (0, 0)>
module attributes {stable_mosaic.version = 14 : i64} {
  func.func @_scgather_body(%arg0: i32, %arg1: i32, %arg2: memref<8192xi32, #tpu.memory_space<hbm>>, %arg3: memref<8192x256xbf16, #tpu.memory_space<hbm>>, %arg4: memref<8192x256xbf16, #tpu.memory_space<hbm>>, %arg5: memref<8192x1024xf32, #tpu.memory_space<hbm>>, %arg6: memref<8192x256xbf16, #tpu.memory_space<hbm>>, %arg7: memref<8192x256xbf16, #tpu.memory_space<hbm>>, %arg8: memref<8192x1024xf32, #tpu.memory_space<hbm>>, %arg9: memref<4096xi32, #tpu.memory_space<vmem>>, %arg10: memref<128x32xi32, #tpu.memory_space<vmem>>, %arg11: memref<32x256xbf16, #tpu.memory_space<vmem>>, %arg12: memref<32x256xbf16, #tpu.memory_space<vmem>>, %arg13: memref<32x256xbf16, #tpu.memory_space<vmem>>, %arg14: memref<32x256xbf16, #tpu.memory_space<vmem>>, %arg15: memref<32x1024xf32, #tpu.memory_space<vmem>>, %arg16: memref<32x1024xf32, #tpu.memory_space<vmem>>, %arg17: memref<!tpu.dma_semaphore, #tpu.memory_space<semaphore_mem>>) attributes {dimension_semantics = [#tpu.dimension_semantics<core_parallel>, #tpu.dimension_semantics<subcore_parallel>], iteration_bounds = array<i64: 2, 16>, scalar_prefetch = 0 : i64, scratch_operands = 9 : i64, tpu.core_type = #tpu.core_type<sc_vector_subcore>, window_params = [{transform_indices = #map}, {transform_indices = #map1}, {transform_indices = #map1}, {transform_indices = #map1}, {transform_indices = #map1}, {transform_indices = #map1}, {transform_indices = #map1}]} {
    %ge3A = arith.constant 8 : i32
    %ge3A_0 = arith.cmpi sge, %arg1, %ge3A : i32
    %lt3A = arith.constant 12 : i32
    %lt3A_1 = arith.cmpi slt, %arg1, %lt3A : i32
    %and3A = arith.andi %ge3A_0, %lt3A_1 : i1
    %convert_element_type3A = arith.extui %and3A : i1 to i32
    %cond3A = arith.constant 0 : i32
    %cond3A_2 = arith.cmpi ne, %convert_element_type3A, %cond3A : i32
    scf.if %cond3A_2 {
      %sub3A = arith.constant 8 : i32
      %sub3A_19 = arith.subi %arg1, %sub3A : i32
      %mul3A = arith.constant 2 : i32
      %mul3A_20 = arith.muli %sub3A_19, %mul3A : i32
      %add3A = arith.addi %mul3A_20, %arg0 : i32
      %mul3A_21 = arith.constant 1024 : i32
      %mul3A_22 = arith.muli %add3A, %mul3A_21 : i32
      %jit3A = arith.constant 4096 : i32
      %div3A = arith.divsi %mul3A_22, %jit3A : i32
      %sign3A = arith.constant 0 : i32
      %sign3A_23 = arith.cmpi sgt, %mul3A_22, %sign3A : i32
      %sign3A_24 = arith.extui %sign3A_23 : i1 to i32
      %sign3A_25 = arith.constant 0 : i32
      %sign3A_26 = arith.cmpi slt, %mul3A_22, %sign3A_25 : i32
      %sign3A_27 = arith.extui %sign3A_26 : i1 to i32
      %sign3A_28 = arith.subi %sign3A_24, %sign3A_27 : i32
      %sign3A_29 = arith.constant 0 : i32
      %sign3A_30 = arith.cmpi sgt, %jit3A, %sign3A_29 : i32
      %sign3A_31 = arith.extui %sign3A_30 : i1 to i32
      %sign3A_32 = arith.constant 0 : i32
      %sign3A_33 = arith.cmpi slt, %jit3A, %sign3A_32 : i32
      %sign3A_34 = arith.extui %sign3A_33 : i1 to i32
      %sign3A_35 = arith.subi %sign3A_31, %sign3A_34 : i32
      %ne3A = arith.cmpi ne, %sign3A_28, %sign3A_35 : i32
      %rem3A = arith.remsi %mul3A_22, %jit3A : i32
      %ne3A_36 = arith.constant 0 : i32
      %ne3A_37 = arith.cmpi ne, %rem3A, %ne3A_36 : i32
      %and3A_38 = arith.andi %ne3A, %ne3A_37 : i1
      %sub3A_39 = arith.constant 1 : i32
      %sub3A_40 = arith.subi %div3A, %sub3A_39 : i32
      %select_n3A = arith.select %and3A_38, %sub3A_40, %div3A : i32
      %mul3A_41 = arith.constant 4096 : i32
      %mul3A_42 = arith.muli %select_n3A, %mul3A_41 : i32
      %sub3A_43 = arith.subi %mul3A_22, %mul3A_42 : i32
      %mul3A_44 = arith.constant 4096 : i32
      %mul3A_45 = arith.muli %select_n3A, %mul3A_44 : i32
      "tpu.region"() ({
        %run_scoped3A = tpu.sem_alloc : memref<!tpu.dma_semaphore, #tpu.memory_space<semaphore_mem>>
        %dma_start3A = tpu.memref_slice %arg2[%mul3A_45] : memref<8192xi32, #tpu.memory_space<hbm>> -> memref<4096xi32, #tpu.memory_space<hbm>>
        %dma_start3A_156 = tpu.memref_slice %arg2[%mul3A_45] : memref<8192xi32, #tpu.memory_space<hbm>> -> memref<4096xi32, #tpu.memory_space<hbm>>
        tpu.enqueue_dma source(%dma_start3A_156 : memref<4096xi32, #tpu.memory_space<hbm>>) target(%arg9 : memref<4096xi32, #tpu.memory_space<vmem>>) target_semaphore(%run_scoped3A : memref<!tpu.dma_semaphore, #tpu.memory_space<semaphore_mem>>)
        %dma_wait3A = tpu.memref_slice %arg2[%mul3A_45] : memref<8192xi32, #tpu.memory_space<hbm>> -> memref<4096xi32, #tpu.memory_space<hbm>>
        %dma_wait3A_157 = tpu.memref_slice %arg2[%mul3A_45] : memref<8192xi32, #tpu.memory_space<hbm>> -> memref<4096xi32, #tpu.memory_space<hbm>>
        tpu.wait_dma2 semaphore(%run_scoped3A : memref<!tpu.dma_semaphore, #tpu.memory_space<semaphore_mem>>) src(%dma_wait3A_157 : memref<4096xi32, #tpu.memory_space<hbm>>) dst(%arg9 : memref<4096xi32, #tpu.memory_space<vmem>>)
        tpu.yield
      }) : () -> ()
      %scan3A = arith.constant 0 : i32
      %scan3A_46 = arith.constant 0 : i32
      %scan3A_47 = arith.constant 128 : i32
      %scan3A_48 = arith.addi %scan3A_46, %scan3A_47 : i32
      %scan3A_49 = arith.constant 1 : i32
      scf.for %scan3A_156 = %scan3A_46 to %scan3A_48 step %scan3A_49  : i32 {
        %broadcast_in_dim3A_157 = arith.constant 0 : i32
        %broadcast_in_dim3A_158 = vector.broadcast %broadcast_in_dim3A_157 : i32 to vector<16xi32>
        %swap3A = arith.index_cast %scan3A_156 : i32 to index
        %swap3A_159 = arith.constant 0 : index
        %swap3A_160 = tpu.vector_load %arg10[%swap3A, %swap3A_159] {strides = array<i32>} : memref<128x32xi32, #tpu.memory_space<vmem>>, vector<16xi32>,
        tpu.vector_store %arg10[%swap3A, %swap3A_159], %broadcast_in_dim3A_158 {strides = array<i32>} : memref<128x32xi32, #tpu.memory_space<vmem>>, vector<16xi32>,
        %broadcast_in_dim3A_161 = arith.constant 0 : i32
        %broadcast_in_dim3A_162 = vector.broadcast %broadcast_in_dim3A_161 : i32 to vector<16xi32>
        %swap3A_163 = arith.index_cast %scan3A_156 : i32 to index
        %swap3A_164 = arith.constant 16 : index
        %swap3A_165 = tpu.vector_load %arg10[%swap3A_163, %swap3A_164] {strides = array<i32>} : memref<128x32xi32, #tpu.memory_space<vmem>>, vector<16xi32>,
        tpu.vector_store %arg10[%swap3A_163, %swap3A_164], %broadcast_in_dim3A_162 {strides = array<i32>} : memref<128x32xi32, #tpu.memory_space<vmem>>, vector<16xi32>,
      }
      %scan3A_50 = arith.constant 128 : i32
      %mul3A_51 = arith.constant 4096 : i32
      %mul3A_52 = arith.muli %select_n3A, %mul3A_51 : i32
      %broadcast_in_dim3A = arith.constant 0 : i32
      %broadcast_in_dim3A_53 = vector.broadcast %broadcast_in_dim3A : i32 to vector<16xi32>
      %scan3A_54 = arith.constant 0 : i32
      %scan3A_55 = arith.constant 256 : i32
      %scan3A_56 = arith.addi %scan3A_54, %scan3A_55 : i32
      %scan3A_57 = arith.constant 1 : i32
      %scan3A_58 = scf.for %scan3A_156 = %scan3A_54 to %scan3A_56 step %scan3A_57 iter_args(%scan3A_157 = %broadcast_in_dim3A_53) -> (vector<16xi32>)  : i32 {
        %mul3A_158 = arith.constant 16 : i32
        %mul3A_159 = arith.muli %scan3A_156, %mul3A_158 : i32
        %get3A = arith.index_cast %mul3A_159 : i32 to index
        %get3A_160 = tpu.vector_load %arg9[%get3A] {strides = array<i32>} : memref<4096xi32, #tpu.memory_space<vmem>>, vector<16xi32>,
        %sub3A_161 = arith.constant 1 : i32
        %sub3A_162 = vector.broadcast %sub3A_161 : i32 to vector<16xi32>
        %sub3A_163 = arith.subi %get3A_160, %sub3A_162 : vector<16xi32>
        %max3A_164 = arith.constant 0 : i32
        %max3A_165 = vector.broadcast %max3A_164 : i32 to vector<16xi32>
        %max3A_166 = arith.maxsi %sub3A_163, %max3A_165 : vector<16xi32>
        %iota3A = tpu.iota {dimensions = array<i32: 0>} : vector<16xi32>
        %mul3A_167 = arith.constant 16 : i32
        %mul3A_168 = arith.muli %scan3A_156, %mul3A_167 : i32
        %add3A_169 = arith.addi %mul3A_168, %mul3A_52 : i32
        %add3A_170 = vector.broadcast %add3A_169 : i32 to vector<16xi32>
        %add3A_171 = arith.addi %iota3A, %add3A_170 : vector<16xi32>
        %shift_right_logical3A = arith.constant 5 : i32
        %shift_right_logical3A_172 = vector.broadcast %shift_right_logical3A : i32 to vector<16xi32>
        %shift_right_logical3A_173 = arith.shrui %max3A_166, %shift_right_logical3A_172 : vector<16xi32>
        %and3A_174 = arith.constant 31 : i32
        %and3A_175 = vector.broadcast %and3A_174 : i32 to vector<16xi32>
        %and3A_176 = arith.andi %max3A_166, %and3A_175 : vector<16xi32>
        %gt3A_177 = arith.constant 0 : i32
        %gt3A_178 = vector.broadcast %gt3A_177 : i32 to vector<16xi32>
        %gt3A_179 = arith.cmpi sgt, %get3A_160, %gt3A_178 : vector<16xi32>
        tpu.vector_store_idx %arg10[%shift_right_logical3A_173, %and3A_176], %add3A_171 masked %gt3A_179 : memref<128x32xi32, #tpu.memory_space<vmem>>[vector<16xi32>, vector<16xi32>], vector<16xi32>, vector<16xi1>
        %max3A_180 = arith.maxsi %scan3A_157, %get3A_160 : vector<16xi32>
        scf.yield %max3A_180 : vector<16xi32>
      }
      %scan3A_59 = arith.constant 256 : i32
      %reduce_max3A = arith.constant true
      %reduce_max3A_60 = vector.broadcast %reduce_max3A : i1 to vector<16xi1>
      %reduce_max3A_61 = arith.constant -2147483648 : i32
      %reduce_max3A_62 = vector.broadcast %reduce_max3A_61 : i32 to vector<16xi32>
      %reduce_max3A_63 = arith.xori %scan3A_58, %reduce_max3A_62 : vector<16xi32>
      %reduce_max3A_64 = tpu.scan <max>, %reduce_max3A_63 masked %reduce_max3A_60 : vector<16xi32>, vector<16xi1> -> vector<16xi32>
      %reduce_max3A_65 = arith.xori %reduce_max3A_64, %reduce_max3A_62 : vector<16xi32>
      %reduce_max3A_66 = vector.extract %reduce_max3A_65[15] : i32 from vector<16xi32>
      %add3A_67 = arith.constant 128 : i32
      %add3A_68 = arith.addi %reduce_max3A_66, %add3A_67 : i32
      %sub3A_69 = arith.constant 1 : i32
      %sub3A_70 = arith.subi %add3A_68, %sub3A_69 : i32
      %jit3A_71 = arith.constant 128 : i32
      %div3A_72 = arith.divsi %sub3A_70, %jit3A_71 : i32
      %sign3A_73 = arith.constant 0 : i32
      %sign3A_74 = arith.cmpi sgt, %sub3A_70, %sign3A_73 : i32
      %sign3A_75 = arith.extui %sign3A_74 : i1 to i32
      %sign3A_76 = arith.constant 0 : i32
      %sign3A_77 = arith.cmpi slt, %sub3A_70, %sign3A_76 : i32
      %sign3A_78 = arith.extui %sign3A_77 : i1 to i32
      %sign3A_79 = arith.subi %sign3A_75, %sign3A_78 : i32
      %sign3A_80 = arith.constant 0 : i32
      %sign3A_81 = arith.cmpi sgt, %jit3A_71, %sign3A_80 : i32
      %sign3A_82 = arith.extui %sign3A_81 : i1 to i32
      %sign3A_83 = arith.constant 0 : i32
      %sign3A_84 = arith.cmpi slt, %jit3A_71, %sign3A_83 : i32
      %sign3A_85 = arith.extui %sign3A_84 : i1 to i32
      %sign3A_86 = arith.subi %sign3A_82, %sign3A_85 : i32
      %ne3A_87 = arith.cmpi ne, %sign3A_79, %sign3A_86 : i32
      %rem3A_88 = arith.remsi %sub3A_70, %jit3A_71 : i32
      %ne3A_89 = arith.constant 0 : i32
      %ne3A_90 = arith.cmpi ne, %rem3A_88, %ne3A_89 : i32
      %and3A_91 = arith.andi %ne3A_87, %ne3A_90 : i1
      %sub3A_92 = arith.constant 1 : i32
      %sub3A_93 = arith.subi %div3A_72, %sub3A_92 : i32
      %select_n3A_94 = arith.select %and3A_91, %sub3A_93, %div3A_72 : i32
      %mul3A_95 = arith.constant 128 : i32
      %mul3A_96 = arith.muli %select_n3A_94, %mul3A_95 : i32
      %sub3A_97 = arith.subi %mul3A_96, %sub3A_43 : i32
      %add3A_98 = arith.constant 32 : i32
      %add3A_99 = arith.addi %sub3A_97, %add3A_98 : i32
      %sub3A_100 = arith.constant 1 : i32
      %sub3A_101 = arith.subi %add3A_99, %sub3A_100 : i32
      %jit3A_102 = arith.constant 32 : i32
      %div3A_103 = arith.divsi %sub3A_101, %jit3A_102 : i32
      %sign3A_104 = arith.constant 0 : i32
      %sign3A_105 = arith.cmpi sgt, %sub3A_101, %sign3A_104 : i32
      %sign3A_106 = arith.extui %sign3A_105 : i1 to i32
      %sign3A_107 = arith.constant 0 : i32
      %sign3A_108 = arith.cmpi slt, %sub3A_101, %sign3A_107 : i32
      %sign3A_109 = arith.extui %sign3A_108 : i1 to i32
      %sign3A_110 = arith.subi %sign3A_106, %sign3A_109 : i32
      %sign3A_111 = arith.constant 0 : i32
      %sign3A_112 = arith.cmpi sgt, %jit3A_102, %sign3A_111 : i32
      %sign3A_113 = arith.extui %sign3A_112 : i1 to i32
      %sign3A_114 = arith.constant 0 : i32
      %sign3A_115 = arith.cmpi slt, %jit3A_102, %sign3A_114 : i32
      %sign3A_116 = arith.extui %sign3A_115 : i1 to i32
      %sign3A_117 = arith.subi %sign3A_113, %sign3A_116 : i32
      %ne3A_118 = arith.cmpi ne, %sign3A_110, %sign3A_117 : i32
      %rem3A_119 = arith.remsi %sub3A_101, %jit3A_102 : i32
      %ne3A_120 = arith.constant 0 : i32
      %ne3A_121 = arith.cmpi ne, %rem3A_119, %ne3A_120 : i32
      %and3A_122 = arith.andi %ne3A_118, %ne3A_121 : i1
      %sub3A_123 = arith.constant 1 : i32
      %sub3A_124 = arith.subi %div3A_103, %sub3A_123 : i32
      %select_n3A_125 = arith.select %and3A_122, %sub3A_124, %div3A_103 : i32
      %jit3A_126 = arith.constant 0 : i32
      %jit3A_127 = arith.constant 32 : i32
      %max3A = arith.maxsi %jit3A_126, %select_n3A_125 : i32
      %min3A = arith.minsi %jit3A_127, %max3A : i32
      %jit3A_128 = arith.constant 32 : i32
      %div3A_129 = arith.divsi %sub3A_43, %jit3A_128 : i32
      %sign3A_130 = arith.constant 0 : i32
      %sign3A_131 = arith.cmpi sgt, %sub3A_43, %sign3A_130 : i32
      %sign3A_132 = arith.extui %sign3A_131 : i1 to i32
      %sign3A_133 = arith.constant 0 : i32
      %sign3A_134 = arith.cmpi slt, %sub3A_43, %sign3A_133 : i32
      %sign3A_135 = arith.extui %sign3A_134 : i1 to i32
      %sign3A_136 = arith.subi %sign3A_132, %sign3A_135 : i32
      %sign3A_137 = arith.constant 0 : i32
      %sign3A_138 = arith.cmpi sgt, %jit3A_128, %sign3A_137 : i32
      %sign3A_139 = arith.extui %sign3A_138 : i1 to i32
      %sign3A_140 = arith.constant 0 : i32
      %sign3A_141 = arith.cmpi slt, %jit3A_128, %sign3A_140 : i32
      %sign3A_142 = arith.extui %sign3A_141 : i1 to i32
      %sign3A_143 = arith.subi %sign3A_139, %sign3A_142 : i32
      %ne3A_144 = arith.cmpi ne, %sign3A_136, %sign3A_143 : i32
      %rem3A_145 = arith.remsi %sub3A_43, %jit3A_128 : i32
      %ne3A_146 = arith.constant 0 : i32
      %ne3A_147 = arith.cmpi ne, %rem3A_145, %ne3A_146 : i32
      %and3A_148 = arith.andi %ne3A_144, %ne3A_147 : i1
      %sub3A_149 = arith.constant 1 : i32
      %sub3A_150 = arith.subi %div3A_129, %sub3A_149 : i32
      %select_n3A_151 = arith.select %and3A_148, %sub3A_150, %div3A_129 : i32
      %gt3A = arith.constant 0 : i32
      %gt3A_152 = arith.cmpi sgt, %min3A, %gt3A : i32
      %convert_element_type3A_153 = arith.extui %gt3A_152 : i1 to i32
      %cond3A_154 = arith.constant 0 : i32
      %cond3A_155 = arith.cmpi ne, %convert_element_type3A_153, %cond3A_154 : i32
      scf.if %cond3A_155 {
        %dma_start3A = arith.constant 0 : i32
        %dma_start3A_156 = tpu.memref_slice %arg10[%select_n3A_151, %dma_start3A] : memref<128x32xi32, #tpu.memory_space<vmem>> -> memref<1x32xi32, #tpu.memory_space<vmem>>
        %dma_start3A_157 = tpu.memref_squeeze %dma_start3A_156 : memref<1x32xi32, #tpu.memory_space<vmem>> -> memref<32xi32, #tpu.memory_space<vmem>>
        %dma_start3A_158 = arith.constant 0 : i32
        %dma_start3A_159 = arith.constant 0 : i32
        %dma_start3A_160 = tpu.memref_slice %arg3[%dma_start3A_158, %dma_start3A_159] : memref<8192x256xbf16, #tpu.memory_space<hbm>> -> memref<8192x256xbf16, #tpu.memory_space<hbm>>
        tpu.enqueue_indirect_dma source(%dma_start3A_160 : memref<8192x256xbf16, #tpu.memory_space<hbm>>) target(%arg11 : memref<32x256xbf16, #tpu.memory_space<vmem>>) offsets(%dma_start3A_157 : memref<32xi32, #tpu.memory_space<vmem>>) semaphore(%arg17 : memref<!tpu.dma_semaphore, #tpu.memory_space<semaphore_mem>>)
        %while3A = arith.constant 0 : i32
        %while3A_161 = arith.constant 0 : i32
        %while3A_162 = arith.subi %min3A, %while3A_161 : i32
        %while3A_163 = arith.addi %while3A_161, %while3A_162 : i32
        %while3A_164 = arith.constant 1 : i32
        %while3A_165 = arith.divsi %while3A_162, %while3A_164 : i32
        %while3A_166 = arith.muli %while3A_165, %while3A_164 : i32
        %while3A_167 = arith.addi %while3A_161, %while3A_166 : i32
        %while3A_168 = arith.constant 1 : i32
        scf.for %while3A_170 = %while3A_161 to %while3A_167 step %while3A_168  : i32 {
          %rem3A_171 = arith.constant 2 : i32
          %rem3A_172 = arith.remsi %while3A_170, %rem3A_171 : i32
          %eq3A = arith.constant 0 : i32
          %eq3A_173 = arith.cmpi eq, %rem3A_172, %eq3A : i32
          %convert_element_type3A_174 = arith.extui %eq3A_173 : i1 to i32
          %cond3A_175 = arith.constant 0 : i32
          %cond3A_176 = arith.cmpi ne, %convert_element_type3A_174, %cond3A_175 : i32
          scf.if %cond3A_176 {
            %add3A_184 = arith.constant 1 : i32
            %add3A_185 = arith.addi %while3A_170, %add3A_184 : i32
            %lt3A_186 = arith.cmpi slt, %add3A_185, %min3A : i32
            %convert_element_type3A_187 = arith.extui %lt3A_186 : i1 to i32
            %cond3A_188 = arith.constant 0 : i32
            %cond3A_189 = arith.cmpi ne, %convert_element_type3A_187, %cond3A_188 : i32
            scf.if %cond3A_189 {
              %add3A_199 = arith.addi %select_n3A_151, %while3A_170 : i32
              %add3A_200 = arith.constant 1 : i32
              %add3A_201 = arith.addi %add3A_199, %add3A_200 : i32
              %dma_start3A_202 = arith.constant 0 : i32
              %dma_start3A_203 = tpu.memref_slice %arg10[%add3A_201, %dma_start3A_202] : memref<128x32xi32, #tpu.memory_space<vmem>> -> memref<1x32xi32, #tpu.memory_space<vmem>>
              %dma_start3A_204 = tpu.memref_squeeze %dma_start3A_203 : memref<1x32xi32, #tpu.memory_space<vmem>> -> memref<32xi32, #tpu.memory_space<vmem>>
              %dma_start3A_205 = arith.constant 0 : i32
              %dma_start3A_206 = arith.constant 0 : i32
              %dma_start3A_207 = tpu.memref_slice %arg3[%dma_start3A_205, %dma_start3A_206] : memref<8192x256xbf16, #tpu.memory_space<hbm>> -> memref<8192x256xbf16, #tpu.memory_space<hbm>>
              tpu.enqueue_indirect_dma source(%dma_start3A_207 : memref<8192x256xbf16, #tpu.memory_space<hbm>>) target(%arg12 : memref<32x256xbf16, #tpu.memory_space<vmem>>) offsets(%dma_start3A_204 : memref<32xi32, #tpu.memory_space<vmem>>) semaphore(%arg17 : memref<!tpu.dma_semaphore, #tpu.memory_space<semaphore_mem>>)
            } else {
            }
            %add3A_190 = arith.addi %select_n3A_151, %while3A_170 : i32
            %dma_wait3A = arith.constant 0 : i32
            %dma_wait3A_191 = tpu.memref_slice %arg10[%add3A_190, %dma_wait3A] : memref<128x32xi32, #tpu.memory_space<vmem>> -> memref<1x32xi32, #tpu.memory_space<vmem>>
            %dma_wait3A_192 = tpu.memref_squeeze %dma_wait3A_191 : memref<1x32xi32, #tpu.memory_space<vmem>> -> memref<32xi32, #tpu.memory_space<vmem>>
            %dma_wait3A_193 = arith.constant 0 : i32
            %dma_wait3A_194 = arith.constant 0 : i32
            %dma_wait3A_195 = tpu.memref_slice %arg3[%dma_wait3A_193, %dma_wait3A_194] : memref<8192x256xbf16, #tpu.memory_space<hbm>> -> memref<8192x256xbf16, #tpu.memory_space<hbm>>
            tpu.wait_indirect_dma semaphore(%arg17 : memref<!tpu.dma_semaphore, #tpu.memory_space<semaphore_mem>>) src(%dma_wait3A_195 : memref<8192x256xbf16, #tpu.memory_space<hbm>>) dst(%arg11 : memref<32x256xbf16, #tpu.memory_space<vmem>>)
            %mul3A_196 = arith.constant 32 : i32
            %mul3A_197 = arith.muli %while3A_170, %mul3A_196 : i32
            %add3A_198 = arith.addi %mul3A_22, %mul3A_197 : i32
            "tpu.region"() ({
              %run_scoped3A = tpu.sem_alloc : memref<!tpu.dma_semaphore, #tpu.memory_space<semaphore_mem>>
              %dma_start3A_199 = arith.constant 0 : i32
              %dma_start3A_200 = tpu.memref_slice %arg6[%add3A_198, %dma_start3A_199] : memref<8192x256xbf16, #tpu.memory_space<hbm>> -> memref<32x256xbf16, #tpu.memory_space<hbm>>
              %dma_start3A_201 = arith.constant 0 : i32
              %dma_start3A_202 = tpu.memref_slice %arg6[%add3A_198, %dma_start3A_201] : memref<8192x256xbf16, #tpu.memory_space<hbm>> -> memref<32x256xbf16, #tpu.memory_space<hbm>>
              tpu.enqueue_dma source(%arg11 : memref<32x256xbf16, #tpu.memory_space<vmem>>) target(%dma_start3A_202 : memref<32x256xbf16, #tpu.memory_space<hbm>>) target_semaphore(%run_scoped3A : memref<!tpu.dma_semaphore, #tpu.memory_space<semaphore_mem>>)
              %dma_wait3A_203 = arith.constant 0 : i32
              %dma_wait3A_204 = tpu.memref_slice %arg6[%add3A_198, %dma_wait3A_203] : memref<8192x256xbf16, #tpu.memory_space<hbm>> -> memref<32x256xbf16, #tpu.memory_space<hbm>>
              %dma_wait3A_205 = arith.constant 0 : i32
              %dma_wait3A_206 = tpu.memref_slice %arg6[%add3A_198, %dma_wait3A_205] : memref<8192x256xbf16, #tpu.memory_space<hbm>> -> memref<32x256xbf16, #tpu.memory_space<hbm>>
              tpu.wait_dma2 semaphore(%run_scoped3A : memref<!tpu.dma_semaphore, #tpu.memory_space<semaphore_mem>>) src(%arg11 : memref<32x256xbf16, #tpu.memory_space<vmem>>) dst(%dma_wait3A_206 : memref<32x256xbf16, #tpu.memory_space<hbm>>)
              tpu.yield
            }) : () -> ()
          } else {
          }
          %rem3A_177 = arith.constant 2 : i32
          %rem3A_178 = arith.remsi %while3A_170, %rem3A_177 : i32
          %eq3A_179 = arith.constant 1 : i32
          %eq3A_180 = arith.cmpi eq, %rem3A_178, %eq3A_179 : i32
          %convert_element_type3A_181 = arith.extui %eq3A_180 : i1 to i32
          %cond3A_182 = arith.constant 0 : i32
          %cond3A_183 = arith.cmpi ne, %convert_element_type3A_181, %cond3A_182 : i32
          scf.if %cond3A_183 {
            %add3A_184 = arith.constant 1 : i32
            %add3A_185 = arith.addi %while3A_170, %add3A_184 : i32
            %lt3A_186 = arith.cmpi slt, %add3A_185, %min3A : i32
            %convert_element_type3A_187 = arith.extui %lt3A_186 : i1 to i32
            %cond3A_188 = arith.constant 0 : i32
            %cond3A_189 = arith.cmpi ne, %convert_element_type3A_187, %cond3A_188 : i32
            scf.if %cond3A_189 {
              %add3A_199 = arith.addi %select_n3A_151, %while3A_170 : i32
              %add3A_200 = arith.constant 1 : i32
              %add3A_201 = arith.addi %add3A_199, %add3A_200 : i32
              %dma_start3A_202 = arith.constant 0 : i32
              %dma_start3A_203 = tpu.memref_slice %arg10[%add3A_201, %dma_start3A_202] : memref<128x32xi32, #tpu.memory_space<vmem>> -> memref<1x32xi32, #tpu.memory_space<vmem>>
              %dma_start3A_204 = tpu.memref_squeeze %dma_start3A_203 : memref<1x32xi32, #tpu.memory_space<vmem>> -> memref<32xi32, #tpu.memory_space<vmem>>
              %dma_start3A_205 = arith.constant 0 : i32
              %dma_start3A_206 = arith.constant 0 : i32
              %dma_start3A_207 = tpu.memref_slice %arg3[%dma_start3A_205, %dma_start3A_206] : memref<8192x256xbf16, #tpu.memory_space<hbm>> -> memref<8192x256xbf16, #tpu.memory_space<hbm>>
              tpu.enqueue_indirect_dma source(%dma_start3A_207 : memref<8192x256xbf16, #tpu.memory_space<hbm>>) target(%arg11 : memref<32x256xbf16, #tpu.memory_space<vmem>>) offsets(%dma_start3A_204 : memref<32xi32, #tpu.memory_space<vmem>>) semaphore(%arg17 : memref<!tpu.dma_semaphore, #tpu.memory_space<semaphore_mem>>)
            } else {
            }
            %add3A_190 = arith.addi %select_n3A_151, %while3A_170 : i32
            %dma_wait3A = arith.constant 0 : i32
            %dma_wait3A_191 = tpu.memref_slice %arg10[%add3A_190, %dma_wait3A] : memref<128x32xi32, #tpu.memory_space<vmem>> -> memref<1x32xi32, #tpu.memory_space<vmem>>
            %dma_wait3A_192 = tpu.memref_squeeze %dma_wait3A_191 : memref<1x32xi32, #tpu.memory_space<vmem>> -> memref<32xi32, #tpu.memory_space<vmem>>
            %dma_wait3A_193 = arith.constant 0 : i32
            %dma_wait3A_194 = arith.constant 0 : i32
            %dma_wait3A_195 = tpu.memref_slice %arg3[%dma_wait3A_193, %dma_wait3A_194] : memref<8192x256xbf16, #tpu.memory_space<hbm>> -> memref<8192x256xbf16, #tpu.memory_space<hbm>>
            tpu.wait_indirect_dma semaphore(%arg17 : memref<!tpu.dma_semaphore, #tpu.memory_space<semaphore_mem>>) src(%dma_wait3A_195 : memref<8192x256xbf16, #tpu.memory_space<hbm>>) dst(%arg12 : memref<32x256xbf16, #tpu.memory_space<vmem>>)
            %mul3A_196 = arith.constant 32 : i32
            %mul3A_197 = arith.muli %while3A_170, %mul3A_196 : i32
            %add3A_198 = arith.addi %mul3A_22, %mul3A_197 : i32
            "tpu.region"() ({
              %run_scoped3A = tpu.sem_alloc : memref<!tpu.dma_semaphore, #tpu.memory_space<semaphore_mem>>
              %dma_start3A_199 = arith.constant 0 : i32
              %dma_start3A_200 = tpu.memref_slice %arg6[%add3A_198, %dma_start3A_199] : memref<8192x256xbf16, #tpu.memory_space<hbm>> -> memref<32x256xbf16, #tpu.memory_space<hbm>>
              %dma_start3A_201 = arith.constant 0 : i32
              %dma_start3A_202 = tpu.memref_slice %arg6[%add3A_198, %dma_start3A_201] : memref<8192x256xbf16, #tpu.memory_space<hbm>> -> memref<32x256xbf16, #tpu.memory_space<hbm>>
              tpu.enqueue_dma source(%arg12 : memref<32x256xbf16, #tpu.memory_space<vmem>>) target(%dma_start3A_202 : memref<32x256xbf16, #tpu.memory_space<hbm>>) target_semaphore(%run_scoped3A : memref<!tpu.dma_semaphore, #tpu.memory_space<semaphore_mem>>)
              %dma_wait3A_203 = arith.constant 0 : i32
              %dma_wait3A_204 = tpu.memref_slice %arg6[%add3A_198, %dma_wait3A_203] : memref<8192x256xbf16, #tpu.memory_space<hbm>> -> memref<32x256xbf16, #tpu.memory_space<hbm>>
              %dma_wait3A_205 = arith.constant 0 : i32
              %dma_wait3A_206 = tpu.memref_slice %arg6[%add3A_198, %dma_wait3A_205] : memref<8192x256xbf16, #tpu.memory_space<hbm>> -> memref<32x256xbf16, #tpu.memory_space<hbm>>
              tpu.wait_dma2 semaphore(%run_scoped3A : memref<!tpu.dma_semaphore, #tpu.memory_space<semaphore_mem>>) src(%arg12 : memref<32x256xbf16, #tpu.memory_space<vmem>>) dst(%dma_wait3A_206 : memref<32x256xbf16, #tpu.memory_space<hbm>>)
              tpu.yield
            }) : () -> ()
          } else {
          }
        }
        %while3A_169 = arith.constant 1 : i32
        scf.for %while3A_170 = %while3A_167 to %while3A_163 step %while3A_169  : i32 {
          %rem3A_171 = arith.constant 2 : i32
          %rem3A_172 = arith.remsi %while3A_170, %rem3A_171 : i32
          %eq3A = arith.constant 0 : i32
          %eq3A_173 = arith.cmpi eq, %rem3A_172, %eq3A : i32
          %convert_element_type3A_174 = arith.extui %eq3A_173 : i1 to i32
          %cond3A_175 = arith.constant 0 : i32
          %cond3A_176 = arith.cmpi ne, %convert_element_type3A_174, %cond3A_175 : i32
          scf.if %cond3A_176 {
            %add3A_184 = arith.constant 1 : i32
            %add3A_185 = arith.addi %while3A_170, %add3A_184 : i32
            %lt3A_186 = arith.cmpi slt, %add3A_185, %min3A : i32
            %convert_element_type3A_187 = arith.extui %lt3A_186 : i1 to i32
            %cond3A_188 = arith.constant 0 : i32
            %cond3A_189 = arith.cmpi ne, %convert_element_type3A_187, %cond3A_188 : i32
            scf.if %cond3A_189 {
              %add3A_199 = arith.addi %select_n3A_151, %while3A_170 : i32
              %add3A_200 = arith.constant 1 : i32
              %add3A_201 = arith.addi %add3A_199, %add3A_200 : i32
              %dma_start3A_202 = arith.constant 0 : i32
              %dma_start3A_203 = tpu.memref_slice %arg10[%add3A_201, %dma_start3A_202] : memref<128x32xi32, #tpu.memory_space<vmem>> -> memref<1x32xi32, #tpu.memory_space<vmem>>
              %dma_start3A_204 = tpu.memref_squeeze %dma_start3A_203 : memref<1x32xi32, #tpu.memory_space<vmem>> -> memref<32xi32, #tpu.memory_space<vmem>>
              %dma_start3A_205 = arith.constant 0 : i32
              %dma_start3A_206 = arith.constant 0 : i32
              %dma_start3A_207 = tpu.memref_slice %arg3[%dma_start3A_205, %dma_start3A_206] : memref<8192x256xbf16, #tpu.memory_space<hbm>> -> memref<8192x256xbf16, #tpu.memory_space<hbm>>
              tpu.enqueue_indirect_dma source(%dma_start3A_207 : memref<8192x256xbf16, #tpu.memory_space<hbm>>) target(%arg12 : memref<32x256xbf16, #tpu.memory_space<vmem>>) offsets(%dma_start3A_204 : memref<32xi32, #tpu.memory_space<vmem>>) semaphore(%arg17 : memref<!tpu.dma_semaphore, #tpu.memory_space<semaphore_mem>>)
            } else {
            }
            %add3A_190 = arith.addi %select_n3A_151, %while3A_170 : i32
            %dma_wait3A = arith.constant 0 : i32
            %dma_wait3A_191 = tpu.memref_slice %arg10[%add3A_190, %dma_wait3A] : memref<128x32xi32, #tpu.memory_space<vmem>> -> memref<1x32xi32, #tpu.memory_space<vmem>>
            %dma_wait3A_192 = tpu.memref_squeeze %dma_wait3A_191 : memref<1x32xi32, #tpu.memory_space<vmem>> -> memref<32xi32, #tpu.memory_space<vmem>>
            %dma_wait3A_193 = arith.constant 0 : i32
            %dma_wait3A_194 = arith.constant 0 : i32
            %dma_wait3A_195 = tpu.memref_slice %arg3[%dma_wait3A_193, %dma_wait3A_194] : memref<8192x256xbf16, #tpu.memory_space<hbm>> -> memref<8192x256xbf16, #tpu.memory_space<hbm>>
            tpu.wait_indirect_dma semaphore(%arg17 : memref<!tpu.dma_semaphore, #tpu.memory_space<semaphore_mem>>) src(%dma_wait3A_195 : memref<8192x256xbf16, #tpu.memory_space<hbm>>) dst(%arg11 : memref<32x256xbf16, #tpu.memory_space<vmem>>)
            %mul3A_196 = arith.constant 32 : i32
            %mul3A_197 = arith.muli %while3A_170, %mul3A_196 : i32
            %add3A_198 = arith.addi %mul3A_22, %mul3A_197 : i32
            "tpu.region"() ({
              %run_scoped3A = tpu.sem_alloc : memref<!tpu.dma_semaphore, #tpu.memory_space<semaphore_mem>>
              %dma_start3A_199 = arith.constant 0 : i32
              %dma_start3A_200 = tpu.memref_slice %arg6[%add3A_198, %dma_start3A_199] : memref<8192x256xbf16, #tpu.memory_space<hbm>> -> memref<32x256xbf16, #tpu.memory_space<hbm>>
              %dma_start3A_201 = arith.constant 0 : i32
              %dma_start3A_202 = tpu.memref_slice %arg6[%add3A_198, %dma_start3A_201] : memref<8192x256xbf16, #tpu.memory_space<hbm>> -> memref<32x256xbf16, #tpu.memory_space<hbm>>
              tpu.enqueue_dma source(%arg11 : memref<32x256xbf16, #tpu.memory_space<vmem>>) target(%dma_start3A_202 : memref<32x256xbf16, #tpu.memory_space<hbm>>) target_semaphore(%run_scoped3A : memref<!tpu.dma_semaphore, #tpu.memory_space<semaphore_mem>>)
              %dma_wait3A_203 = arith.constant 0 : i32
              %dma_wait3A_204 = tpu.memref_slice %arg6[%add3A_198, %dma_wait3A_203] : memref<8192x256xbf16, #tpu.memory_space<hbm>> -> memref<32x256xbf16, #tpu.memory_space<hbm>>
              %dma_wait3A_205 = arith.constant 0 : i32
              %dma_wait3A_206 = tpu.memref_slice %arg6[%add3A_198, %dma_wait3A_205] : memref<8192x256xbf16, #tpu.memory_space<hbm>> -> memref<32x256xbf16, #tpu.memory_space<hbm>>
              tpu.wait_dma2 semaphore(%run_scoped3A : memref<!tpu.dma_semaphore, #tpu.memory_space<semaphore_mem>>) src(%arg11 : memref<32x256xbf16, #tpu.memory_space<vmem>>) dst(%dma_wait3A_206 : memref<32x256xbf16, #tpu.memory_space<hbm>>)
              tpu.yield
            }) : () -> ()
          } else {
          }
          %rem3A_177 = arith.constant 2 : i32
          %rem3A_178 = arith.remsi %while3A_170, %rem3A_177 : i32
          %eq3A_179 = arith.constant 1 : i32
          %eq3A_180 = arith.cmpi eq, %rem3A_178, %eq3A_179 : i32
          %convert_element_type3A_181 = arith.extui %eq3A_180 : i1 to i32
          %cond3A_182 = arith.constant 0 : i32
          %cond3A_183 = arith.cmpi ne, %convert_element_type3A_181, %cond3A_182 : i32
          scf.if %cond3A_183 {
            %add3A_184 = arith.constant 1 : i32
            %add3A_185 = arith.addi %while3A_170, %add3A_184 : i32
            %lt3A_186 = arith.cmpi slt, %add3A_185, %min3A : i32
            %convert_element_type3A_187 = arith.extui %lt3A_186 : i1 to i32
            %cond3A_188 = arith.constant 0 : i32
            %cond3A_189 = arith.cmpi ne, %convert_element_type3A_187, %cond3A_188 : i32
            scf.if %cond3A_189 {
              %add3A_199 = arith.addi %select_n3A_151, %while3A_170 : i32
              %add3A_200 = arith.constant 1 : i32
              %add3A_201 = arith.addi %add3A_199, %add3A_200 : i32
              %dma_start3A_202 = arith.constant 0 : i32
              %dma_start3A_203 = tpu.memref_slice %arg10[%add3A_201, %dma_start3A_202] : memref<128x32xi32, #tpu.memory_space<vmem>> -> memref<1x32xi32, #tpu.memory_space<vmem>>
              %dma_start3A_204 = tpu.memref_squeeze %dma_start3A_203 : memref<1x32xi32, #tpu.memory_space<vmem>> -> memref<32xi32, #tpu.memory_space<vmem>>
              %dma_start3A_205 = arith.constant 0 : i32
              %dma_start3A_206 = arith.constant 0 : i32
              %dma_start3A_207 = tpu.memref_slice %arg3[%dma_start3A_205, %dma_start3A_206] : memref<8192x256xbf16, #tpu.memory_space<hbm>> -> memref<8192x256xbf16, #tpu.memory_space<hbm>>
              tpu.enqueue_indirect_dma source(%dma_start3A_207 : memref<8192x256xbf16, #tpu.memory_space<hbm>>) target(%arg11 : memref<32x256xbf16, #tpu.memory_space<vmem>>) offsets(%dma_start3A_204 : memref<32xi32, #tpu.memory_space<vmem>>) semaphore(%arg17 : memref<!tpu.dma_semaphore, #tpu.memory_space<semaphore_mem>>)
            } else {
            }
            %add3A_190 = arith.addi %select_n3A_151, %while3A_170 : i32
            %dma_wait3A = arith.constant 0 : i32
            %dma_wait3A_191 = tpu.memref_slice %arg10[%add3A_190, %dma_wait3A] : memref<128x32xi32, #tpu.memory_space<vmem>> -> memref<1x32xi32, #tpu.memory_space<vmem>>
            %dma_wait3A_192 = tpu.memref_squeeze %dma_wait3A_191 : memref<1x32xi32, #tpu.memory_space<vmem>> -> memref<32xi32, #tpu.memory_space<vmem>>
            %dma_wait3A_193 = arith.constant 0 : i32
            %dma_wait3A_194 = arith.constant 0 : i32
            %dma_wait3A_195 = tpu.memref_slice %arg3[%dma_wait3A_193, %dma_wait3A_194] : memref<8192x256xbf16, #tpu.memory_space<hbm>> -> memref<8192x256xbf16, #tpu.memory_space<hbm>>
            tpu.wait_indirect_dma semaphore(%arg17 : memref<!tpu.dma_semaphore, #tpu.memory_space<semaphore_mem>>) src(%dma_wait3A_195 : memref<8192x256xbf16, #tpu.memory_space<hbm>>) dst(%arg12 : memref<32x256xbf16, #tpu.memory_space<vmem>>)
            %mul3A_196 = arith.constant 32 : i32
            %mul3A_197 = arith.muli %while3A_170, %mul3A_196 : i32
            %add3A_198 = arith.addi %mul3A_22, %mul3A_197 : i32
            "tpu.region"() ({
              %run_scoped3A = tpu.sem_alloc : memref<!tpu.dma_semaphore, #tpu.memory_space<semaphore_mem>>
              %dma_start3A_199 = arith.constant 0 : i32
              %dma_start3A_200 = tpu.memref_slice %arg6[%add3A_198, %dma_start3A_199] : memref<8192x256xbf16, #tpu.memory_space<hbm>> -> memref<32x256xbf16, #tpu.memory_space<hbm>>
              %dma_start3A_201 = arith.constant 0 : i32
              %dma_start3A_202 = tpu.memref_slice %arg6[%add3A_198, %dma_start3A_201] : memref<8192x256xbf16, #tpu.memory_space<hbm>> -> memref<32x256xbf16, #tpu.memory_space<hbm>>
              tpu.enqueue_dma source(%arg12 : memref<32x256xbf16, #tpu.memory_space<vmem>>) target(%dma_start3A_202 : memref<32x256xbf16, #tpu.memory_space<hbm>>) target_semaphore(%run_scoped3A : memref<!tpu.dma_semaphore, #tpu.memory_space<semaphore_mem>>)
              %dma_wait3A_203 = arith.constant 0 : i32
              %dma_wait3A_204 = tpu.memref_slice %arg6[%add3A_198, %dma_wait3A_203] : memref<8192x256xbf16, #tpu.memory_space<hbm>> -> memref<32x256xbf16, #tpu.memory_space<hbm>>
              %dma_wait3A_205 = arith.constant 0 : i32
              %dma_wait3A_206 = tpu.memref_slice %arg6[%add3A_198, %dma_wait3A_205] : memref<8192x256xbf16, #tpu.memory_space<hbm>> -> memref<32x256xbf16, #tpu.memory_space<hbm>>
              tpu.wait_dma2 semaphore(%run_scoped3A : memref<!tpu.dma_semaphore, #tpu.memory_space<semaphore_mem>>) src(%arg12 : memref<32x256xbf16, #tpu.memory_space<vmem>>) dst(%dma_wait3A_206 : memref<32x256xbf16, #tpu.memory_space<hbm>>)
              tpu.yield
            }) : () -> ()
          } else {
          }
        }
      } else {
      }
    } else {
    }
    %ge3A_3 = arith.constant 12 : i32
    %ge3A_4 = arith.cmpi sge, %arg1, %ge3A_3 : i32
    %lt3A_5 = arith.constant 16 : i32
    %lt3A_6 = arith.cmpi slt, %arg1, %lt3A_5 : i32
    %and3A_7 = arith.andi %ge3A_4, %lt3A_6 : i1
    %convert_element_type3A_8 = arith.extui %and3A_7 : i1 to i32
    %cond3A_9 = arith.constant 0 : i32
    %cond3A_10 = arith.cmpi ne, %convert_element_type3A_8, %cond3A_9 : i32
    scf.if %cond3A_10 {
      %sub3A = arith.constant 12 : i32
      %sub3A_19 = arith.subi %arg1, %sub3A : i32
      %mul3A = arith.constant 2 : i32
      %mul3A_20 = arith.muli %sub3A_19, %mul3A : i32
      %add3A = arith.addi %mul3A_20, %arg0 : i32
      %mul3A_21 = arith.constant 1024 : i32
      %mul3A_22 = arith.muli %add3A, %mul3A_21 : i32
      %jit3A = arith.constant 4096 : i32
      %div3A = arith.divsi %mul3A_22, %jit3A : i32
      %sign3A = arith.constant 0 : i32
      %sign3A_23 = arith.cmpi sgt, %mul3A_22, %sign3A : i32
      %sign3A_24 = arith.extui %sign3A_23 : i1 to i32
      %sign3A_25 = arith.constant 0 : i32
      %sign3A_26 = arith.cmpi slt, %mul3A_22, %sign3A_25 : i32
      %sign3A_27 = arith.extui %sign3A_26 : i1 to i32
      %sign3A_28 = arith.subi %sign3A_24, %sign3A_27 : i32
      %sign3A_29 = arith.constant 0 : i32
      %sign3A_30 = arith.cmpi sgt, %jit3A, %sign3A_29 : i32
      %sign3A_31 = arith.extui %sign3A_30 : i1 to i32
      %sign3A_32 = arith.constant 0 : i32
      %sign3A_33 = arith.cmpi slt, %jit3A, %sign3A_32 : i32
      %sign3A_34 = arith.extui %sign3A_33 : i1 to i32
      %sign3A_35 = arith.subi %sign3A_31, %sign3A_34 : i32
      %ne3A = arith.cmpi ne, %sign3A_28, %sign3A_35 : i32
      %rem3A = arith.remsi %mul3A_22, %jit3A : i32
      %ne3A_36 = arith.constant 0 : i32
      %ne3A_37 = arith.cmpi ne, %rem3A, %ne3A_36 : i32
      %and3A_38 = arith.andi %ne3A, %ne3A_37 : i1
      %sub3A_39 = arith.constant 1 : i32
      %sub3A_40 = arith.subi %div3A, %sub3A_39 : i32
      %select_n3A = arith.select %and3A_38, %sub3A_40, %div3A : i32
      %mul3A_41 = arith.constant 4096 : i32
      %mul3A_42 = arith.muli %select_n3A, %mul3A_41 : i32
      %sub3A_43 = arith.subi %mul3A_22, %mul3A_42 : i32
      %mul3A_44 = arith.constant 4096 : i32
      %mul3A_45 = arith.muli %select_n3A, %mul3A_44 : i32
      "tpu.region"() ({
        %run_scoped3A = tpu.sem_alloc : memref<!tpu.dma_semaphore, #tpu.memory_space<semaphore_mem>>
        %dma_start3A = tpu.memref_slice %arg2[%mul3A_45] : memref<8192xi32, #tpu.memory_space<hbm>> -> memref<4096xi32, #tpu.memory_space<hbm>>
        %dma_start3A_156 = tpu.memref_slice %arg2[%mul3A_45] : memref<8192xi32, #tpu.memory_space<hbm>> -> memref<4096xi32, #tpu.memory_space<hbm>>
        tpu.enqueue_dma source(%dma_start3A_156 : memref<4096xi32, #tpu.memory_space<hbm>>) target(%arg9 : memref<4096xi32, #tpu.memory_space<vmem>>) target_semaphore(%run_scoped3A : memref<!tpu.dma_semaphore, #tpu.memory_space<semaphore_mem>>)
        %dma_wait3A = tpu.memref_slice %arg2[%mul3A_45] : memref<8192xi32, #tpu.memory_space<hbm>> -> memref<4096xi32, #tpu.memory_space<hbm>>
        %dma_wait3A_157 = tpu.memref_slice %arg2[%mul3A_45] : memref<8192xi32, #tpu.memory_space<hbm>> -> memref<4096xi32, #tpu.memory_space<hbm>>
        tpu.wait_dma2 semaphore(%run_scoped3A : memref<!tpu.dma_semaphore, #tpu.memory_space<semaphore_mem>>) src(%dma_wait3A_157 : memref<4096xi32, #tpu.memory_space<hbm>>) dst(%arg9 : memref<4096xi32, #tpu.memory_space<vmem>>)
        tpu.yield
      }) : () -> ()
      %scan3A = arith.constant 0 : i32
      %scan3A_46 = arith.constant 0 : i32
      %scan3A_47 = arith.constant 128 : i32
      %scan3A_48 = arith.addi %scan3A_46, %scan3A_47 : i32
      %scan3A_49 = arith.constant 1 : i32
      scf.for %scan3A_156 = %scan3A_46 to %scan3A_48 step %scan3A_49  : i32 {
        %broadcast_in_dim3A_157 = arith.constant 0 : i32
        %broadcast_in_dim3A_158 = vector.broadcast %broadcast_in_dim3A_157 : i32 to vector<16xi32>
        %swap3A = arith.index_cast %scan3A_156 : i32 to index
        %swap3A_159 = arith.constant 0 : index
        %swap3A_160 = tpu.vector_load %arg10[%swap3A, %swap3A_159] {strides = array<i32>} : memref<128x32xi32, #tpu.memory_space<vmem>>, vector<16xi32>,
        tpu.vector_store %arg10[%swap3A, %swap3A_159], %broadcast_in_dim3A_158 {strides = array<i32>} : memref<128x32xi32, #tpu.memory_space<vmem>>, vector<16xi32>,
        %broadcast_in_dim3A_161 = arith.constant 0 : i32
        %broadcast_in_dim3A_162 = vector.broadcast %broadcast_in_dim3A_161 : i32 to vector<16xi32>
        %swap3A_163 = arith.index_cast %scan3A_156 : i32 to index
        %swap3A_164 = arith.constant 16 : index
        %swap3A_165 = tpu.vector_load %arg10[%swap3A_163, %swap3A_164] {strides = array<i32>} : memref<128x32xi32, #tpu.memory_space<vmem>>, vector<16xi32>,
        tpu.vector_store %arg10[%swap3A_163, %swap3A_164], %broadcast_in_dim3A_162 {strides = array<i32>} : memref<128x32xi32, #tpu.memory_space<vmem>>, vector<16xi32>,
      }
      %scan3A_50 = arith.constant 128 : i32
      %mul3A_51 = arith.constant 4096 : i32
      %mul3A_52 = arith.muli %select_n3A, %mul3A_51 : i32
      %broadcast_in_dim3A = arith.constant 0 : i32
      %broadcast_in_dim3A_53 = vector.broadcast %broadcast_in_dim3A : i32 to vector<16xi32>
      %scan3A_54 = arith.constant 0 : i32
      %scan3A_55 = arith.constant 256 : i32
      %scan3A_56 = arith.addi %scan3A_54, %scan3A_55 : i32
      %scan3A_57 = arith.constant 1 : i32
      %scan3A_58 = scf.for %scan3A_156 = %scan3A_54 to %scan3A_56 step %scan3A_57 iter_args(%scan3A_157 = %broadcast_in_dim3A_53) -> (vector<16xi32>)  : i32 {
        %mul3A_158 = arith.constant 16 : i32
        %mul3A_159 = arith.muli %scan3A_156, %mul3A_158 : i32
        %get3A = arith.index_cast %mul3A_159 : i32 to index
        %get3A_160 = tpu.vector_load %arg9[%get3A] {strides = array<i32>} : memref<4096xi32, #tpu.memory_space<vmem>>, vector<16xi32>,
        %sub3A_161 = arith.constant 1 : i32
        %sub3A_162 = vector.broadcast %sub3A_161 : i32 to vector<16xi32>
        %sub3A_163 = arith.subi %get3A_160, %sub3A_162 : vector<16xi32>
        %max3A_164 = arith.constant 0 : i32
        %max3A_165 = vector.broadcast %max3A_164 : i32 to vector<16xi32>
        %max3A_166 = arith.maxsi %sub3A_163, %max3A_165 : vector<16xi32>
        %iota3A = tpu.iota {dimensions = array<i32: 0>} : vector<16xi32>
        %mul3A_167 = arith.constant 16 : i32
        %mul3A_168 = arith.muli %scan3A_156, %mul3A_167 : i32
        %add3A_169 = arith.addi %mul3A_168, %mul3A_52 : i32
        %add3A_170 = vector.broadcast %add3A_169 : i32 to vector<16xi32>
        %add3A_171 = arith.addi %iota3A, %add3A_170 : vector<16xi32>
        %shift_right_logical3A = arith.constant 5 : i32
        %shift_right_logical3A_172 = vector.broadcast %shift_right_logical3A : i32 to vector<16xi32>
        %shift_right_logical3A_173 = arith.shrui %max3A_166, %shift_right_logical3A_172 : vector<16xi32>
        %and3A_174 = arith.constant 31 : i32
        %and3A_175 = vector.broadcast %and3A_174 : i32 to vector<16xi32>
        %and3A_176 = arith.andi %max3A_166, %and3A_175 : vector<16xi32>
        %gt3A_177 = arith.constant 0 : i32
        %gt3A_178 = vector.broadcast %gt3A_177 : i32 to vector<16xi32>
        %gt3A_179 = arith.cmpi sgt, %get3A_160, %gt3A_178 : vector<16xi32>
        tpu.vector_store_idx %arg10[%shift_right_logical3A_173, %and3A_176], %add3A_171 masked %gt3A_179 : memref<128x32xi32, #tpu.memory_space<vmem>>[vector<16xi32>, vector<16xi32>], vector<16xi32>, vector<16xi1>
        %max3A_180 = arith.maxsi %scan3A_157, %get3A_160 : vector<16xi32>
        scf.yield %max3A_180 : vector<16xi32>
      }
      %scan3A_59 = arith.constant 256 : i32
      %reduce_max3A = arith.constant true
      %reduce_max3A_60 = vector.broadcast %reduce_max3A : i1 to vector<16xi1>
      %reduce_max3A_61 = arith.constant -2147483648 : i32
      %reduce_max3A_62 = vector.broadcast %reduce_max3A_61 : i32 to vector<16xi32>
      %reduce_max3A_63 = arith.xori %scan3A_58, %reduce_max3A_62 : vector<16xi32>
      %reduce_max3A_64 = tpu.scan <max>, %reduce_max3A_63 masked %reduce_max3A_60 : vector<16xi32>, vector<16xi1> -> vector<16xi32>
      %reduce_max3A_65 = arith.xori %reduce_max3A_64, %reduce_max3A_62 : vector<16xi32>
      %reduce_max3A_66 = vector.extract %reduce_max3A_65[15] : i32 from vector<16xi32>
      %add3A_67 = arith.constant 128 : i32
      %add3A_68 = arith.addi %reduce_max3A_66, %add3A_67 : i32
      %sub3A_69 = arith.constant 1 : i32
      %sub3A_70 = arith.subi %add3A_68, %sub3A_69 : i32
      %jit3A_71 = arith.constant 128 : i32
      %div3A_72 = arith.divsi %sub3A_70, %jit3A_71 : i32
      %sign3A_73 = arith.constant 0 : i32
      %sign3A_74 = arith.cmpi sgt, %sub3A_70, %sign3A_73 : i32
      %sign3A_75 = arith.extui %sign3A_74 : i1 to i32
      %sign3A_76 = arith.constant 0 : i32
      %sign3A_77 = arith.cmpi slt, %sub3A_70, %sign3A_76 : i32
      %sign3A_78 = arith.extui %sign3A_77 : i1 to i32
      %sign3A_79 = arith.subi %sign3A_75, %sign3A_78 : i32
      %sign3A_80 = arith.constant 0 : i32
      %sign3A_81 = arith.cmpi sgt, %jit3A_71, %sign3A_80 : i32
      %sign3A_82 = arith.extui %sign3A_81 : i1 to i32
      %sign3A_83 = arith.constant 0 : i32
      %sign3A_84 = arith.cmpi slt, %jit3A_71, %sign3A_83 : i32
      %sign3A_85 = arith.extui %sign3A_84 : i1 to i32
      %sign3A_86 = arith.subi %sign3A_82, %sign3A_85 : i32
      %ne3A_87 = arith.cmpi ne, %sign3A_79, %sign3A_86 : i32
      %rem3A_88 = arith.remsi %sub3A_70, %jit3A_71 : i32
      %ne3A_89 = arith.constant 0 : i32
      %ne3A_90 = arith.cmpi ne, %rem3A_88, %ne3A_89 : i32
      %and3A_91 = arith.andi %ne3A_87, %ne3A_90 : i1
      %sub3A_92 = arith.constant 1 : i32
      %sub3A_93 = arith.subi %div3A_72, %sub3A_92 : i32
      %select_n3A_94 = arith.select %and3A_91, %sub3A_93, %div3A_72 : i32
      %mul3A_95 = arith.constant 128 : i32
      %mul3A_96 = arith.muli %select_n3A_94, %mul3A_95 : i32
      %sub3A_97 = arith.subi %mul3A_96, %sub3A_43 : i32
      %add3A_98 = arith.constant 32 : i32
      %add3A_99 = arith.addi %sub3A_97, %add3A_98 : i32
      %sub3A_100 = arith.constant 1 : i32
      %sub3A_101 = arith.subi %add3A_99, %sub3A_100 : i32
      %jit3A_102 = arith.constant 32 : i32
      %div3A_103 = arith.divsi %sub3A_101, %jit3A_102 : i32
      %sign3A_104 = arith.constant 0 : i32
      %sign3A_105 = arith.cmpi sgt, %sub3A_101, %sign3A_104 : i32
      %sign3A_106 = arith.extui %sign3A_105 : i1 to i32
      %sign3A_107 = arith.constant 0 : i32
      %sign3A_108 = arith.cmpi slt, %sub3A_101, %sign3A_107 : i32
      %sign3A_109 = arith.extui %sign3A_108 : i1 to i32
      %sign3A_110 = arith.subi %sign3A_106, %sign3A_109 : i32
      %sign3A_111 = arith.constant 0 : i32
      %sign3A_112 = arith.cmpi sgt, %jit3A_102, %sign3A_111 : i32
      %sign3A_113 = arith.extui %sign3A_112 : i1 to i32
      %sign3A_114 = arith.constant 0 : i32
      %sign3A_115 = arith.cmpi slt, %jit3A_102, %sign3A_114 : i32
      %sign3A_116 = arith.extui %sign3A_115 : i1 to i32
      %sign3A_117 = arith.subi %sign3A_113, %sign3A_116 : i32
      %ne3A_118 = arith.cmpi ne, %sign3A_110, %sign3A_117 : i32
      %rem3A_119 = arith.remsi %sub3A_101, %jit3A_102 : i32
      %ne3A_120 = arith.constant 0 : i32
      %ne3A_121 = arith.cmpi ne, %rem3A_119, %ne3A_120 : i32
      %and3A_122 = arith.andi %ne3A_118, %ne3A_121 : i1
      %sub3A_123 = arith.constant 1 : i32
      %sub3A_124 = arith.subi %div3A_103, %sub3A_123 : i32
      %select_n3A_125 = arith.select %and3A_122, %sub3A_124, %div3A_103 : i32
      %jit3A_126 = arith.constant 0 : i32
      %jit3A_127 = arith.constant 32 : i32
      %max3A = arith.maxsi %jit3A_126, %select_n3A_125 : i32
      %min3A = arith.minsi %jit3A_127, %max3A : i32
      %jit3A_128 = arith.constant 32 : i32
      %div3A_129 = arith.divsi %sub3A_43, %jit3A_128 : i32
      %sign3A_130 = arith.constant 0 : i32
      %sign3A_131 = arith.cmpi sgt, %sub3A_43, %sign3A_130 : i32
      %sign3A_132 = arith.extui %sign3A_131 : i1 to i32
      %sign3A_133 = arith.constant 0 : i32
      %sign3A_134 = arith.cmpi slt, %sub3A_43, %sign3A_133 : i32
      %sign3A_135 = arith.extui %sign3A_134 : i1 to i32
      %sign3A_136 = arith.subi %sign3A_132, %sign3A_135 : i32
      %sign3A_137 = arith.constant 0 : i32
      %sign3A_138 = arith.cmpi sgt, %jit3A_128, %sign3A_137 : i32
      %sign3A_139 = arith.extui %sign3A_138 : i1 to i32
      %sign3A_140 = arith.constant 0 : i32
      %sign3A_141 = arith.cmpi slt, %jit3A_128, %sign3A_140 : i32
      %sign3A_142 = arith.extui %sign3A_141 : i1 to i32
      %sign3A_143 = arith.subi %sign3A_139, %sign3A_142 : i32
      %ne3A_144 = arith.cmpi ne, %sign3A_136, %sign3A_143 : i32
      %rem3A_145 = arith.remsi %sub3A_43, %jit3A_128 : i32
      %ne3A_146 = arith.constant 0 : i32
      %ne3A_147 = arith.cmpi ne, %rem3A_145, %ne3A_146 : i32
      %and3A_148 = arith.andi %ne3A_144, %ne3A_147 : i1
      %sub3A_149 = arith.constant 1 : i32
      %sub3A_150 = arith.subi %div3A_129, %sub3A_149 : i32
      %select_n3A_151 = arith.select %and3A_148, %sub3A_150, %div3A_129 : i32
      %gt3A = arith.constant 0 : i32
      %gt3A_152 = arith.cmpi sgt, %min3A, %gt3A : i32
      %convert_element_type3A_153 = arith.extui %gt3A_152 : i1 to i32
      %cond3A_154 = arith.constant 0 : i32
      %cond3A_155 = arith.cmpi ne, %convert_element_type3A_153, %cond3A_154 : i32
      scf.if %cond3A_155 {
        %dma_start3A = arith.constant 0 : i32
        %dma_start3A_156 = tpu.memref_slice %arg10[%select_n3A_151, %dma_start3A] : memref<128x32xi32, #tpu.memory_space<vmem>> -> memref<1x32xi32, #tpu.memory_space<vmem>>
        %dma_start3A_157 = tpu.memref_squeeze %dma_start3A_156 : memref<1x32xi32, #tpu.memory_space<vmem>> -> memref<32xi32, #tpu.memory_space<vmem>>
        %dma_start3A_158 = arith.constant 0 : i32
        %dma_start3A_159 = arith.constant 0 : i32
        %dma_start3A_160 = tpu.memref_slice %arg4[%dma_start3A_158, %dma_start3A_159] : memref<8192x256xbf16, #tpu.memory_space<hbm>> -> memref<8192x256xbf16, #tpu.memory_space<hbm>>
        tpu.enqueue_indirect_dma source(%dma_start3A_160 : memref<8192x256xbf16, #tpu.memory_space<hbm>>) target(%arg13 : memref<32x256xbf16, #tpu.memory_space<vmem>>) offsets(%dma_start3A_157 : memref<32xi32, #tpu.memory_space<vmem>>) semaphore(%arg17 : memref<!tpu.dma_semaphore, #tpu.memory_space<semaphore_mem>>)
        %while3A = arith.constant 0 : i32
        %while3A_161 = arith.constant 0 : i32
        %while3A_162 = arith.subi %min3A, %while3A_161 : i32
        %while3A_163 = arith.addi %while3A_161, %while3A_162 : i32
        %while3A_164 = arith.constant 1 : i32
        %while3A_165 = arith.divsi %while3A_162, %while3A_164 : i32
        %while3A_166 = arith.muli %while3A_165, %while3A_164 : i32
        %while3A_167 = arith.addi %while3A_161, %while3A_166 : i32
        %while3A_168 = arith.constant 1 : i32
        scf.for %while3A_170 = %while3A_161 to %while3A_167 step %while3A_168  : i32 {
          %rem3A_171 = arith.constant 2 : i32
          %rem3A_172 = arith.remsi %while3A_170, %rem3A_171 : i32
          %eq3A = arith.constant 0 : i32
          %eq3A_173 = arith.cmpi eq, %rem3A_172, %eq3A : i32
          %convert_element_type3A_174 = arith.extui %eq3A_173 : i1 to i32
          %cond3A_175 = arith.constant 0 : i32
          %cond3A_176 = arith.cmpi ne, %convert_element_type3A_174, %cond3A_175 : i32
          scf.if %cond3A_176 {
            %add3A_184 = arith.constant 1 : i32
            %add3A_185 = arith.addi %while3A_170, %add3A_184 : i32
            %lt3A_186 = arith.cmpi slt, %add3A_185, %min3A : i32
            %convert_element_type3A_187 = arith.extui %lt3A_186 : i1 to i32
            %cond3A_188 = arith.constant 0 : i32
            %cond3A_189 = arith.cmpi ne, %convert_element_type3A_187, %cond3A_188 : i32
            scf.if %cond3A_189 {
              %add3A_199 = arith.addi %select_n3A_151, %while3A_170 : i32
              %add3A_200 = arith.constant 1 : i32
              %add3A_201 = arith.addi %add3A_199, %add3A_200 : i32
              %dma_start3A_202 = arith.constant 0 : i32
              %dma_start3A_203 = tpu.memref_slice %arg10[%add3A_201, %dma_start3A_202] : memref<128x32xi32, #tpu.memory_space<vmem>> -> memref<1x32xi32, #tpu.memory_space<vmem>>
              %dma_start3A_204 = tpu.memref_squeeze %dma_start3A_203 : memref<1x32xi32, #tpu.memory_space<vmem>> -> memref<32xi32, #tpu.memory_space<vmem>>
              %dma_start3A_205 = arith.constant 0 : i32
              %dma_start3A_206 = arith.constant 0 : i32
              %dma_start3A_207 = tpu.memref_slice %arg4[%dma_start3A_205, %dma_start3A_206] : memref<8192x256xbf16, #tpu.memory_space<hbm>> -> memref<8192x256xbf16, #tpu.memory_space<hbm>>
              tpu.enqueue_indirect_dma source(%dma_start3A_207 : memref<8192x256xbf16, #tpu.memory_space<hbm>>) target(%arg14 : memref<32x256xbf16, #tpu.memory_space<vmem>>) offsets(%dma_start3A_204 : memref<32xi32, #tpu.memory_space<vmem>>) semaphore(%arg17 : memref<!tpu.dma_semaphore, #tpu.memory_space<semaphore_mem>>)
            } else {
            }
            %add3A_190 = arith.addi %select_n3A_151, %while3A_170 : i32
            %dma_wait3A = arith.constant 0 : i32
            %dma_wait3A_191 = tpu.memref_slice %arg10[%add3A_190, %dma_wait3A] : memref<128x32xi32, #tpu.memory_space<vmem>> -> memref<1x32xi32, #tpu.memory_space<vmem>>
            %dma_wait3A_192 = tpu.memref_squeeze %dma_wait3A_191 : memref<1x32xi32, #tpu.memory_space<vmem>> -> memref<32xi32, #tpu.memory_space<vmem>>
            %dma_wait3A_193 = arith.constant 0 : i32
            %dma_wait3A_194 = arith.constant 0 : i32
            %dma_wait3A_195 = tpu.memref_slice %arg4[%dma_wait3A_193, %dma_wait3A_194] : memref<8192x256xbf16, #tpu.memory_space<hbm>> -> memref<8192x256xbf16, #tpu.memory_space<hbm>>
            tpu.wait_indirect_dma semaphore(%arg17 : memref<!tpu.dma_semaphore, #tpu.memory_space<semaphore_mem>>) src(%dma_wait3A_195 : memref<8192x256xbf16, #tpu.memory_space<hbm>>) dst(%arg13 : memref<32x256xbf16, #tpu.memory_space<vmem>>)
            %mul3A_196 = arith.constant 32 : i32
            %mul3A_197 = arith.muli %while3A_170, %mul3A_196 : i32
            %add3A_198 = arith.addi %mul3A_22, %mul3A_197 : i32
            "tpu.region"() ({
              %run_scoped3A = tpu.sem_alloc : memref<!tpu.dma_semaphore, #tpu.memory_space<semaphore_mem>>
              %dma_start3A_199 = arith.constant 0 : i32
              %dma_start3A_200 = tpu.memref_slice %arg7[%add3A_198, %dma_start3A_199] : memref<8192x256xbf16, #tpu.memory_space<hbm>> -> memref<32x256xbf16, #tpu.memory_space<hbm>>
              %dma_start3A_201 = arith.constant 0 : i32
              %dma_start3A_202 = tpu.memref_slice %arg7[%add3A_198, %dma_start3A_201] : memref<8192x256xbf16, #tpu.memory_space<hbm>> -> memref<32x256xbf16, #tpu.memory_space<hbm>>
              tpu.enqueue_dma source(%arg13 : memref<32x256xbf16, #tpu.memory_space<vmem>>) target(%dma_start3A_202 : memref<32x256xbf16, #tpu.memory_space<hbm>>) target_semaphore(%run_scoped3A : memref<!tpu.dma_semaphore, #tpu.memory_space<semaphore_mem>>)
              %dma_wait3A_203 = arith.constant 0 : i32
              %dma_wait3A_204 = tpu.memref_slice %arg7[%add3A_198, %dma_wait3A_203] : memref<8192x256xbf16, #tpu.memory_space<hbm>> -> memref<32x256xbf16, #tpu.memory_space<hbm>>
              %dma_wait3A_205 = arith.constant 0 : i32
              %dma_wait3A_206 = tpu.memref_slice %arg7[%add3A_198, %dma_wait3A_205] : memref<8192x256xbf16, #tpu.memory_space<hbm>> -> memref<32x256xbf16, #tpu.memory_space<hbm>>
              tpu.wait_dma2 semaphore(%run_scoped3A : memref<!tpu.dma_semaphore, #tpu.memory_space<semaphore_mem>>) src(%arg13 : memref<32x256xbf16, #tpu.memory_space<vmem>>) dst(%dma_wait3A_206 : memref<32x256xbf16, #tpu.memory_space<hbm>>)
              tpu.yield
            }) : () -> ()
          } else {
          }
          %rem3A_177 = arith.constant 2 : i32
          %rem3A_178 = arith.remsi %while3A_170, %rem3A_177 : i32
          %eq3A_179 = arith.constant 1 : i32
          %eq3A_180 = arith.cmpi eq, %rem3A_178, %eq3A_179 : i32
          %convert_element_type3A_181 = arith.extui %eq3A_180 : i1 to i32
          %cond3A_182 = arith.constant 0 : i32
          %cond3A_183 = arith.cmpi ne, %convert_element_type3A_181, %cond3A_182 : i32
          scf.if %cond3A_183 {
            %add3A_184 = arith.constant 1 : i32
            %add3A_185 = arith.addi %while3A_170, %add3A_184 : i32
            %lt3A_186 = arith.cmpi slt, %add3A_185, %min3A : i32
            %convert_element_type3A_187 = arith.extui %lt3A_186 : i1 to i32
            %cond3A_188 = arith.constant 0 : i32
            %cond3A_189 = arith.cmpi ne, %convert_element_type3A_187, %cond3A_188 : i32
            scf.if %cond3A_189 {
              %add3A_199 = arith.addi %select_n3A_151, %while3A_170 : i32
              %add3A_200 = arith.constant 1 : i32
              %add3A_201 = arith.addi %add3A_199, %add3A_200 : i32
              %dma_start3A_202 = arith.constant 0 : i32
              %dma_start3A_203 = tpu.memref_slice %arg10[%add3A_201, %dma_start3A_202] : memref<128x32xi32, #tpu.memory_space<vmem>> -> memref<1x32xi32, #tpu.memory_space<vmem>>
              %dma_start3A_204 = tpu.memref_squeeze %dma_start3A_203 : memref<1x32xi32, #tpu.memory_space<vmem>> -> memref<32xi32, #tpu.memory_space<vmem>>
              %dma_start3A_205 = arith.constant 0 : i32
              %dma_start3A_206 = arith.constant 0 : i32
              %dma_start3A_207 = tpu.memref_slice %arg4[%dma_start3A_205, %dma_start3A_206] : memref<8192x256xbf16, #tpu.memory_space<hbm>> -> memref<8192x256xbf16, #tpu.memory_space<hbm>>
              tpu.enqueue_indirect_dma source(%dma_start3A_207 : memref<8192x256xbf16, #tpu.memory_space<hbm>>) target(%arg13 : memref<32x256xbf16, #tpu.memory_space<vmem>>) offsets(%dma_start3A_204 : memref<32xi32, #tpu.memory_space<vmem>>) semaphore(%arg17 : memref<!tpu.dma_semaphore, #tpu.memory_space<semaphore_mem>>)
            } else {
            }
            %add3A_190 = arith.addi %select_n3A_151, %while3A_170 : i32
            %dma_wait3A = arith.constant 0 : i32
            %dma_wait3A_191 = tpu.memref_slice %arg10[%add3A_190, %dma_wait3A] : memref<128x32xi32, #tpu.memory_space<vmem>> -> memref<1x32xi32, #tpu.memory_space<vmem>>
            %dma_wait3A_192 = tpu.memref_squeeze %dma_wait3A_191 : memref<1x32xi32, #tpu.memory_space<vmem>> -> memref<32xi32, #tpu.memory_space<vmem>>
            %dma_wait3A_193 = arith.constant 0 : i32
            %dma_wait3A_194 = arith.constant 0 : i32
            %dma_wait3A_195 = tpu.memref_slice %arg4[%dma_wait3A_193, %dma_wait3A_194] : memref<8192x256xbf16, #tpu.memory_space<hbm>> -> memref<8192x256xbf16, #tpu.memory_space<hbm>>
            tpu.wait_indirect_dma semaphore(%arg17 : memref<!tpu.dma_semaphore, #tpu.memory_space<semaphore_mem>>) src(%dma_wait3A_195 : memref<8192x256xbf16, #tpu.memory_space<hbm>>) dst(%arg14 : memref<32x256xbf16, #tpu.memory_space<vmem>>)
            %mul3A_196 = arith.constant 32 : i32
            %mul3A_197 = arith.muli %while3A_170, %mul3A_196 : i32
            %add3A_198 = arith.addi %mul3A_22, %mul3A_197 : i32
            "tpu.region"() ({
              %run_scoped3A = tpu.sem_alloc : memref<!tpu.dma_semaphore, #tpu.memory_space<semaphore_mem>>
              %dma_start3A_199 = arith.constant 0 : i32
              %dma_start3A_200 = tpu.memref_slice %arg7[%add3A_198, %dma_start3A_199] : memref<8192x256xbf16, #tpu.memory_space<hbm>> -> memref<32x256xbf16, #tpu.memory_space<hbm>>
              %dma_start3A_201 = arith.constant 0 : i32
              %dma_start3A_202 = tpu.memref_slice %arg7[%add3A_198, %dma_start3A_201] : memref<8192x256xbf16, #tpu.memory_space<hbm>> -> memref<32x256xbf16, #tpu.memory_space<hbm>>
              tpu.enqueue_dma source(%arg14 : memref<32x256xbf16, #tpu.memory_space<vmem>>) target(%dma_start3A_202 : memref<32x256xbf16, #tpu.memory_space<hbm>>) target_semaphore(%run_scoped3A : memref<!tpu.dma_semaphore, #tpu.memory_space<semaphore_mem>>)
              %dma_wait3A_203 = arith.constant 0 : i32
              %dma_wait3A_204 = tpu.memref_slice %arg7[%add3A_198, %dma_wait3A_203] : memref<8192x256xbf16, #tpu.memory_space<hbm>> -> memref<32x256xbf16, #tpu.memory_space<hbm>>
              %dma_wait3A_205 = arith.constant 0 : i32
              %dma_wait3A_206 = tpu.memref_slice %arg7[%add3A_198, %dma_wait3A_205] : memref<8192x256xbf16, #tpu.memory_space<hbm>> -> memref<32x256xbf16, #tpu.memory_space<hbm>>
              tpu.wait_dma2 semaphore(%run_scoped3A : memref<!tpu.dma_semaphore, #tpu.memory_space<semaphore_mem>>) src(%arg14 : memref<32x256xbf16, #tpu.memory_space<vmem>>) dst(%dma_wait3A_206 : memref<32x256xbf16, #tpu.memory_space<hbm>>)
              tpu.yield
            }) : () -> ()
          } else {
          }
        }
        %while3A_169 = arith.constant 1 : i32
        scf.for %while3A_170 = %while3A_167 to %while3A_163 step %while3A_169  : i32 {
          %rem3A_171 = arith.constant 2 : i32
          %rem3A_172 = arith.remsi %while3A_170, %rem3A_171 : i32
          %eq3A = arith.constant 0 : i32
          %eq3A_173 = arith.cmpi eq, %rem3A_172, %eq3A : i32
          %convert_element_type3A_174 = arith.extui %eq3A_173 : i1 to i32
          %cond3A_175 = arith.constant 0 : i32
          %cond3A_176 = arith.cmpi ne, %convert_element_type3A_174, %cond3A_175 : i32
          scf.if %cond3A_176 {
            %add3A_184 = arith.constant 1 : i32
            %add3A_185 = arith.addi %while3A_170, %add3A_184 : i32
            %lt3A_186 = arith.cmpi slt, %add3A_185, %min3A : i32
            %convert_element_type3A_187 = arith.extui %lt3A_186 : i1 to i32
            %cond3A_188 = arith.constant 0 : i32
            %cond3A_189 = arith.cmpi ne, %convert_element_type3A_187, %cond3A_188 : i32
            scf.if %cond3A_189 {
              %add3A_199 = arith.addi %select_n3A_151, %while3A_170 : i32
              %add3A_200 = arith.constant 1 : i32
              %add3A_201 = arith.addi %add3A_199, %add3A_200 : i32
              %dma_start3A_202 = arith.constant 0 : i32
              %dma_start3A_203 = tpu.memref_slice %arg10[%add3A_201, %dma_start3A_202] : memref<128x32xi32, #tpu.memory_space<vmem>> -> memref<1x32xi32, #tpu.memory_space<vmem>>
              %dma_start3A_204 = tpu.memref_squeeze %dma_start3A_203 : memref<1x32xi32, #tpu.memory_space<vmem>> -> memref<32xi32, #tpu.memory_space<vmem>>
              %dma_start3A_205 = arith.constant 0 : i32
              %dma_start3A_206 = arith.constant 0 : i32
              %dma_start3A_207 = tpu.memref_slice %arg4[%dma_start3A_205, %dma_start3A_206] : memref<8192x256xbf16, #tpu.memory_space<hbm>> -> memref<8192x256xbf16, #tpu.memory_space<hbm>>
              tpu.enqueue_indirect_dma source(%dma_start3A_207 : memref<8192x256xbf16, #tpu.memory_space<hbm>>) target(%arg14 : memref<32x256xbf16, #tpu.memory_space<vmem>>) offsets(%dma_start3A_204 : memref<32xi32, #tpu.memory_space<vmem>>) semaphore(%arg17 : memref<!tpu.dma_semaphore, #tpu.memory_space<semaphore_mem>>)
            } else {
            }
            %add3A_190 = arith.addi %select_n3A_151, %while3A_170 : i32
            %dma_wait3A = arith.constant 0 : i32
            %dma_wait3A_191 = tpu.memref_slice %arg10[%add3A_190, %dma_wait3A] : memref<128x32xi32, #tpu.memory_space<vmem>> -> memref<1x32xi32, #tpu.memory_space<vmem>>
            %dma_wait3A_192 = tpu.memref_squeeze %dma_wait3A_191 : memref<1x32xi32, #tpu.memory_space<vmem>> -> memref<32xi32, #tpu.memory_space<vmem>>
            %dma_wait3A_193 = arith.constant 0 : i32
            %dma_wait3A_194 = arith.constant 0 : i32
            %dma_wait3A_195 = tpu.memref_slice %arg4[%dma_wait3A_193, %dma_wait3A_194] : memref<8192x256xbf16, #tpu.memory_space<hbm>> -> memref<8192x256xbf16, #tpu.memory_space<hbm>>
            tpu.wait_indirect_dma semaphore(%arg17 : memref<!tpu.dma_semaphore, #tpu.memory_space<semaphore_mem>>) src(%dma_wait3A_195 : memref<8192x256xbf16, #tpu.memory_space<hbm>>) dst(%arg13 : memref<32x256xbf16, #tpu.memory_space<vmem>>)
            %mul3A_196 = arith.constant 32 : i32
            %mul3A_197 = arith.muli %while3A_170, %mul3A_196 : i32
            %add3A_198 = arith.addi %mul3A_22, %mul3A_197 : i32
            "tpu.region"() ({
              %run_scoped3A = tpu.sem_alloc : memref<!tpu.dma_semaphore, #tpu.memory_space<semaphore_mem>>
              %dma_start3A_199 = arith.constant 0 : i32
              %dma_start3A_200 = tpu.memref_slice %arg7[%add3A_198, %dma_start3A_199] : memref<8192x256xbf16, #tpu.memory_space<hbm>> -> memref<32x256xbf16, #tpu.memory_space<hbm>>
              %dma_start3A_201 = arith.constant 0 : i32
              %dma_start3A_202 = tpu.memref_slice %arg7[%add3A_198, %dma_start3A_201] : memref<8192x256xbf16, #tpu.memory_space<hbm>> -> memref<32x256xbf16, #tpu.memory_space<hbm>>
              tpu.enqueue_dma source(%arg13 : memref<32x256xbf16, #tpu.memory_space<vmem>>) target(%dma_start3A_202 : memref<32x256xbf16, #tpu.memory_space<hbm>>) target_semaphore(%run_scoped3A : memref<!tpu.dma_semaphore, #tpu.memory_space<semaphore_mem>>)
              %dma_wait3A_203 = arith.constant 0 : i32
              %dma_wait3A_204 = tpu.memref_slice %arg7[%add3A_198, %dma_wait3A_203] : memref<8192x256xbf16, #tpu.memory_space<hbm>> -> memref<32x256xbf16, #tpu.memory_space<hbm>>
              %dma_wait3A_205 = arith.constant 0 : i32
              %dma_wait3A_206 = tpu.memref_slice %arg7[%add3A_198, %dma_wait3A_205] : memref<8192x256xbf16, #tpu.memory_space<hbm>> -> memref<32x256xbf16, #tpu.memory_space<hbm>>
              tpu.wait_dma2 semaphore(%run_scoped3A : memref<!tpu.dma_semaphore, #tpu.memory_space<semaphore_mem>>) src(%arg13 : memref<32x256xbf16, #tpu.memory_space<vmem>>) dst(%dma_wait3A_206 : memref<32x256xbf16, #tpu.memory_space<hbm>>)
              tpu.yield
            }) : () -> ()
          } else {
          }
          %rem3A_177 = arith.constant 2 : i32
          %rem3A_178 = arith.remsi %while3A_170, %rem3A_177 : i32
          %eq3A_179 = arith.constant 1 : i32
          %eq3A_180 = arith.cmpi eq, %rem3A_178, %eq3A_179 : i32
          %convert_element_type3A_181 = arith.extui %eq3A_180 : i1 to i32
          %cond3A_182 = arith.constant 0 : i32
          %cond3A_183 = arith.cmpi ne, %convert_element_type3A_181, %cond3A_182 : i32
          scf.if %cond3A_183 {
            %add3A_184 = arith.constant 1 : i32
            %add3A_185 = arith.addi %while3A_170, %add3A_184 : i32
            %lt3A_186 = arith.cmpi slt, %add3A_185, %min3A : i32
            %convert_element_type3A_187 = arith.extui %lt3A_186 : i1 to i32
            %cond3A_188 = arith.constant 0 : i32
            %cond3A_189 = arith.cmpi ne, %convert_element_type3A_187, %cond3A_188 : i32
            scf.if %cond3A_189 {
              %add3A_199 = arith.addi %select_n3A_151, %while3A_170 : i32
              %add3A_200 = arith.constant 1 : i32
              %add3A_201 = arith.addi %add3A_199, %add3A_200 : i32
              %dma_start3A_202 = arith.constant 0 : i32
              %dma_start3A_203 = tpu.memref_slice %arg10[%add3A_201, %dma_start3A_202] : memref<128x32xi32, #tpu.memory_space<vmem>> -> memref<1x32xi32, #tpu.memory_space<vmem>>
              %dma_start3A_204 = tpu.memref_squeeze %dma_start3A_203 : memref<1x32xi32, #tpu.memory_space<vmem>> -> memref<32xi32, #tpu.memory_space<vmem>>
              %dma_start3A_205 = arith.constant 0 : i32
              %dma_start3A_206 = arith.constant 0 : i32
              %dma_start3A_207 = tpu.memref_slice %arg4[%dma_start3A_205, %dma_start3A_206] : memref<8192x256xbf16, #tpu.memory_space<hbm>> -> memref<8192x256xbf16, #tpu.memory_space<hbm>>
              tpu.enqueue_indirect_dma source(%dma_start3A_207 : memref<8192x256xbf16, #tpu.memory_space<hbm>>) target(%arg13 : memref<32x256xbf16, #tpu.memory_space<vmem>>) offsets(%dma_start3A_204 : memref<32xi32, #tpu.memory_space<vmem>>) semaphore(%arg17 : memref<!tpu.dma_semaphore, #tpu.memory_space<semaphore_mem>>)
            } else {
            }
            %add3A_190 = arith.addi %select_n3A_151, %while3A_170 : i32
            %dma_wait3A = arith.constant 0 : i32
            %dma_wait3A_191 = tpu.memref_slice %arg10[%add3A_190, %dma_wait3A] : memref<128x32xi32, #tpu.memory_space<vmem>> -> memref<1x32xi32, #tpu.memory_space<vmem>>
            %dma_wait3A_192 = tpu.memref_squeeze %dma_wait3A_191 : memref<1x32xi32, #tpu.memory_space<vmem>> -> memref<32xi32, #tpu.memory_space<vmem>>
            %dma_wait3A_193 = arith.constant 0 : i32
            %dma_wait3A_194 = arith.constant 0 : i32
            %dma_wait3A_195 = tpu.memref_slice %arg4[%dma_wait3A_193, %dma_wait3A_194] : memref<8192x256xbf16, #tpu.memory_space<hbm>> -> memref<8192x256xbf16, #tpu.memory_space<hbm>>
            tpu.wait_indirect_dma semaphore(%arg17 : memref<!tpu.dma_semaphore, #tpu.memory_space<semaphore_mem>>) src(%dma_wait3A_195 : memref<8192x256xbf16, #tpu.memory_space<hbm>>) dst(%arg14 : memref<32x256xbf16, #tpu.memory_space<vmem>>)
            %mul3A_196 = arith.constant 32 : i32
            %mul3A_197 = arith.muli %while3A_170, %mul3A_196 : i32
            %add3A_198 = arith.addi %mul3A_22, %mul3A_197 : i32
            "tpu.region"() ({
              %run_scoped3A = tpu.sem_alloc : memref<!tpu.dma_semaphore, #tpu.memory_space<semaphore_mem>>
              %dma_start3A_199 = arith.constant 0 : i32
              %dma_start3A_200 = tpu.memref_slice %arg7[%add3A_198, %dma_start3A_199] : memref<8192x256xbf16, #tpu.memory_space<hbm>> -> memref<32x256xbf16, #tpu.memory_space<hbm>>
              %dma_start3A_201 = arith.constant 0 : i32
              %dma_start3A_202 = tpu.memref_slice %arg7[%add3A_198, %dma_start3A_201] : memref<8192x256xbf16, #tpu.memory_space<hbm>> -> memref<32x256xbf16, #tpu.memory_space<hbm>>
              tpu.enqueue_dma source(%arg14 : memref<32x256xbf16, #tpu.memory_space<vmem>>) target(%dma_start3A_202 : memref<32x256xbf16, #tpu.memory_space<hbm>>) target_semaphore(%run_scoped3A : memref<!tpu.dma_semaphore, #tpu.memory_space<semaphore_mem>>)
              %dma_wait3A_203 = arith.constant 0 : i32
              %dma_wait3A_204 = tpu.memref_slice %arg7[%add3A_198, %dma_wait3A_203] : memref<8192x256xbf16, #tpu.memory_space<hbm>> -> memref<32x256xbf16, #tpu.memory_space<hbm>>
              %dma_wait3A_205 = arith.constant 0 : i32
              %dma_wait3A_206 = tpu.memref_slice %arg7[%add3A_198, %dma_wait3A_205] : memref<8192x256xbf16, #tpu.memory_space<hbm>> -> memref<32x256xbf16, #tpu.memory_space<hbm>>
              tpu.wait_dma2 semaphore(%run_scoped3A : memref<!tpu.dma_semaphore, #tpu.memory_space<semaphore_mem>>) src(%arg14 : memref<32x256xbf16, #tpu.memory_space<vmem>>) dst(%dma_wait3A_206 : memref<32x256xbf16, #tpu.memory_space<hbm>>)
              tpu.yield
            }) : () -> ()
          } else {
          }
        }
      } else {
      }
    } else {
    }
    %ge3A_11 = arith.constant 0 : i32
    %ge3A_12 = arith.cmpi sge, %arg1, %ge3A_11 : i32
    %lt3A_13 = arith.constant 8 : i32
    %lt3A_14 = arith.cmpi slt, %arg1, %lt3A_13 : i32
    %and3A_15 = arith.andi %ge3A_12, %lt3A_14 : i1
    %convert_element_type3A_16 = arith.extui %and3A_15 : i1 to i32
    %cond3A_17 = arith.constant 0 : i32
    %cond3A_18 = arith.cmpi ne, %convert_element_type3A_16, %cond3A_17 : i32
    scf.if %cond3A_18 {
      %sub3A = arith.constant 0 : i32
      %sub3A_19 = arith.subi %arg1, %sub3A : i32
      %mul3A = arith.constant 2 : i32
      %mul3A_20 = arith.muli %sub3A_19, %mul3A : i32
      %add3A = arith.addi %mul3A_20, %arg0 : i32
      %mul3A_21 = arith.constant 512 : i32
      %mul3A_22 = arith.muli %add3A, %mul3A_21 : i32
      %jit3A = arith.constant 4096 : i32
      %div3A = arith.divsi %mul3A_22, %jit3A : i32
      %sign3A = arith.constant 0 : i32
      %sign3A_23 = arith.cmpi sgt, %mul3A_22, %sign3A : i32
      %sign3A_24 = arith.extui %sign3A_23 : i1 to i32
      %sign3A_25 = arith.constant 0 : i32
      %sign3A_26 = arith.cmpi slt, %mul3A_22, %sign3A_25 : i32
      %sign3A_27 = arith.extui %sign3A_26 : i1 to i32
      %sign3A_28 = arith.subi %sign3A_24, %sign3A_27 : i32
      %sign3A_29 = arith.constant 0 : i32
      %sign3A_30 = arith.cmpi sgt, %jit3A, %sign3A_29 : i32
      %sign3A_31 = arith.extui %sign3A_30 : i1 to i32
      %sign3A_32 = arith.constant 0 : i32
      %sign3A_33 = arith.cmpi slt, %jit3A, %sign3A_32 : i32
      %sign3A_34 = arith.extui %sign3A_33 : i1 to i32
      %sign3A_35 = arith.subi %sign3A_31, %sign3A_34 : i32
      %ne3A = arith.cmpi ne, %sign3A_28, %sign3A_35 : i32
      %rem3A = arith.remsi %mul3A_22, %jit3A : i32
      %ne3A_36 = arith.constant 0 : i32
      %ne3A_37 = arith.cmpi ne, %rem3A, %ne3A_36 : i32
      %and3A_38 = arith.andi %ne3A, %ne3A_37 : i1
      %sub3A_39 = arith.constant 1 : i32
      %sub3A_40 = arith.subi %div3A, %sub3A_39 : i32
      %select_n3A = arith.select %and3A_38, %sub3A_40, %div3A : i32
      %mul3A_41 = arith.constant 4096 : i32
      %mul3A_42 = arith.muli %select_n3A, %mul3A_41 : i32
      %sub3A_43 = arith.subi %mul3A_22, %mul3A_42 : i32
      %mul3A_44 = arith.constant 4096 : i32
      %mul3A_45 = arith.muli %select_n3A, %mul3A_44 : i32
      "tpu.region"() ({
        %run_scoped3A = tpu.sem_alloc : memref<!tpu.dma_semaphore, #tpu.memory_space<semaphore_mem>>
        %dma_start3A = tpu.memref_slice %arg2[%mul3A_45] : memref<8192xi32, #tpu.memory_space<hbm>> -> memref<4096xi32, #tpu.memory_space<hbm>>
        %dma_start3A_156 = tpu.memref_slice %arg2[%mul3A_45] : memref<8192xi32, #tpu.memory_space<hbm>> -> memref<4096xi32, #tpu.memory_space<hbm>>
        tpu.enqueue_dma source(%dma_start3A_156 : memref<4096xi32, #tpu.memory_space<hbm>>) target(%arg9 : memref<4096xi32, #tpu.memory_space<vmem>>) target_semaphore(%run_scoped3A : memref<!tpu.dma_semaphore, #tpu.memory_space<semaphore_mem>>)
        %dma_wait3A = tpu.memref_slice %arg2[%mul3A_45] : memref<8192xi32, #tpu.memory_space<hbm>> -> memref<4096xi32, #tpu.memory_space<hbm>>
        %dma_wait3A_157 = tpu.memref_slice %arg2[%mul3A_45] : memref<8192xi32, #tpu.memory_space<hbm>> -> memref<4096xi32, #tpu.memory_space<hbm>>
        tpu.wait_dma2 semaphore(%run_scoped3A : memref<!tpu.dma_semaphore, #tpu.memory_space<semaphore_mem>>) src(%dma_wait3A_157 : memref<4096xi32, #tpu.memory_space<hbm>>) dst(%arg9 : memref<4096xi32, #tpu.memory_space<vmem>>)
        tpu.yield
      }) : () -> ()
      %scan3A = arith.constant 0 : i32
      %scan3A_46 = arith.constant 0 : i32
      %scan3A_47 = arith.constant 128 : i32
      %scan3A_48 = arith.addi %scan3A_46, %scan3A_47 : i32
      %scan3A_49 = arith.constant 1 : i32
      scf.for %scan3A_156 = %scan3A_46 to %scan3A_48 step %scan3A_49  : i32 {
        %broadcast_in_dim3A_157 = arith.constant 0 : i32
        %broadcast_in_dim3A_158 = vector.broadcast %broadcast_in_dim3A_157 : i32 to vector<16xi32>
        %swap3A = arith.index_cast %scan3A_156 : i32 to index
        %swap3A_159 = arith.constant 0 : index
        %swap3A_160 = tpu.vector_load %arg10[%swap3A, %swap3A_159] {strides = array<i32>} : memref<128x32xi32, #tpu.memory_space<vmem>>, vector<16xi32>,
        tpu.vector_store %arg10[%swap3A, %swap3A_159], %broadcast_in_dim3A_158 {strides = array<i32>} : memref<128x32xi32, #tpu.memory_space<vmem>>, vector<16xi32>,
        %broadcast_in_dim3A_161 = arith.constant 0 : i32
        %broadcast_in_dim3A_162 = vector.broadcast %broadcast_in_dim3A_161 : i32 to vector<16xi32>
        %swap3A_163 = arith.index_cast %scan3A_156 : i32 to index
        %swap3A_164 = arith.constant 16 : index
        %swap3A_165 = tpu.vector_load %arg10[%swap3A_163, %swap3A_164] {strides = array<i32>} : memref<128x32xi32, #tpu.memory_space<vmem>>, vector<16xi32>,
        tpu.vector_store %arg10[%swap3A_163, %swap3A_164], %broadcast_in_dim3A_162 {strides = array<i32>} : memref<128x32xi32, #tpu.memory_space<vmem>>, vector<16xi32>,
      }
      %scan3A_50 = arith.constant 128 : i32
      %mul3A_51 = arith.constant 4096 : i32
      %mul3A_52 = arith.muli %select_n3A, %mul3A_51 : i32
      %broadcast_in_dim3A = arith.constant 0 : i32
      %broadcast_in_dim3A_53 = vector.broadcast %broadcast_in_dim3A : i32 to vector<16xi32>
      %scan3A_54 = arith.constant 0 : i32
      %scan3A_55 = arith.constant 256 : i32
      %scan3A_56 = arith.addi %scan3A_54, %scan3A_55 : i32
      %scan3A_57 = arith.constant 1 : i32
      %scan3A_58 = scf.for %scan3A_156 = %scan3A_54 to %scan3A_56 step %scan3A_57 iter_args(%scan3A_157 = %broadcast_in_dim3A_53) -> (vector<16xi32>)  : i32 {
        %mul3A_158 = arith.constant 16 : i32
        %mul3A_159 = arith.muli %scan3A_156, %mul3A_158 : i32
        %get3A = arith.index_cast %mul3A_159 : i32 to index
        %get3A_160 = tpu.vector_load %arg9[%get3A] {strides = array<i32>} : memref<4096xi32, #tpu.memory_space<vmem>>, vector<16xi32>,
        %sub3A_161 = arith.constant 1 : i32
        %sub3A_162 = vector.broadcast %sub3A_161 : i32 to vector<16xi32>
        %sub3A_163 = arith.subi %get3A_160, %sub3A_162 : vector<16xi32>
        %max3A_164 = arith.constant 0 : i32
        %max3A_165 = vector.broadcast %max3A_164 : i32 to vector<16xi32>
        %max3A_166 = arith.maxsi %sub3A_163, %max3A_165 : vector<16xi32>
        %iota3A = tpu.iota {dimensions = array<i32: 0>} : vector<16xi32>
        %mul3A_167 = arith.constant 16 : i32
        %mul3A_168 = arith.muli %scan3A_156, %mul3A_167 : i32
        %add3A_169 = arith.addi %mul3A_168, %mul3A_52 : i32
        %add3A_170 = vector.broadcast %add3A_169 : i32 to vector<16xi32>
        %add3A_171 = arith.addi %iota3A, %add3A_170 : vector<16xi32>
        %shift_right_logical3A = arith.constant 5 : i32
        %shift_right_logical3A_172 = vector.broadcast %shift_right_logical3A : i32 to vector<16xi32>
        %shift_right_logical3A_173 = arith.shrui %max3A_166, %shift_right_logical3A_172 : vector<16xi32>
        %and3A_174 = arith.constant 31 : i32
        %and3A_175 = vector.broadcast %and3A_174 : i32 to vector<16xi32>
        %and3A_176 = arith.andi %max3A_166, %and3A_175 : vector<16xi32>
        %gt3A_177 = arith.constant 0 : i32
        %gt3A_178 = vector.broadcast %gt3A_177 : i32 to vector<16xi32>
        %gt3A_179 = arith.cmpi sgt, %get3A_160, %gt3A_178 : vector<16xi32>
        tpu.vector_store_idx %arg10[%shift_right_logical3A_173, %and3A_176], %add3A_171 masked %gt3A_179 : memref<128x32xi32, #tpu.memory_space<vmem>>[vector<16xi32>, vector<16xi32>], vector<16xi32>, vector<16xi1>
        %max3A_180 = arith.maxsi %scan3A_157, %get3A_160 : vector<16xi32>
        scf.yield %max3A_180 : vector<16xi32>
      }
      %scan3A_59 = arith.constant 256 : i32
      %reduce_max3A = arith.constant true
      %reduce_max3A_60 = vector.broadcast %reduce_max3A : i1 to vector<16xi1>
      %reduce_max3A_61 = arith.constant -2147483648 : i32
      %reduce_max3A_62 = vector.broadcast %reduce_max3A_61 : i32 to vector<16xi32>
      %reduce_max3A_63 = arith.xori %scan3A_58, %reduce_max3A_62 : vector<16xi32>
      %reduce_max3A_64 = tpu.scan <max>, %reduce_max3A_63 masked %reduce_max3A_60 : vector<16xi32>, vector<16xi1> -> vector<16xi32>
      %reduce_max3A_65 = arith.xori %reduce_max3A_64, %reduce_max3A_62 : vector<16xi32>
      %reduce_max3A_66 = vector.extract %reduce_max3A_65[15] : i32 from vector<16xi32>
      %add3A_67 = arith.constant 128 : i32
      %add3A_68 = arith.addi %reduce_max3A_66, %add3A_67 : i32
      %sub3A_69 = arith.constant 1 : i32
      %sub3A_70 = arith.subi %add3A_68, %sub3A_69 : i32
      %jit3A_71 = arith.constant 128 : i32
      %div3A_72 = arith.divsi %sub3A_70, %jit3A_71 : i32
      %sign3A_73 = arith.constant 0 : i32
      %sign3A_74 = arith.cmpi sgt, %sub3A_70, %sign3A_73 : i32
      %sign3A_75 = arith.extui %sign3A_74 : i1 to i32
      %sign3A_76 = arith.constant 0 : i32
      %sign3A_77 = arith.cmpi slt, %sub3A_70, %sign3A_76 : i32
      %sign3A_78 = arith.extui %sign3A_77 : i1 to i32
      %sign3A_79 = arith.subi %sign3A_75, %sign3A_78 : i32
      %sign3A_80 = arith.constant 0 : i32
      %sign3A_81 = arith.cmpi sgt, %jit3A_71, %sign3A_80 : i32
      %sign3A_82 = arith.extui %sign3A_81 : i1 to i32
      %sign3A_83 = arith.constant 0 : i32
      %sign3A_84 = arith.cmpi slt, %jit3A_71, %sign3A_83 : i32
      %sign3A_85 = arith.extui %sign3A_84 : i1 to i32
      %sign3A_86 = arith.subi %sign3A_82, %sign3A_85 : i32
      %ne3A_87 = arith.cmpi ne, %sign3A_79, %sign3A_86 : i32
      %rem3A_88 = arith.remsi %sub3A_70, %jit3A_71 : i32
      %ne3A_89 = arith.constant 0 : i32
      %ne3A_90 = arith.cmpi ne, %rem3A_88, %ne3A_89 : i32
      %and3A_91 = arith.andi %ne3A_87, %ne3A_90 : i1
      %sub3A_92 = arith.constant 1 : i32
      %sub3A_93 = arith.subi %div3A_72, %sub3A_92 : i32
      %select_n3A_94 = arith.select %and3A_91, %sub3A_93, %div3A_72 : i32
      %mul3A_95 = arith.constant 128 : i32
      %mul3A_96 = arith.muli %select_n3A_94, %mul3A_95 : i32
      %sub3A_97 = arith.subi %mul3A_96, %sub3A_43 : i32
      %add3A_98 = arith.constant 32 : i32
      %add3A_99 = arith.addi %sub3A_97, %add3A_98 : i32
      %sub3A_100 = arith.constant 1 : i32
      %sub3A_101 = arith.subi %add3A_99, %sub3A_100 : i32
      %jit3A_102 = arith.constant 32 : i32
      %div3A_103 = arith.divsi %sub3A_101, %jit3A_102 : i32
      %sign3A_104 = arith.constant 0 : i32
      %sign3A_105 = arith.cmpi sgt, %sub3A_101, %sign3A_104 : i32
      %sign3A_106 = arith.extui %sign3A_105 : i1 to i32
      %sign3A_107 = arith.constant 0 : i32
      %sign3A_108 = arith.cmpi slt, %sub3A_101, %sign3A_107 : i32
      %sign3A_109 = arith.extui %sign3A_108 : i1 to i32
      %sign3A_110 = arith.subi %sign3A_106, %sign3A_109 : i32
      %sign3A_111 = arith.constant 0 : i32
      %sign3A_112 = arith.cmpi sgt, %jit3A_102, %sign3A_111 : i32
      %sign3A_113 = arith.extui %sign3A_112 : i1 to i32
      %sign3A_114 = arith.constant 0 : i32
      %sign3A_115 = arith.cmpi slt, %jit3A_102, %sign3A_114 : i32
      %sign3A_116 = arith.extui %sign3A_115 : i1 to i32
      %sign3A_117 = arith.subi %sign3A_113, %sign3A_116 : i32
      %ne3A_118 = arith.cmpi ne, %sign3A_110, %sign3A_117 : i32
      %rem3A_119 = arith.remsi %sub3A_101, %jit3A_102 : i32
      %ne3A_120 = arith.constant 0 : i32
      %ne3A_121 = arith.cmpi ne, %rem3A_119, %ne3A_120 : i32
      %and3A_122 = arith.andi %ne3A_118, %ne3A_121 : i1
      %sub3A_123 = arith.constant 1 : i32
      %sub3A_124 = arith.subi %div3A_103, %sub3A_123 : i32
      %select_n3A_125 = arith.select %and3A_122, %sub3A_124, %div3A_103 : i32
      %jit3A_126 = arith.constant 0 : i32
      %jit3A_127 = arith.constant 16 : i32
      %max3A = arith.maxsi %jit3A_126, %select_n3A_125 : i32
      %min3A = arith.minsi %jit3A_127, %max3A : i32
      %jit3A_128 = arith.constant 32 : i32
      %div3A_129 = arith.divsi %sub3A_43, %jit3A_128 : i32
      %sign3A_130 = arith.constant 0 : i32
      %sign3A_131 = arith.cmpi sgt, %sub3A_43, %sign3A_130 : i32
      %sign3A_132 = arith.extui %sign3A_131 : i1 to i32
      %sign3A_133 = arith.constant 0 : i32
      %sign3A_134 = arith.cmpi slt, %sub3A_43, %sign3A_133 : i32
      %sign3A_135 = arith.extui %sign3A_134 : i1 to i32
      %sign3A_136 = arith.subi %sign3A_132, %sign3A_135 : i32
      %sign3A_137 = arith.constant 0 : i32
      %sign3A_138 = arith.cmpi sgt, %jit3A_128, %sign3A_137 : i32
      %sign3A_139 = arith.extui %sign3A_138 : i1 to i32
      %sign3A_140 = arith.constant 0 : i32
      %sign3A_141 = arith.cmpi slt, %jit3A_128, %sign3A_140 : i32
      %sign3A_142 = arith.extui %sign3A_141 : i1 to i32
      %sign3A_143 = arith.subi %sign3A_139, %sign3A_142 : i32
      %ne3A_144 = arith.cmpi ne, %sign3A_136, %sign3A_143 : i32
      %rem3A_145 = arith.remsi %sub3A_43, %jit3A_128 : i32
      %ne3A_146 = arith.constant 0 : i32
      %ne3A_147 = arith.cmpi ne, %rem3A_145, %ne3A_146 : i32
      %and3A_148 = arith.andi %ne3A_144, %ne3A_147 : i1
      %sub3A_149 = arith.constant 1 : i32
      %sub3A_150 = arith.subi %div3A_129, %sub3A_149 : i32
      %select_n3A_151 = arith.select %and3A_148, %sub3A_150, %div3A_129 : i32
      %gt3A = arith.constant 0 : i32
      %gt3A_152 = arith.cmpi sgt, %min3A, %gt3A : i32
      %convert_element_type3A_153 = arith.extui %gt3A_152 : i1 to i32
      %cond3A_154 = arith.constant 0 : i32
      %cond3A_155 = arith.cmpi ne, %convert_element_type3A_153, %cond3A_154 : i32
      scf.if %cond3A_155 {
        %dma_start3A = arith.constant 0 : i32
        %dma_start3A_156 = tpu.memref_slice %arg10[%select_n3A_151, %dma_start3A] : memref<128x32xi32, #tpu.memory_space<vmem>> -> memref<1x32xi32, #tpu.memory_space<vmem>>
        %dma_start3A_157 = tpu.memref_squeeze %dma_start3A_156 : memref<1x32xi32, #tpu.memory_space<vmem>> -> memref<32xi32, #tpu.memory_space<vmem>>
        %dma_start3A_158 = arith.constant 0 : i32
        %dma_start3A_159 = arith.constant 0 : i32
        %dma_start3A_160 = tpu.memref_slice %arg5[%dma_start3A_158, %dma_start3A_159] : memref<8192x1024xf32, #tpu.memory_space<hbm>> -> memref<8192x1024xf32, #tpu.memory_space<hbm>>
        tpu.enqueue_indirect_dma source(%dma_start3A_160 : memref<8192x1024xf32, #tpu.memory_space<hbm>>) target(%arg15 : memref<32x1024xf32, #tpu.memory_space<vmem>>) offsets(%dma_start3A_157 : memref<32xi32, #tpu.memory_space<vmem>>) semaphore(%arg17 : memref<!tpu.dma_semaphore, #tpu.memory_space<semaphore_mem>>)
        %while3A = arith.constant 0 : i32
        %while3A_161 = arith.constant 0 : i32
        %while3A_162 = arith.subi %min3A, %while3A_161 : i32
        %while3A_163 = arith.addi %while3A_161, %while3A_162 : i32
        %while3A_164 = arith.constant 1 : i32
        %while3A_165 = arith.divsi %while3A_162, %while3A_164 : i32
        %while3A_166 = arith.muli %while3A_165, %while3A_164 : i32
        %while3A_167 = arith.addi %while3A_161, %while3A_166 : i32
        %while3A_168 = arith.constant 1 : i32
        scf.for %while3A_170 = %while3A_161 to %while3A_167 step %while3A_168  : i32 {
          %rem3A_171 = arith.constant 2 : i32
          %rem3A_172 = arith.remsi %while3A_170, %rem3A_171 : i32
          %eq3A = arith.constant 0 : i32
          %eq3A_173 = arith.cmpi eq, %rem3A_172, %eq3A : i32
          %convert_element_type3A_174 = arith.extui %eq3A_173 : i1 to i32
          %cond3A_175 = arith.constant 0 : i32
          %cond3A_176 = arith.cmpi ne, %convert_element_type3A_174, %cond3A_175 : i32
          scf.if %cond3A_176 {
            %add3A_184 = arith.constant 1 : i32
            %add3A_185 = arith.addi %while3A_170, %add3A_184 : i32
            %lt3A_186 = arith.cmpi slt, %add3A_185, %min3A : i32
            %convert_element_type3A_187 = arith.extui %lt3A_186 : i1 to i32
            %cond3A_188 = arith.constant 0 : i32
            %cond3A_189 = arith.cmpi ne, %convert_element_type3A_187, %cond3A_188 : i32
            scf.if %cond3A_189 {
              %add3A_199 = arith.addi %select_n3A_151, %while3A_170 : i32
              %add3A_200 = arith.constant 1 : i32
              %add3A_201 = arith.addi %add3A_199, %add3A_200 : i32
              %dma_start3A_202 = arith.constant 0 : i32
              %dma_start3A_203 = tpu.memref_slice %arg10[%add3A_201, %dma_start3A_202] : memref<128x32xi32, #tpu.memory_space<vmem>> -> memref<1x32xi32, #tpu.memory_space<vmem>>
              %dma_start3A_204 = tpu.memref_squeeze %dma_start3A_203 : memref<1x32xi32, #tpu.memory_space<vmem>> -> memref<32xi32, #tpu.memory_space<vmem>>
              %dma_start3A_205 = arith.constant 0 : i32
              %dma_start3A_206 = arith.constant 0 : i32
              %dma_start3A_207 = tpu.memref_slice %arg5[%dma_start3A_205, %dma_start3A_206] : memref<8192x1024xf32, #tpu.memory_space<hbm>> -> memref<8192x1024xf32, #tpu.memory_space<hbm>>
              tpu.enqueue_indirect_dma source(%dma_start3A_207 : memref<8192x1024xf32, #tpu.memory_space<hbm>>) target(%arg16 : memref<32x1024xf32, #tpu.memory_space<vmem>>) offsets(%dma_start3A_204 : memref<32xi32, #tpu.memory_space<vmem>>) semaphore(%arg17 : memref<!tpu.dma_semaphore, #tpu.memory_space<semaphore_mem>>)
            } else {
            }
            %add3A_190 = arith.addi %select_n3A_151, %while3A_170 : i32
            %dma_wait3A = arith.constant 0 : i32
            %dma_wait3A_191 = tpu.memref_slice %arg10[%add3A_190, %dma_wait3A] : memref<128x32xi32, #tpu.memory_space<vmem>> -> memref<1x32xi32, #tpu.memory_space<vmem>>
            %dma_wait3A_192 = tpu.memref_squeeze %dma_wait3A_191 : memref<1x32xi32, #tpu.memory_space<vmem>> -> memref<32xi32, #tpu.memory_space<vmem>>
            %dma_wait3A_193 = arith.constant 0 : i32
            %dma_wait3A_194 = arith.constant 0 : i32
            %dma_wait3A_195 = tpu.memref_slice %arg5[%dma_wait3A_193, %dma_wait3A_194] : memref<8192x1024xf32, #tpu.memory_space<hbm>> -> memref<8192x1024xf32, #tpu.memory_space<hbm>>
            tpu.wait_indirect_dma semaphore(%arg17 : memref<!tpu.dma_semaphore, #tpu.memory_space<semaphore_mem>>) src(%dma_wait3A_195 : memref<8192x1024xf32, #tpu.memory_space<hbm>>) dst(%arg15 : memref<32x1024xf32, #tpu.memory_space<vmem>>)
            %mul3A_196 = arith.constant 32 : i32
            %mul3A_197 = arith.muli %while3A_170, %mul3A_196 : i32
            %add3A_198 = arith.addi %mul3A_22, %mul3A_197 : i32
            "tpu.region"() ({
              %run_scoped3A = tpu.sem_alloc : memref<!tpu.dma_semaphore, #tpu.memory_space<semaphore_mem>>
              %dma_start3A_199 = arith.constant 0 : i32
              %dma_start3A_200 = tpu.memref_slice %arg8[%add3A_198, %dma_start3A_199] : memref<8192x1024xf32, #tpu.memory_space<hbm>> -> memref<32x1024xf32, #tpu.memory_space<hbm>>
              %dma_start3A_201 = arith.constant 0 : i32
              %dma_start3A_202 = tpu.memref_slice %arg8[%add3A_198, %dma_start3A_201] : memref<8192x1024xf32, #tpu.memory_space<hbm>> -> memref<32x1024xf32, #tpu.memory_space<hbm>>
              tpu.enqueue_dma source(%arg15 : memref<32x1024xf32, #tpu.memory_space<vmem>>) target(%dma_start3A_202 : memref<32x1024xf32, #tpu.memory_space<hbm>>) target_semaphore(%run_scoped3A : memref<!tpu.dma_semaphore, #tpu.memory_space<semaphore_mem>>)
              %dma_wait3A_203 = arith.constant 0 : i32
              %dma_wait3A_204 = tpu.memref_slice %arg8[%add3A_198, %dma_wait3A_203] : memref<8192x1024xf32, #tpu.memory_space<hbm>> -> memref<32x1024xf32, #tpu.memory_space<hbm>>
              %dma_wait3A_205 = arith.constant 0 : i32
              %dma_wait3A_206 = tpu.memref_slice %arg8[%add3A_198, %dma_wait3A_205] : memref<8192x1024xf32, #tpu.memory_space<hbm>> -> memref<32x1024xf32, #tpu.memory_space<hbm>>
              tpu.wait_dma2 semaphore(%run_scoped3A : memref<!tpu.dma_semaphore, #tpu.memory_space<semaphore_mem>>) src(%arg15 : memref<32x1024xf32, #tpu.memory_space<vmem>>) dst(%dma_wait3A_206 : memref<32x1024xf32, #tpu.memory_space<hbm>>)
              tpu.yield
            }) : () -> ()
          } else {
          }
          %rem3A_177 = arith.constant 2 : i32
          %rem3A_178 = arith.remsi %while3A_170, %rem3A_177 : i32
          %eq3A_179 = arith.constant 1 : i32
          %eq3A_180 = arith.cmpi eq, %rem3A_178, %eq3A_179 : i32
          %convert_element_type3A_181 = arith.extui %eq3A_180 : i1 to i32
          %cond3A_182 = arith.constant 0 : i32
          %cond3A_183 = arith.cmpi ne, %convert_element_type3A_181, %cond3A_182 : i32
          scf.if %cond3A_183 {
            %add3A_184 = arith.constant 1 : i32
            %add3A_185 = arith.addi %while3A_170, %add3A_184 : i32
            %lt3A_186 = arith.cmpi slt, %add3A_185, %min3A : i32
            %convert_element_type3A_187 = arith.extui %lt3A_186 : i1 to i32
            %cond3A_188 = arith.constant 0 : i32
            %cond3A_189 = arith.cmpi ne, %convert_element_type3A_187, %cond3A_188 : i32
            scf.if %cond3A_189 {
              %add3A_199 = arith.addi %select_n3A_151, %while3A_170 : i32
              %add3A_200 = arith.constant 1 : i32
              %add3A_201 = arith.addi %add3A_199, %add3A_200 : i32
              %dma_start3A_202 = arith.constant 0 : i32
              %dma_start3A_203 = tpu.memref_slice %arg10[%add3A_201, %dma_start3A_202] : memref<128x32xi32, #tpu.memory_space<vmem>> -> memref<1x32xi32, #tpu.memory_space<vmem>>
              %dma_start3A_204 = tpu.memref_squeeze %dma_start3A_203 : memref<1x32xi32, #tpu.memory_space<vmem>> -> memref<32xi32, #tpu.memory_space<vmem>>
              %dma_start3A_205 = arith.constant 0 : i32
              %dma_start3A_206 = arith.constant 0 : i32
              %dma_start3A_207 = tpu.memref_slice %arg5[%dma_start3A_205, %dma_start3A_206] : memref<8192x1024xf32, #tpu.memory_space<hbm>> -> memref<8192x1024xf32, #tpu.memory_space<hbm>>
              tpu.enqueue_indirect_dma source(%dma_start3A_207 : memref<8192x1024xf32, #tpu.memory_space<hbm>>) target(%arg15 : memref<32x1024xf32, #tpu.memory_space<vmem>>) offsets(%dma_start3A_204 : memref<32xi32, #tpu.memory_space<vmem>>) semaphore(%arg17 : memref<!tpu.dma_semaphore, #tpu.memory_space<semaphore_mem>>)
            } else {
            }
            %add3A_190 = arith.addi %select_n3A_151, %while3A_170 : i32
            %dma_wait3A = arith.constant 0 : i32
            %dma_wait3A_191 = tpu.memref_slice %arg10[%add3A_190, %dma_wait3A] : memref<128x32xi32, #tpu.memory_space<vmem>> -> memref<1x32xi32, #tpu.memory_space<vmem>>
            %dma_wait3A_192 = tpu.memref_squeeze %dma_wait3A_191 : memref<1x32xi32, #tpu.memory_space<vmem>> -> memref<32xi32, #tpu.memory_space<vmem>>
            %dma_wait3A_193 = arith.constant 0 : i32
            %dma_wait3A_194 = arith.constant 0 : i32
            %dma_wait3A_195 = tpu.memref_slice %arg5[%dma_wait3A_193, %dma_wait3A_194] : memref<8192x1024xf32, #tpu.memory_space<hbm>> -> memref<8192x1024xf32, #tpu.memory_space<hbm>>
            tpu.wait_indirect_dma semaphore(%arg17 : memref<!tpu.dma_semaphore, #tpu.memory_space<semaphore_mem>>) src(%dma_wait3A_195 : memref<8192x1024xf32, #tpu.memory_space<hbm>>) dst(%arg16 : memref<32x1024xf32, #tpu.memory_space<vmem>>)
            %mul3A_196 = arith.constant 32 : i32
            %mul3A_197 = arith.muli %while3A_170, %mul3A_196 : i32
            %add3A_198 = arith.addi %mul3A_22, %mul3A_197 : i32
            "tpu.region"() ({
              %run_scoped3A = tpu.sem_alloc : memref<!tpu.dma_semaphore, #tpu.memory_space<semaphore_mem>>
              %dma_start3A_199 = arith.constant 0 : i32
              %dma_start3A_200 = tpu.memref_slice %arg8[%add3A_198, %dma_start3A_199] : memref<8192x1024xf32, #tpu.memory_space<hbm>> -> memref<32x1024xf32, #tpu.memory_space<hbm>>
              %dma_start3A_201 = arith.constant 0 : i32
              %dma_start3A_202 = tpu.memref_slice %arg8[%add3A_198, %dma_start3A_201] : memref<8192x1024xf32, #tpu.memory_space<hbm>> -> memref<32x1024xf32, #tpu.memory_space<hbm>>
              tpu.enqueue_dma source(%arg16 : memref<32x1024xf32, #tpu.memory_space<vmem>>) target(%dma_start3A_202 : memref<32x1024xf32, #tpu.memory_space<hbm>>) target_semaphore(%run_scoped3A : memref<!tpu.dma_semaphore, #tpu.memory_space<semaphore_mem>>)
              %dma_wait3A_203 = arith.constant 0 : i32
              %dma_wait3A_204 = tpu.memref_slice %arg8[%add3A_198, %dma_wait3A_203] : memref<8192x1024xf32, #tpu.memory_space<hbm>> -> memref<32x1024xf32, #tpu.memory_space<hbm>>
              %dma_wait3A_205 = arith.constant 0 : i32
              %dma_wait3A_206 = tpu.memref_slice %arg8[%add3A_198, %dma_wait3A_205] : memref<8192x1024xf32, #tpu.memory_space<hbm>> -> memref<32x1024xf32, #tpu.memory_space<hbm>>
              tpu.wait_dma2 semaphore(%run_scoped3A : memref<!tpu.dma_semaphore, #tpu.memory_space<semaphore_mem>>) src(%arg16 : memref<32x1024xf32, #tpu.memory_space<vmem>>) dst(%dma_wait3A_206 : memref<32x1024xf32, #tpu.memory_space<hbm>>)
              tpu.yield
            }) : () -> ()
          } else {
          }
        }
        %while3A_169 = arith.constant 1 : i32
        scf.for %while3A_170 = %while3A_167 to %while3A_163 step %while3A_169  : i32 {
          %rem3A_171 = arith.constant 2 : i32
          %rem3A_172 = arith.remsi %while3A_170, %rem3A_171 : i32
          %eq3A = arith.constant 0 : i32
          %eq3A_173 = arith.cmpi eq, %rem3A_172, %eq3A : i32
          %convert_element_type3A_174 = arith.extui %eq3A_173 : i1 to i32
          %cond3A_175 = arith.constant 0 : i32
          %cond3A_176 = arith.cmpi ne, %convert_element_type3A_174, %cond3A_175 : i32
          scf.if %cond3A_176 {
            %add3A_184 = arith.constant 1 : i32
            %add3A_185 = arith.addi %while3A_170, %add3A_184 : i32
            %lt3A_186 = arith.cmpi slt, %add3A_185, %min3A : i32
            %convert_element_type3A_187 = arith.extui %lt3A_186 : i1 to i32
            %cond3A_188 = arith.constant 0 : i32
            %cond3A_189 = arith.cmpi ne, %convert_element_type3A_187, %cond3A_188 : i32
            scf.if %cond3A_189 {
              %add3A_199 = arith.addi %select_n3A_151, %while3A_170 : i32
              %add3A_200 = arith.constant 1 : i32
              %add3A_201 = arith.addi %add3A_199, %add3A_200 : i32
              %dma_start3A_202 = arith.constant 0 : i32
              %dma_start3A_203 = tpu.memref_slice %arg10[%add3A_201, %dma_start3A_202] : memref<128x32xi32, #tpu.memory_space<vmem>> -> memref<1x32xi32, #tpu.memory_space<vmem>>
              %dma_start3A_204 = tpu.memref_squeeze %dma_start3A_203 : memref<1x32xi32, #tpu.memory_space<vmem>> -> memref<32xi32, #tpu.memory_space<vmem>>
              %dma_start3A_205 = arith.constant 0 : i32
              %dma_start3A_206 = arith.constant 0 : i32
              %dma_start3A_207 = tpu.memref_slice %arg5[%dma_start3A_205, %dma_start3A_206] : memref<8192x1024xf32, #tpu.memory_space<hbm>> -> memref<8192x1024xf32, #tpu.memory_space<hbm>>
              tpu.enqueue_indirect_dma source(%dma_start3A_207 : memref<8192x1024xf32, #tpu.memory_space<hbm>>) target(%arg16 : memref<32x1024xf32, #tpu.memory_space<vmem>>) offsets(%dma_start3A_204 : memref<32xi32, #tpu.memory_space<vmem>>) semaphore(%arg17 : memref<!tpu.dma_semaphore, #tpu.memory_space<semaphore_mem>>)
            } else {
            }
            %add3A_190 = arith.addi %select_n3A_151, %while3A_170 : i32
            %dma_wait3A = arith.constant 0 : i32
            %dma_wait3A_191 = tpu.memref_slice %arg10[%add3A_190, %dma_wait3A] : memref<128x32xi32, #tpu.memory_space<vmem>> -> memref<1x32xi32, #tpu.memory_space<vmem>>
            %dma_wait3A_192 = tpu.memref_squeeze %dma_wait3A_191 : memref<1x32xi32, #tpu.memory_space<vmem>> -> memref<32xi32, #tpu.memory_space<vmem>>
            %dma_wait3A_193 = arith.constant 0 : i32
            %dma_wait3A_194 = arith.constant 0 : i32
            %dma_wait3A_195 = tpu.memref_slice %arg5[%dma_wait3A_193, %dma_wait3A_194] : memref<8192x1024xf32, #tpu.memory_space<hbm>> -> memref<8192x1024xf32, #tpu.memory_space<hbm>>
            tpu.wait_indirect_dma semaphore(%arg17 : memref<!tpu.dma_semaphore, #tpu.memory_space<semaphore_mem>>) src(%dma_wait3A_195 : memref<8192x1024xf32, #tpu.memory_space<hbm>>) dst(%arg15 : memref<32x1024xf32, #tpu.memory_space<vmem>>)
            %mul3A_196 = arith.constant 32 : i32
            %mul3A_197 = arith.muli %while3A_170, %mul3A_196 : i32
            %add3A_198 = arith.addi %mul3A_22, %mul3A_197 : i32
            "tpu.region"() ({
              %run_scoped3A = tpu.sem_alloc : memref<!tpu.dma_semaphore, #tpu.memory_space<semaphore_mem>>
              %dma_start3A_199 = arith.constant 0 : i32
              %dma_start3A_200 = tpu.memref_slice %arg8[%add3A_198, %dma_start3A_199] : memref<8192x1024xf32, #tpu.memory_space<hbm>> -> memref<32x1024xf32, #tpu.memory_space<hbm>>
              %dma_start3A_201 = arith.constant 0 : i32
              %dma_start3A_202 = tpu.memref_slice %arg8[%add3A_198, %dma_start3A_201] : memref<8192x1024xf32, #tpu.memory_space<hbm>> -> memref<32x1024xf32, #tpu.memory_space<hbm>>
              tpu.enqueue_dma source(%arg15 : memref<32x1024xf32, #tpu.memory_space<vmem>>) target(%dma_start3A_202 : memref<32x1024xf32, #tpu.memory_space<hbm>>) target_semaphore(%run_scoped3A : memref<!tpu.dma_semaphore, #tpu.memory_space<semaphore_mem>>)
              %dma_wait3A_203 = arith.constant 0 : i32
              %dma_wait3A_204 = tpu.memref_slice %arg8[%add3A_198, %dma_wait3A_203] : memref<8192x1024xf32, #tpu.memory_space<hbm>> -> memref<32x1024xf32, #tpu.memory_space<hbm>>
              %dma_wait3A_205 = arith.constant 0 : i32
              %dma_wait3A_206 = tpu.memref_slice %arg8[%add3A_198, %dma_wait3A_205] : memref<8192x1024xf32, #tpu.memory_space<hbm>> -> memref<32x1024xf32, #tpu.memory_space<hbm>>
              tpu.wait_dma2 semaphore(%run_scoped3A : memref<!tpu.dma_semaphore, #tpu.memory_space<semaphore_mem>>) src(%arg15 : memref<32x1024xf32, #tpu.memory_space<vmem>>) dst(%dma_wait3A_206 : memref<32x1024xf32, #tpu.memory_space<hbm>>)
              tpu.yield
            }) : () -> ()
          } else {
          }
          %rem3A_177 = arith.constant 2 : i32
          %rem3A_178 = arith.remsi %while3A_170, %rem3A_177 : i32
          %eq3A_179 = arith.constant 1 : i32
          %eq3A_180 = arith.cmpi eq, %rem3A_178, %eq3A_179 : i32
          %convert_element_type3A_181 = arith.extui %eq3A_180 : i1 to i32
          %cond3A_182 = arith.constant 0 : i32
          %cond3A_183 = arith.cmpi ne, %convert_element_type3A_181, %cond3A_182 : i32
          scf.if %cond3A_183 {
            %add3A_184 = arith.constant 1 : i32
            %add3A_185 = arith.addi %while3A_170, %add3A_184 : i32
            %lt3A_186 = arith.cmpi slt, %add3A_185, %min3A : i32
            %convert_element_type3A_187 = arith.extui %lt3A_186 : i1 to i32
            %cond3A_188 = arith.constant 0 : i32
            %cond3A_189 = arith.cmpi ne, %convert_element_type3A_187, %cond3A_188 : i32
            scf.if %cond3A_189 {
              %add3A_199 = arith.addi %select_n3A_151, %while3A_170 : i32
              %add3A_200 = arith.constant 1 : i32
              %add3A_201 = arith.addi %add3A_199, %add3A_200 : i32
              %dma_start3A_202 = arith.constant 0 : i32
              %dma_start3A_203 = tpu.memref_slice %arg10[%add3A_201, %dma_start3A_202] : memref<128x32xi32, #tpu.memory_space<vmem>> -> memref<1x32xi32, #tpu.memory_space<vmem>>
              %dma_start3A_204 = tpu.memref_squeeze %dma_start3A_203 : memref<1x32xi32, #tpu.memory_space<vmem>> -> memref<32xi32, #tpu.memory_space<vmem>>
              %dma_start3A_205 = arith.constant 0 : i32
              %dma_start3A_206 = arith.constant 0 : i32
              %dma_start3A_207 = tpu.memref_slice %arg5[%dma_start3A_205, %dma_start3A_206] : memref<8192x1024xf32, #tpu.memory_space<hbm>> -> memref<8192x1024xf32, #tpu.memory_space<hbm>>
              tpu.enqueue_indirect_dma source(%dma_start3A_207 : memref<8192x1024xf32, #tpu.memory_space<hbm>>) target(%arg15 : memref<32x1024xf32, #tpu.memory_space<vmem>>) offsets(%dma_start3A_204 : memref<32xi32, #tpu.memory_space<vmem>>) semaphore(%arg17 : memref<!tpu.dma_semaphore, #tpu.memory_space<semaphore_mem>>)
            } else {
            }
            %add3A_190 = arith.addi %select_n3A_151, %while3A_170 : i32
            %dma_wait3A = arith.constant 0 : i32
            %dma_wait3A_191 = tpu.memref_slice %arg10[%add3A_190, %dma_wait3A] : memref<128x32xi32, #tpu.memory_space<vmem>> -> memref<1x32xi32, #tpu.memory_space<vmem>>
            %dma_wait3A_192 = tpu.memref_squeeze %dma_wait3A_191 : memref<1x32xi32, #tpu.memory_space<vmem>> -> memref<32xi32, #tpu.memory_space<vmem>>
            %dma_wait3A_193 = arith.constant 0 : i32
            %dma_wait3A_194 = arith.constant 0 : i32
            %dma_wait3A_195 = tpu.memref_slice %arg5[%dma_wait3A_193, %dma_wait3A_194] : memref<8192x1024xf32, #tpu.memory_space<hbm>> -> memref<8192x1024xf32, #tpu.memory_space<hbm>>
            tpu.wait_indirect_dma semaphore(%arg17 : memref<!tpu.dma_semaphore, #tpu.memory_space<semaphore_mem>>) src(%dma_wait3A_195 : memref<8192x1024xf32, #tpu.memory_space<hbm>>) dst(%arg16 : memref<32x1024xf32, #tpu.memory_space<vmem>>)
            %mul3A_196 = arith.constant 32 : i32
            %mul3A_197 = arith.muli %while3A_170, %mul3A_196 : i32
            %add3A_198 = arith.addi %mul3A_22, %mul3A_197 : i32
            "tpu.region"() ({
              %run_scoped3A = tpu.sem_alloc : memref<!tpu.dma_semaphore, #tpu.memory_space<semaphore_mem>>
              %dma_start3A_199 = arith.constant 0 : i32
              %dma_start3A_200 = tpu.memref_slice %arg8[%add3A_198, %dma_start3A_199] : memref<8192x1024xf32, #tpu.memory_space<hbm>> -> memref<32x1024xf32, #tpu.memory_space<hbm>>
              %dma_start3A_201 = arith.constant 0 : i32
              %dma_start3A_202 = tpu.memref_slice %arg8[%add3A_198, %dma_start3A_201] : memref<8192x1024xf32, #tpu.memory_space<hbm>> -> memref<32x1024xf32, #tpu.memory_space<hbm>>
              tpu.enqueue_dma source(%arg16 : memref<32x1024xf32, #tpu.memory_space<vmem>>) target(%dma_start3A_202 : memref<32x1024xf32, #tpu.memory_space<hbm>>) target_semaphore(%run_scoped3A : memref<!tpu.dma_semaphore, #tpu.memory_space<semaphore_mem>>)
              %dma_wait3A_203 = arith.constant 0 : i32
              %dma_wait3A_204 = tpu.memref_slice %arg8[%add3A_198, %dma_wait3A_203] : memref<8192x1024xf32, #tpu.memory_space<hbm>> -> memref<32x1024xf32, #tpu.memory_space<hbm>>
              %dma_wait3A_205 = arith.constant 0 : i32
              %dma_wait3A_206 = tpu.memref_slice %arg8[%add3A_198, %dma_wait3A_205] : memref<8192x1024xf32, #tpu.memory_space<hbm>> -> memref<32x1024xf32, #tpu.memory_space<hbm>>
              tpu.wait_dma2 semaphore(%run_scoped3A : memref<!tpu.dma_semaphore, #tpu.memory_space<semaphore_mem>>) src(%arg16 : memref<32x1024xf32, #tpu.memory_space<vmem>>) dst(%dma_wait3A_206 : memref<32x1024xf32, #tpu.memory_space<hbm>>)
              tpu.yield
            }) : () -> ()
          } else {
          }
        }
      } else {
      }
    } else {
    }
    return
  }
}

module attributes {stable_mosaic.version = 14 : i64} {
  func.func @_k1_body(%arg0: i32, %arg1: i32, %arg2: memref<1x128x1024xf32, #tpu.memory_space<vmem>>, %arg3: memref<128x2048xf32, #tpu.memory_space<vmem>>, %arg4: memref<128x2048xf32, #tpu.memory_space<vmem>>, %arg5: memref<128x2048xf32, #tpu.memory_space<vmem>>, %arg6: memref<1x2048xf32, #tpu.memory_space<vmem>>, %arg7: memref<1x1024xf32, #tpu.memory_space<vmem>>, %arg8: memref<1x1024xf32, #tpu.memory_space<vmem>>, %arg9: memref<1024x256xbf16, #tpu.memory_space<vmem>>, %arg10: memref<1024x256xbf16, #tpu.memory_space<vmem>>, %arg11: memref<1024x1024xbf16, #tpu.memory_space<vmem>>, %arg12: memref<128x256xbf16, #tpu.memory_space<vmem>>, %arg13: memref<128x256xbf16, #tpu.memory_space<vmem>>, %arg14: memref<128x1024xf32, #tpu.memory_space<vmem>>, %arg15: memref<1x128x1xf32, #tpu.memory_space<vmem>>, %arg16: memref<1x128x1xf32, #tpu.memory_space<vmem>>, %arg17: memref<8x2048xf32, #tpu.memory_space<vmem>>, %arg18: memref<1xf32, #tpu.memory_space<smem>>) attributes {dimension_semantics = [#tpu.dimension_semantics<arbitrary>, #tpu.dimension_semantics<arbitrary>], iteration_bounds = array<i64: 2, 32>, scalar_prefetch = 0 : i64, scratch_operands = 2 : i64, tpu.core_type = #tpu.core_type<tc>, window_params = [{transform_indices = @transform_0, window_bounds = array<i64: 1, 128, 1024>}, {pipeline_mode = #tpu.pipeline_mode<synchronous>, transform_indices = @transform_1, window_bounds = array<i64: 128, 2048>}, {pipeline_mode = #tpu.pipeline_mode<synchronous>, transform_indices = @transform_2, window_bounds = array<i64: 128, 2048>}, {pipeline_mode = #tpu.pipeline_mode<synchronous>, transform_indices = @transform_3, window_bounds = array<i64: 128, 2048>}, {pipeline_mode = #tpu.pipeline_mode<synchronous>, transform_indices = @transform_4, window_bounds = array<i64: 1, 2048>}, {pipeline_mode = #tpu.pipeline_mode<synchronous>, transform_indices = @transform_5, window_bounds = array<i64: 1, 1024>}, {pipeline_mode = #tpu.pipeline_mode<synchronous>, transform_indices = @transform_6, window_bounds = array<i64: 1, 1024>}, {pipeline_mode = #tpu.pipeline_mode<synchronous>, transform_indices = @transform_7, window_bounds = array<i64: 1024, 256>}, {pipeline_mode = #tpu.pipeline_mode<synchronous>, transform_indices = @transform_8, window_bounds = array<i64: 1024, 256>}, {pipeline_mode = #tpu.pipeline_mode<synchronous>, transform_indices = @transform_9, window_bounds = array<i64: 1024, 1024>}, {transform_indices = @transform_10, window_bounds = array<i64: 128, 256>}, {transform_indices = @transform_11, window_bounds = array<i64: 128, 256>}, {transform_indices = @transform_12, window_bounds = array<i64: 128, 1024>}, {transform_indices = @transform_13, window_bounds = array<i64: 1, 128, 1>}, {transform_indices = @transform_14, window_bounds = array<i64: 1, 128, 1>}]} {
    %eq3A = arith.constant 0 : i32
    %eq3A_0 = arith.cmpi eq, %arg1, %eq3A : i32
    %convert_element_type3A = arith.extui %eq3A_0 : i1 to i32
    %cond3A = arith.constant 0 : i32
    %cond3A_1 = arith.cmpi ne, %convert_element_type3A, %cond3A : i32
    scf.if %cond3A_1 {
      %broadcast_in_dim3A_124 = arith.constant 0.000000e+00 : f32
      %broadcast_in_dim3A_125 = vector.broadcast %broadcast_in_dim3A_124 : f32 to vector<8x2048xf32>
      %swap3A_126 = arith.constant 0 : index
      %swap3A_127 = arith.constant 0 : index
      %swap3A_128 = vector.load %arg17[%swap3A_126, %swap3A_127] : memref<8x2048xf32, #tpu.memory_space<vmem>>, vector<8x2048xf32>
      tpu.vector_store %arg17[%swap3A_126, %swap3A_127], %broadcast_in_dim3A_125 {strides = array<i32>} : memref<8x2048xf32, #tpu.memory_space<vmem>>, vector<8x2048xf32>,
      %swap3A_129 = arith.constant 0.000000e+00 : f32
      %swap3A_130 = arith.constant 0 : index
      %swap3A_131 = memref.load %arg18[%swap3A_130] : memref<1xf32, #tpu.memory_space<smem>>
      memref.store %swap3A_129, %arg18[%swap3A_130] : memref<1xf32, #tpu.memory_space<smem>>
    } else {
    }
    %get3A = arith.constant 0 : index
    %get3A_2 = arith.constant 0 : index
    %get3A_3 = arith.constant 0 : index
    %get3A_4 = vector.load %arg2[%get3A, %get3A_2, %get3A_3] : memref<1x128x1024xf32, #tpu.memory_space<vmem>>, vector<1x128x1024xf32>
    %get3A_5 = vector.shape_cast %get3A_4 : vector<1x128x1024xf32> to vector<128x1024xf32>
    %concatenate3A = tpu.concatenate %get3A_5, %get3A_5 in 1 : vector<128x1024xf32>, vector<128x1024xf32> -> vector<128x2048xf32>
    %iota3A = tpu.iota {dimensions = array<i32: 0>} : vector<128x128xi32>
    %iota3A_6 = tpu.iota {dimensions = array<i32: 1>} : vector<128x128xi32>
    %le3A = arith.cmpi sle, %iota3A_6, %iota3A : vector<128x128xi32>
    %convert_element_type3A_7 = arith.extui %le3A : vector<128x128xi1> to vector<128x128xi32>
    %convert_element_type3A_8 = arith.sitofp %convert_element_type3A_7 : vector<128x128xi32> to vector<128x128xf32>
    %get3A_9 = arith.constant 0 : index
    %get3A_10 = arith.constant 0 : index
    %get3A_11 = vector.load %arg3[%get3A_9, %get3A_10] : memref<128x2048xf32, #tpu.memory_space<vmem>>, vector<128x2048xf32>
    %mul3A = arith.mulf %concatenate3A, %get3A_11 : vector<128x2048xf32>
    %dot_general3A = arith.constant dense<0.000000e+00> : vector<128x2048xf32>
    %dot_general3A_12 = tpu.matmul %convert_element_type3A_8, %mul3A, %dot_general3A {dimension_numbers = #tpu.dot_dimension_numbers<[1], [0], [0], [1], [0, 0, 1, 1], [], []>, transpose_lhs_hint = false} : vector<128x128xf32>, vector<128x2048xf32>, vector<128x2048xf32> -> vector<128x2048xf32>
    %get3A_13 = arith.constant 0 : index
    %get3A_14 = arith.constant 0 : index
    %get3A_15 = vector.load %arg4[%get3A_13, %get3A_14] : memref<128x2048xf32, #tpu.memory_space<vmem>>, vector<128x2048xf32>
    %mul3A_16 = arith.mulf %dot_general3A_12, %get3A_15 : vector<128x2048xf32>
    %get3A_17 = arith.constant 0 : index
    %get3A_18 = arith.constant 0 : index
    %get3A_19 = vector.load %arg17[%get3A_17, %get3A_18] : memref<8x2048xf32, #tpu.memory_space<vmem>>, vector<1x2048xf32>
    %get3A_20 = arith.constant 0 : index
    %get3A_21 = arith.constant 0 : index
    %get3A_22 = vector.load %arg5[%get3A_20, %get3A_21] : memref<128x2048xf32, #tpu.memory_space<vmem>>, vector<128x2048xf32>
    %mul3A_23 = vector.broadcast %get3A_19 : vector<1x2048xf32> to vector<128x2048xf32>
    %mul3A_24 = arith.mulf %mul3A_23, %get3A_22 : vector<128x2048xf32>
    %add3A = arith.addf %mul3A_16, %mul3A_24 : vector<128x2048xf32>
    %slice3A = vector.extract_strided_slice %add3A {offsets = [127, 0], sizes = [1, 2048], strides = [1, 1]} : vector<128x2048xf32> to vector<1x2048xf32>
    %swap3A = arith.constant 0 : index
    %swap3A_25 = arith.constant 0 : index
    %swap3A_26 = vector.load %arg17[%swap3A, %swap3A_25] : memref<8x2048xf32, #tpu.memory_space<vmem>>, vector<1x2048xf32>
    tpu.vector_store %arg17[%swap3A, %swap3A_25], %slice3A {strides = array<i32>} : memref<8x2048xf32, #tpu.memory_space<vmem>>, vector<1x2048xf32>,
    %get3A_27 = arith.constant 0 : index
    %get3A_28 = arith.constant 0 : index
    %get3A_29 = vector.load %arg6[%get3A_27, %get3A_28] : memref<1x2048xf32, #tpu.memory_space<vmem>>, vector<1x2048xf32>
    %mul3A_30 = vector.broadcast %get3A_29 : vector<1x2048xf32> to vector<128x2048xf32>
    %mul3A_31 = arith.mulf %add3A, %mul3A_30 : vector<128x2048xf32>
    %slice3A_32 = vector.extract_strided_slice %mul3A_31 {offsets = [0, 0], sizes = [128, 1024], strides = [1, 1]} : vector<128x2048xf32> to vector<128x1024xf32>
    %slice3A_33 = vector.extract_strided_slice %mul3A_31 {offsets = [0, 1024], sizes = [128, 1024], strides = [1, 1]} : vector<128x2048xf32> to vector<128x1024xf32>
    %add3A_34 = arith.addf %slice3A_32, %slice3A_33 : vector<128x1024xf32>
    %get3A_35 = arith.constant 0 : index
    %get3A_36 = arith.constant 0 : index
    %get3A_37 = vector.load %arg7[%get3A_35, %get3A_36] : memref<1x1024xf32, #tpu.memory_space<vmem>>, vector<1x1024xf32>
    %mul3A_38 = vector.broadcast %get3A_37 : vector<1x1024xf32> to vector<128x1024xf32>
    %mul3A_39 = arith.mulf %get3A_5, %mul3A_38 : vector<128x1024xf32>
    %add3A_40 = arith.addf %add3A_34, %mul3A_39 : vector<128x1024xf32>
    %logistic3A = arith.negf %add3A_40 : vector<128x1024xf32>
    %logistic3A_41 = math.exp %logistic3A : vector<128x1024xf32>
    %logistic3A_42 = arith.constant 1.000000e+00 : f32
    %logistic3A_43 = vector.broadcast %logistic3A_42 : f32 to vector<128x1024xf32>
    %logistic3A_44 = arith.addf %logistic3A_43, %logistic3A_41 : vector<128x1024xf32>
    %logistic3A_45 = arith.divf %logistic3A_43, %logistic3A_44 : vector<128x1024xf32>
    %mul3A_46 = arith.mulf %add3A_40, %logistic3A_45 : vector<128x1024xf32>
    %get3A_47 = arith.constant 0 : index
    %get3A_48 = arith.constant 0 : index
    %get3A_49 = vector.load %arg8[%get3A_47, %get3A_48] : memref<1x1024xf32, #tpu.memory_space<vmem>>, vector<1x1024xf32>
    %mul3A_50 = vector.broadcast %get3A_49 : vector<1x1024xf32> to vector<128x1024xf32>
    %mul3A_51 = arith.mulf %mul3A_46, %mul3A_50 : vector<128x1024xf32>
    %reduce_sum3A = arith.constant dense<0.000000e+00> : vector<128xf32>
    %reduce_sum3A_52 = vector.multi_reduction <add>, %mul3A_51, %reduce_sum3A [1] : vector<128x1024xf32> to vector<128xf32>
    %broadcast_in_dim3A = vector.shape_cast %reduce_sum3A_52 : vector<128xf32> to vector<128x1xf32>
    %gt3A = arith.constant 0.000000e+00 : f32
    %gt3A_53 = vector.broadcast %gt3A : f32 to vector<128x1xf32>
    %gt3A_54 = arith.cmpf ogt, %broadcast_in_dim3A, %gt3A_53 : vector<128x1xf32>
    %convert_element_type3A_55 = arith.extui %gt3A_54 : vector<128x1xi1> to vector<128x1xi32>
    %convert_element_type3A_56 = arith.sitofp %convert_element_type3A_55 : vector<128x1xi32> to vector<128x1xf32>
    %logistic3A_57 = arith.negf %broadcast_in_dim3A : vector<128x1xf32>
    %logistic3A_58 = math.exp %logistic3A_57 : vector<128x1xf32>
    %logistic3A_59 = arith.constant 1.000000e+00 : f32
    %logistic3A_60 = vector.broadcast %logistic3A_59 : f32 to vector<128x1xf32>
    %logistic3A_61 = arith.addf %logistic3A_60, %logistic3A_58 : vector<128x1xf32>
    %logistic3A_62 = arith.divf %logistic3A_60, %logistic3A_61 : vector<128x1xf32>
    %mul3A_63 = arith.mulf %logistic3A_62, %convert_element_type3A_56 : vector<128x1xf32>
    %swap3A_64 = arith.constant 0 : index
    %swap3A_65 = arith.constant 0 : index
    %swap3A_66 = arith.constant 0 : index
    %swap3A_67 = vector.load %arg15[%swap3A_64, %swap3A_65, %swap3A_66] : memref<1x128x1xf32, #tpu.memory_space<vmem>>, vector<1x128x1xf32>
    %swap3A_68 = vector.shape_cast %swap3A_67 : vector<1x128x1xf32> to vector<128x1xf32>
    %swap3A_69 = vector.shape_cast %mul3A_63 : vector<128x1xf32> to vector<1x128x1xf32>
    tpu.vector_store %arg15[%swap3A_64, %swap3A_65, %swap3A_66], %swap3A_69 {strides = array<i32>} : memref<1x128x1xf32, #tpu.memory_space<vmem>>, vector<1x128x1xf32>,
    %dot_general3A_70 = arith.constant dense<0.000000e+00> : vector<128x1xf32>
    %dot_general3A_71 = tpu.matmul %convert_element_type3A_8, %convert_element_type3A_56, %dot_general3A_70 {dimension_numbers = #tpu.dot_dimension_numbers<[1], [0], [0], [1], [0, 0, 1, 1], [], []>, transpose_lhs_hint = false} : vector<128x128xf32>, vector<128x1xf32>, vector<128x1xf32> -> vector<128x1xf32>
    %get3A_72 = arith.constant 0 : index
    %get3A_73 = memref.load %arg18[%get3A_72] : memref<1xf32, #tpu.memory_space<smem>>
    %add3A_74 = vector.broadcast %get3A_73 : f32 to vector<128x1xf32>
    %add3A_75 = arith.addf %dot_general3A_71, %add3A_74 : vector<128x1xf32>
    %mul3A_76 = arith.mulf %add3A_75, %convert_element_type3A_56 : vector<128x1xf32>
    %swap3A_77 = arith.constant 0 : index
    %swap3A_78 = arith.constant 0 : index
    %swap3A_79 = arith.constant 0 : index
    %swap3A_80 = vector.load %arg16[%swap3A_77, %swap3A_78, %swap3A_79] : memref<1x128x1xf32, #tpu.memory_space<vmem>>, vector<1x128x1xf32>
    %swap3A_81 = vector.shape_cast %swap3A_80 : vector<1x128x1xf32> to vector<128x1xf32>
    %swap3A_82 = vector.shape_cast %mul3A_76 : vector<128x1xf32> to vector<1x128x1xf32>
    tpu.vector_store %arg16[%swap3A_77, %swap3A_78, %swap3A_79], %swap3A_82 {strides = array<i32>} : memref<1x128x1xf32, #tpu.memory_space<vmem>>, vector<1x128x1xf32>,
    %get3A_83 = arith.constant 0 : index
    %get3A_84 = memref.load %arg18[%get3A_83] : memref<1xf32, #tpu.memory_space<smem>>
    %slice3A_85 = vector.extract_strided_slice %dot_general3A_71 {offsets = [127, 0], sizes = [1, 1], strides = [1, 1]} : vector<128x1xf32> to vector<1x1xf32>
    %squeeze3A = vector.extract %slice3A_85[0, 0] : f32 from vector<1x1xf32>
    %add3A_86 = arith.addf %get3A_84, %squeeze3A : f32
    %swap3A_87 = arith.constant 0 : index
    %swap3A_88 = memref.load %arg18[%swap3A_87] : memref<1xf32, #tpu.memory_space<smem>>
    memref.store %add3A_86, %arg18[%swap3A_87] : memref<1xf32, #tpu.memory_space<smem>>
    %convert_element_type3A_89 = arith.truncf %mul3A_46 : vector<128x1024xf32> to vector<128x1024xbf16>
    %get3A_90 = arith.constant 0 : index
    %get3A_91 = arith.constant 0 : index
    %get3A_92 = vector.load %arg9[%get3A_90, %get3A_91] : memref<1024x256xbf16, #tpu.memory_space<vmem>>, vector<1024x256xbf16>
    %dot_general3A_93 = arith.constant dense<0.000000e+00> : vector<128x256xf32>
    %dot_general3A_94 = tpu.matmul %convert_element_type3A_89, %get3A_92, %dot_general3A_93 {dimension_numbers = #tpu.dot_dimension_numbers<[1], [0], [0], [1], [0, 0, 1, 1], [], []>, transpose_lhs_hint = false} : vector<128x1024xbf16>, vector<1024x256xbf16>, vector<128x256xf32> -> vector<128x256xf32>
    %convert_element_type3A_95 = arith.truncf %dot_general3A_94 : vector<128x256xf32> to vector<128x256xbf16>
    %swap3A_96 = arith.constant 0 : index
    %swap3A_97 = arith.constant 0 : index
    %swap3A_98 = vector.load %arg12[%swap3A_96, %swap3A_97] : memref<128x256xbf16, #tpu.memory_space<vmem>>, vector<128x256xbf16>
    tpu.vector_store %arg12[%swap3A_96, %swap3A_97], %convert_element_type3A_95 {strides = array<i32>} : memref<128x256xbf16, #tpu.memory_space<vmem>>, vector<128x256xbf16>,
    %get3A_99 = arith.constant 0 : index
    %get3A_100 = arith.constant 0 : index
    %get3A_101 = vector.load %arg10[%get3A_99, %get3A_100] : memref<1024x256xbf16, #tpu.memory_space<vmem>>, vector<1024x256xbf16>
    %dot_general3A_102 = arith.constant dense<0.000000e+00> : vector<128x256xf32>
    %dot_general3A_103 = tpu.matmul %convert_element_type3A_89, %get3A_101, %dot_general3A_102 {dimension_numbers = #tpu.dot_dimension_numbers<[1], [0], [0], [1], [0, 0, 1, 1], [], []>, transpose_lhs_hint = false} : vector<128x1024xbf16>, vector<1024x256xbf16>, vector<128x256xf32> -> vector<128x256xf32>
    %convert_element_type3A_104 = arith.truncf %dot_general3A_103 : vector<128x256xf32> to vector<128x256xbf16>
    %swap3A_105 = arith.constant 0 : index
    %swap3A_106 = arith.constant 0 : index
    %swap3A_107 = vector.load %arg13[%swap3A_105, %swap3A_106] : memref<128x256xbf16, #tpu.memory_space<vmem>>, vector<128x256xbf16>
    tpu.vector_store %arg13[%swap3A_105, %swap3A_106], %convert_element_type3A_104 {strides = array<i32>} : memref<128x256xbf16, #tpu.memory_space<vmem>>, vector<128x256xbf16>,
    %convert_element_type3A_108 = arith.truncf %get3A_5 : vector<128x1024xf32> to vector<128x1024xbf16>
    %get3A_109 = arith.constant 0 : index
    %get3A_110 = arith.constant 0 : index
    %get3A_111 = vector.load %arg11[%get3A_109, %get3A_110] : memref<1024x1024xbf16, #tpu.memory_space<vmem>>, vector<1024x1024xbf16>
    %dot_general3A_112 = arith.constant dense<0.000000e+00> : vector<128x1024xf32>
    %dot_general3A_113 = tpu.matmul %convert_element_type3A_108, %get3A_111, %dot_general3A_112 {dimension_numbers = #tpu.dot_dimension_numbers<[1], [0], [0], [1], [0, 0, 1, 1], [], []>, transpose_lhs_hint = false} : vector<128x1024xbf16>, vector<1024x1024xbf16>, vector<128x1024xf32> -> vector<128x1024xf32>
    %logistic3A_114 = arith.negf %dot_general3A_113 : vector<128x1024xf32>
    %logistic3A_115 = math.exp %logistic3A_114 : vector<128x1024xf32>
    %logistic3A_116 = arith.constant 1.000000e+00 : f32
    %logistic3A_117 = vector.broadcast %logistic3A_116 : f32 to vector<128x1024xf32>
    %logistic3A_118 = arith.addf %logistic3A_117, %logistic3A_115 : vector<128x1024xf32>
    %logistic3A_119 = arith.divf %logistic3A_117, %logistic3A_118 : vector<128x1024xf32>
    %mul3A_120 = arith.mulf %dot_general3A_113, %logistic3A_119 : vector<128x1024xf32>
    %swap3A_121 = arith.constant 0 : index
    %swap3A_122 = arith.constant 0 : index
    %swap3A_123 = vector.load %arg14[%swap3A_121, %swap3A_122] : memref<128x1024xf32, #tpu.memory_space<vmem>>, vector<128x1024xf32>
    tpu.vector_store %arg14[%swap3A_121, %swap3A_122], %mul3A_120 {strides = array<i32>} : memref<128x1024xf32, #tpu.memory_space<vmem>>, vector<128x1024xf32>,
    return
  }
  func.func @transform_0(%arg0: i32, %arg1: i32) -> (i32, i32, i32) {
    %c0_i32 = arith.constant 0 : i32
    %c0_i32_0 = arith.constant 0 : i32
    return %arg0, %arg1, %c0_i32 : i32, i32, i32
  }
  func.func @transform_1(%arg0: i32, %arg1: i32) -> (i32, i32) {
    %c0_i32 = arith.constant 0 : i32
    %c0_i32_0 = arith.constant 0 : i32
    %c0_i32_1 = arith.constant 0 : i32
    return %c0_i32, %c0_i32_0 : i32, i32
  }
  func.func @transform_2(%arg0: i32, %arg1: i32) -> (i32, i32) {
    %c0_i32 = arith.constant 0 : i32
    %c0_i32_0 = arith.constant 0 : i32
    %c0_i32_1 = arith.constant 0 : i32
    return %c0_i32, %c0_i32_0 : i32, i32
  }
  func.func @transform_3(%arg0: i32, %arg1: i32) -> (i32, i32) {
    %c0_i32 = arith.constant 0 : i32
    %c0_i32_0 = arith.constant 0 : i32
    %c0_i32_1 = arith.constant 0 : i32
    return %c0_i32, %c0_i32_0 : i32, i32
  }
  func.func @transform_4(%arg0: i32, %arg1: i32) -> (i32, i32) {
    %c0_i32 = arith.constant 0 : i32
    %c0_i32_0 = arith.constant 0 : i32
    %c0_i32_1 = arith.constant 0 : i32
    return %c0_i32, %c0_i32_0 : i32, i32
  }
  func.func @transform_5(%arg0: i32, %arg1: i32) -> (i32, i32) {
    %c0_i32 = arith.constant 0 : i32
    %c0_i32_0 = arith.constant 0 : i32
    %c0_i32_1 = arith.constant 0 : i32
    return %c0_i32, %c0_i32_0 : i32, i32
  }
  func.func @transform_6(%arg0: i32, %arg1: i32) -> (i32, i32) {
    %c0_i32 = arith.constant 0 : i32
    %c0_i32_0 = arith.constant 0 : i32
    %c0_i32_1 = arith.constant 0 : i32
    return %c0_i32, %c0_i32_0 : i32, i32
  }
  func.func @transform_7(%arg0: i32, %arg1: i32) -> (i32, i32) {
    %c0_i32 = arith.constant 0 : i32
    %c0_i32_0 = arith.constant 0 : i32
    %c0_i32_1 = arith.constant 0 : i32
    return %c0_i32, %c0_i32_0 : i32, i32
  }
  func.func @transform_8(%arg0: i32, %arg1: i32) -> (i32, i32) {
    %c0_i32 = arith.constant 0 : i32
    %c0_i32_0 = arith.constant 0 : i32
    %c0_i32_1 = arith.constant 0 : i32
    return %c0_i32, %c0_i32_0 : i32, i32
  }
  func.func @transform_9(%arg0: i32, %arg1: i32) -> (i32, i32) {
    %c0_i32 = arith.constant 0 : i32
    %c0_i32_0 = arith.constant 0 : i32
    %c0_i32_1 = arith.constant 0 : i32
    return %c0_i32, %c0_i32_0 : i32, i32
  }
  func.func @transform_10(%arg0: i32, %arg1: i32) -> (i32, i32) {
    %mul3A = arith.constant 32 : i32
    %mul3A_0 = arith.muli %arg0, %mul3A : i32
    %add3A = arith.addi %mul3A_0, %arg1 : i32
    %c0_i32 = arith.constant 0 : i32
    %c0_i32_1 = arith.constant 0 : i32
    return %add3A, %c0_i32 : i32, i32
  }
  func.func @transform_11(%arg0: i32, %arg1: i32) -> (i32, i32) {
    %mul3A = arith.constant 32 : i32
    %mul3A_0 = arith.muli %arg0, %mul3A : i32
    %add3A = arith.addi %mul3A_0, %arg1 : i32
    %c0_i32 = arith.constant 0 : i32
    %c0_i32_1 = arith.constant 0 : i32
    return %add3A, %c0_i32 : i32, i32
  }
  func.func @transform_12(%arg0: i32, %arg1: i32) -> (i32, i32) {
    %mul3A = arith.constant 32 : i32
    %mul3A_0 = arith.muli %arg0, %mul3A : i32
    %add3A = arith.addi %mul3A_0, %arg1 : i32
    %c0_i32 = arith.constant 0 : i32
    %c0_i32_1 = arith.constant 0 : i32
    return %add3A, %c0_i32 : i32, i32
  }
  func.func @transform_13(%arg0: i32, %arg1: i32) -> (i32, i32, i32) {
    %c0_i32 = arith.constant 0 : i32
    %c0_i32_0 = arith.constant 0 : i32
    return %arg0, %arg1, %c0_i32 : i32, i32, i32
  }
  func.func @transform_14(%arg0: i32, %arg1: i32) -> (i32, i32, i32) {
    %c0_i32 = arith.constant 0 : i32
    %c0_i32_0 = arith.constant 0 : i32
    return %arg0, %arg1, %c0_i32 : i32, i32, i32
  }
}

module attributes {stable_mosaic.version = 14 : i64} {
  func.func @_k3_body(%arg0: i32, %arg1: i32, %arg2: memref<128x256xbf16, #tpu.memory_space<vmem>>, %arg3: memref<128x256xbf16, #tpu.memory_space<vmem>>, %arg4: memref<128x1024xf32, #tpu.memory_space<vmem>>, %arg5: memref<128x128xf32, #tpu.memory_space<vmem>>, %arg6: memref<1024x1024xbf16, #tpu.memory_space<vmem>>, %arg7: memref<2xi32, #tpu.memory_space<smem>>, %arg8: memref<128x1024xf32, #tpu.memory_space<vmem>>) attributes {dimension_semantics = [#tpu.dimension_semantics<arbitrary>, #tpu.dimension_semantics<arbitrary>], iteration_bounds = array<i64: 2, 32>, scalar_prefetch = 0 : i64, scratch_operands = 0 : i64, tpu.core_type = #tpu.core_type<tc>, window_params = [{transform_indices = @transform_0, window_bounds = array<i64: 128, 256>}, {transform_indices = @transform_1, window_bounds = array<i64: 128, 256>}, {transform_indices = @transform_2, window_bounds = array<i64: 128, 1024>}, {pipeline_mode = #tpu.pipeline_mode<synchronous>, transform_indices = @transform_3, window_bounds = array<i64: 128, 128>}, {pipeline_mode = #tpu.pipeline_mode<synchronous>, transform_indices = @transform_4, window_bounds = array<i64: 1024, 1024>}, {transform_indices = @transform_5, window_bounds = array<i64: 2>}, {transform_indices = @transform_6, window_bounds = array<i64: 128, 1024>}]} {
    %get3A = arith.index_cast %arg0 : i32 to index
    %get3A_0 = memref.load %arg7[%get3A] : memref<2xi32, #tpu.memory_space<smem>>
    %mul3A = arith.constant 128 : i32
    %mul3A_1 = arith.muli %arg1, %mul3A : i32
    %lt3A = arith.cmpi slt, %mul3A_1, %get3A_0 : i32
    %convert_element_type3A = arith.extui %lt3A : i1 to i32
    %cond3A = arith.constant 0 : i32
    %cond3A_2 = arith.cmpi ne, %convert_element_type3A, %cond3A : i32
    scf.if %cond3A_2 {
      %get3A_3 = arith.constant 0 : index
      %get3A_4 = arith.constant 0 : index
      %get3A_5 = vector.load %arg2[%get3A_3, %get3A_4] : memref<128x256xbf16, #tpu.memory_space<vmem>>, vector<128x256xbf16>
      %get3A_6 = arith.constant 0 : index
      %get3A_7 = arith.constant 0 : index
      %get3A_8 = vector.load %arg3[%get3A_6, %get3A_7] : memref<128x256xbf16, #tpu.memory_space<vmem>>, vector<128x256xbf16>
      %dot_general3A = arith.constant dense<0.000000e+00> : vector<128x128xf32>
      %dot_general3A_9 = tpu.matmul %get3A_5, %get3A_8, %dot_general3A {dimension_numbers = #tpu.dot_dimension_numbers<[1], [1], [0], [0], [0, 0, 1, 0], [], []>, transpose_lhs_hint = false} : vector<128x256xbf16>, vector<128x256xbf16>, vector<128x128xf32> -> vector<128x128xf32>
      %mul3A_10 = arith.constant 6.250000e-02 : f32
      %mul3A_11 = vector.broadcast %mul3A_10 : f32 to vector<128x128xf32>
      %mul3A_12 = arith.mulf %dot_general3A_9, %mul3A_11 : vector<128x128xf32>
      %get3A_13 = arith.constant 0 : index
      %get3A_14 = arith.constant 0 : index
      %get3A_15 = vector.load %arg5[%get3A_13, %get3A_14] : memref<128x128xf32, #tpu.memory_space<vmem>>, vector<128x128xf32>
      %add3A = arith.addf %mul3A_12, %get3A_15 : vector<128x128xf32>
      %iota3A = tpu.iota {dimensions = array<i32: 1>} : vector<128x128xi32>
      %mul3A_16 = arith.constant 128 : i32
      %mul3A_17 = arith.muli %arg1, %mul3A_16 : i32
      %add3A_18 = vector.broadcast %mul3A_17 : i32 to vector<128x128xi32>
      %add3A_19 = arith.addi %iota3A, %add3A_18 : vector<128x128xi32>
      %lt3A_20 = vector.broadcast %get3A_0 : i32 to vector<128x128xi32>
      %lt3A_21 = arith.cmpi slt, %add3A_19, %lt3A_20 : vector<128x128xi32>
      %jit3A = arith.constant -5.000000e+04 : f32
      %broadcast_in_dim3A = vector.broadcast %jit3A : f32 to vector<128x128xf32>
      %select_n3A = arith.select %lt3A_21, %add3A, %broadcast_in_dim3A : vector<128x128xi1>, vector<128x128xf32>
      %reduce_max3A = arith.constant dense<0xFF800000> : vector<128xf32>
      %reduce_max3A_22 = vector.multi_reduction <maximumf>, %select_n3A, %reduce_max3A [1] : vector<128x128xf32> to vector<128xf32>
      %broadcast_in_dim3A_23 = vector.shape_cast %reduce_max3A_22 : vector<128xf32> to vector<128x1xf32>
      %sub3A = vector.broadcast %broadcast_in_dim3A_23 : vector<128x1xf32> to vector<128x128xf32>
      %sub3A_24 = arith.subf %select_n3A, %sub3A : vector<128x128xf32>
      %exp3A = math.exp %sub3A_24 : vector<128x128xf32>
      %reduce_sum3A = arith.constant dense<0.000000e+00> : vector<128xf32>
      %reduce_sum3A_25 = vector.multi_reduction <add>, %exp3A, %reduce_sum3A [1] : vector<128x128xf32> to vector<128xf32>
      %broadcast_in_dim3A_26 = vector.shape_cast %reduce_sum3A_25 : vector<128xf32> to vector<128x1xf32>
      %div3A = vector.broadcast %broadcast_in_dim3A_26 : vector<128x1xf32> to vector<128x128xf32>
      %div3A_27 = arith.divf %exp3A, %div3A : vector<128x128xf32>
      %convert_element_type3A_28 = arith.truncf %div3A_27 : vector<128x128xf32> to vector<128x128xbf16>
      %get3A_29 = arith.constant 0 : index
      %get3A_30 = arith.constant 0 : index
      %get3A_31 = vector.load %arg4[%get3A_29, %get3A_30] : memref<128x1024xf32, #tpu.memory_space<vmem>>, vector<128x1024xf32>
      %convert_element_type3A_32 = arith.truncf %get3A_31 : vector<128x1024xf32> to vector<128x1024xbf16>
      %dot_general3A_33 = arith.constant dense<0.000000e+00> : vector<128x1024xf32>
      %dot_general3A_34 = tpu.matmul %convert_element_type3A_28, %convert_element_type3A_32, %dot_general3A_33 {dimension_numbers = #tpu.dot_dimension_numbers<[1], [0], [0], [1], [0, 0, 1, 1], [], []>, transpose_lhs_hint = false} : vector<128x128xbf16>, vector<128x1024xbf16>, vector<128x1024xf32> -> vector<128x1024xf32>
      %convert_element_type3A_35 = arith.truncf %dot_general3A_34 : vector<128x1024xf32> to vector<128x1024xbf16>
      %get3A_36 = arith.constant 0 : index
      %get3A_37 = arith.constant 0 : index
      %get3A_38 = vector.load %arg6[%get3A_36, %get3A_37] : memref<1024x1024xbf16, #tpu.memory_space<vmem>>, vector<1024x1024xbf16>
      %dot_general3A_39 = arith.constant dense<0.000000e+00> : vector<128x1024xf32>
      %dot_general3A_40 = tpu.matmul %convert_element_type3A_35, %get3A_38, %dot_general3A_39 {dimension_numbers = #tpu.dot_dimension_numbers<[1], [0], [0], [1], [0, 0, 1, 1], [], []>, transpose_lhs_hint = false} : vector<128x1024xbf16>, vector<1024x1024xbf16>, vector<128x1024xf32> -> vector<128x1024xf32>
      %swap3A = arith.constant 0 : index
      %swap3A_41 = arith.constant 0 : index
      %swap3A_42 = vector.load %arg8[%swap3A, %swap3A_41] : memref<128x1024xf32, #tpu.memory_space<vmem>>, vector<128x1024xf32>
      tpu.vector_store %arg8[%swap3A, %swap3A_41], %dot_general3A_40 {strides = array<i32>} : memref<128x1024xf32, #tpu.memory_space<vmem>>, vector<128x1024xf32>,
    } else {
    }
    return
  }
  func.func @transform_0(%arg0: i32, %arg1: i32) -> (i32, i32) {
    %mul3A = arith.constant 32 : i32
    %mul3A_0 = arith.muli %arg0, %mul3A : i32
    %add3A = arith.addi %mul3A_0, %arg1 : i32
    %c0_i32 = arith.constant 0 : i32
    %c0_i32_1 = arith.constant 0 : i32
    return %add3A, %c0_i32 : i32, i32
  }
  func.func @transform_1(%arg0: i32, %arg1: i32) -> (i32, i32) {
    %mul3A = arith.constant 32 : i32
    %mul3A_0 = arith.muli %arg0, %mul3A : i32
    %add3A = arith.addi %mul3A_0, %arg1 : i32
    %c0_i32 = arith.constant 0 : i32
    %c0_i32_1 = arith.constant 0 : i32
    return %add3A, %c0_i32 : i32, i32
  }
  func.func @transform_2(%arg0: i32, %arg1: i32) -> (i32, i32) {
    %mul3A = arith.constant 32 : i32
    %mul3A_0 = arith.muli %arg0, %mul3A : i32
    %add3A = arith.addi %mul3A_0, %arg1 : i32
    %c0_i32 = arith.constant 0 : i32
    %c0_i32_1 = arith.constant 0 : i32
    return %add3A, %c0_i32 : i32, i32
  }
  func.func @transform_3(%arg0: i32, %arg1: i32) -> (i32, i32) {
    %c0_i32 = arith.constant 0 : i32
    %c0_i32_0 = arith.constant 0 : i32
    %c0_i32_1 = arith.constant 0 : i32
    return %c0_i32, %c0_i32_0 : i32, i32
  }
  func.func @transform_4(%arg0: i32, %arg1: i32) -> (i32, i32) {
    %c0_i32 = arith.constant 0 : i32
    %c0_i32_0 = arith.constant 0 : i32
    %c0_i32_1 = arith.constant 0 : i32
    return %c0_i32, %c0_i32_0 : i32, i32
  }
  func.func @transform_5(%arg0: i32, %arg1: i32) -> i32 {
    %c0_i32 = arith.constant 0 : i32
    %c0_i32_0 = arith.constant 0 : i32
    return %c0_i32 : i32
  }
  func.func @transform_6(%arg0: i32, %arg1: i32) -> (i32, i32) {
    %mul3A = arith.constant 32 : i32
    %mul3A_0 = arith.muli %arg0, %mul3A : i32
    %add3A = arith.addi %mul3A_0, %arg1 : i32
    %c0_i32 = arith.constant 0 : i32
    %c0_i32_1 = arith.constant 0 : i32
    return %add3A, %c0_i32 : i32, i32
  }
}

module attributes {stable_mosaic.version = 14 : i64} {
  func.func @_k4_body(%arg0: i32, %arg1: i32, %arg2: memref<1x512x1024xf32, #tpu.memory_space<vmem>>, %arg3: memref<512x1024xf32, #tpu.memory_space<vmem>>, %arg4: memref<1x512x1xf32, #tpu.memory_space<vmem>>, %arg5: memref<1x512x1024xf32, #tpu.memory_space<vmem>>) attributes {dimension_semantics = [#tpu.dimension_semantics<arbitrary>, #tpu.dimension_semantics<arbitrary>], iteration_bounds = array<i64: 2, 8>, scalar_prefetch = 0 : i64, scratch_operands = 0 : i64, tpu.core_type = #tpu.core_type<tc>, window_params = [{transform_indices = @transform_0, window_bounds = array<i64: 1, 512, 1024>}, {transform_indices = @transform_1, window_bounds = array<i64: 512, 1024>}, {transform_indices = @transform_2, window_bounds = array<i64: 1, 512, 1>}, {transform_indices = @transform_3, window_bounds = array<i64: 1, 512, 1024>}]} {
    %get3A = arith.constant 0 : index
    %get3A_0 = arith.constant 0 : index
    %get3A_1 = arith.constant 0 : index
    %get3A_2 = vector.load %arg4[%get3A, %get3A_0, %get3A_1] : memref<1x512x1xf32, #tpu.memory_space<vmem>>, vector<1x512x1xf32>
    %get3A_3 = vector.shape_cast %get3A_2 : vector<1x512x1xf32> to vector<512x1xf32>
    %get3A_4 = arith.constant 0 : index
    %get3A_5 = arith.constant 0 : index
    %get3A_6 = vector.load %arg3[%get3A_4, %get3A_5] : memref<512x1024xf32, #tpu.memory_space<vmem>>, vector<512x1024xf32>
    %gt3A = arith.constant 0.000000e+00 : f32
    %gt3A_7 = vector.broadcast %gt3A : f32 to vector<512x1xf32>
    %gt3A_8 = arith.cmpf ogt, %get3A_3, %gt3A_7 : vector<512x1xf32>
    %get3A_9 = arith.constant 0 : index
    %get3A_10 = arith.constant 0 : index
    %get3A_11 = arith.constant 0 : index
    %get3A_12 = vector.load %arg2[%get3A_9, %get3A_10, %get3A_11] : memref<1x512x1024xf32, #tpu.memory_space<vmem>>, vector<1x512x1024xf32>
    %get3A_13 = vector.shape_cast %get3A_12 : vector<1x512x1024xf32> to vector<512x1024xf32>
    %mul3A = vector.broadcast %get3A_3 : vector<512x1xf32> to vector<512x1024xf32>
    %mul3A_14 = arith.mulf %get3A_6, %mul3A : vector<512x1024xf32>
    %add3A = arith.addf %get3A_13, %mul3A_14 : vector<512x1024xf32>
    %get3A_15 = arith.constant 0 : index
    %get3A_16 = arith.constant 0 : index
    %get3A_17 = arith.constant 0 : index
    %get3A_18 = vector.load %arg2[%get3A_15, %get3A_16, %get3A_17] : memref<1x512x1024xf32, #tpu.memory_space<vmem>>, vector<1x512x1024xf32>
    %get3A_19 = vector.shape_cast %get3A_18 : vector<1x512x1024xf32> to vector<512x1024xf32>
    %broadcast_in_dim3A = vector.shape_cast %gt3A_8 : vector<512x1xi1> to vector<512x1xi1>
    %broadcast_in_dim3A_20 = vector.broadcast %broadcast_in_dim3A : vector<512x1xi1> to vector<512x1024xi1>
    %select_n3A = arith.select %broadcast_in_dim3A_20, %add3A, %get3A_19 : vector<512x1024xi1>, vector<512x1024xf32>
    %swap3A = arith.constant 0 : index
    %swap3A_21 = arith.constant 0 : index
    %swap3A_22 = arith.constant 0 : index
    %swap3A_23 = vector.load %arg5[%swap3A, %swap3A_21, %swap3A_22] : memref<1x512x1024xf32, #tpu.memory_space<vmem>>, vector<1x512x1024xf32>
    %swap3A_24 = vector.shape_cast %swap3A_23 : vector<1x512x1024xf32> to vector<512x1024xf32>
    %swap3A_25 = vector.shape_cast %select_n3A : vector<512x1024xf32> to vector<1x512x1024xf32>
    tpu.vector_store %arg5[%swap3A, %swap3A_21, %swap3A_22], %swap3A_25 {strides = array<i32>} : memref<1x512x1024xf32, #tpu.memory_space<vmem>>, vector<1x512x1024xf32>,
    return
  }
  func.func @transform_0(%arg0: i32, %arg1: i32) -> (i32, i32, i32) {
    %c0_i32 = arith.constant 0 : i32
    %c0_i32_0 = arith.constant 0 : i32
    return %arg0, %arg1, %c0_i32 : i32, i32, i32
  }
  func.func @transform_1(%arg0: i32, %arg1: i32) -> (i32, i32) {
    %mul3A = arith.constant 8 : i32
    %mul3A_0 = arith.muli %arg0, %mul3A : i32
    %add3A = arith.addi %mul3A_0, %arg1 : i32
    %c0_i32 = arith.constant 0 : i32
    %c0_i32_1 = arith.constant 0 : i32
    return %add3A, %c0_i32 : i32, i32
  }
  func.func @transform_2(%arg0: i32, %arg1: i32) -> (i32, i32, i32) {
    %c0_i32 = arith.constant 0 : i32
    %c0_i32_0 = arith.constant 0 : i32
    return %arg0, %arg1, %c0_i32 : i32, i32, i32
  }
  func.func @transform_3(%arg0: i32, %arg1: i32) -> (i32, i32, i32) {
    %c0_i32 = arith.constant 0 : i32
    %c0_i32_0 = arith.constant 0 : i32
    return %arg0, %arg1, %c0_i32 : i32, i32, i32
  }
}

</mosaic_0001>

<sc_bundles>
// kernel: kernel.10.cloned.1.call-start
scs
__scs_entry_jumppad:
0x0: {  	(pc) =	sbr.rel $0x88, $3  }
0x1: {  	(tag) =	ssettag $0x0;
	lr =	simm.s32 $0x1  }
0x2: {  	[smem:$0x3F94] =	sst lr;
	_ =	strace $0xD0000000  }
0x3: {  	_ = 	snop  }
0x4: {  	_ = 	snop  }
0x5: {  	_ = 	snop  }
0x6: {  	_ = 	snop  }
0x7: {  	_ = 	snop  }
__scs_overlays_trampoline_lowered:
0x8: {  	[smem:$0x3FA3] =	sst s0  }
0x9: {  	[smem:$0x3FA4] =	sst s1  }
0xa: {  	[smem:$0x3FA5] =	sst s2  }
0xb: {  	[smem:$0x3FA6] =	sst s3  }
0xc: {  	[smem:$0x3FA7] =	sst s4  }
0xd: {  	[smem:$0x3FA8] =	sst s5  }
0xe: {  	[smem:$0x3FA9] =	sst s6  }
0xf: {  	[smem:$0x3FAA] =	sst s7  }
0x10: {  	[smem:$0x3FAB] =	sst s8  }
0x11: {  	[smem:$0x3FAC] =	sst s9;
	s0 =	simm.s32 @!p0 $0x0  }
0x12: {  	s1 =	sld [smem:$0x3F92];
	s0 =	simm.s32 @p0 $0x1  }
0x13: {  	[smem:$0x3FAD] =	sst s0;
	s0 =	simm.s32 @!p1 $0x0  }
0x14: {  	s2 =	sld [smem:$0x3F91];
	s0 =	simm.s32 @p1 $0x1  }
0x15: {  	[smem:$0x3FAE] =	sst s0;
	s0 =	simm.s32 @!p2 $0x0  }
0x16: {  	s3 =	sld [smem:$0x3FDB];
	s0 =	simm.s32 @p2 $0x1  }
0x17: {  	s4 =	simm.s32 $0x1BF5;
	[smem:$0x3FB0] =	sst s0  }
0x18: {  	s0 =	sld [smem:$0x3F93];
	_ =	swait.ge [sflag:s4], $0x0  }
0x19: {  	s7 =	sld [smem:$0x3F94]  }
0x1a: {  	s8 =	sadd.s32 $0xFFFFE003, lr  }
0x1b: {  	s9 =	sadd.s32 $0xFFFFFEF7, lr;
	s5 =	simm.s32 $0xFFFFFFFF;
	p2 =	slt.u32 s8, $0xFFFFF086  }
0x1c: {  	p1 =	slt.u32 s9, $0xF7A;
	s5 =	simm.s32 @!p2 $0x0  }
0x1d: {  	s5 =	simm.s32 @p1 $0x1;
	p0 =	seq.s32 s7, s2  }
0x1e: {  	s7 =	smul.u32 @!p0 $0xF7A, s2;
	p2 =	seq.s32 @!p0 s5, $0x0  }
0x1f: {  	s9 =	smul.u32 $0xF7A, s1;
	s8 =	simm.s32 @!p0 $0x1BF5;
	p2 =	por !p2, p0  }
0x20: {  	[sflag:s8] =	ssyncset.s32 @!p0 $0xFFFFF086;
	s6 =	sadd.s32 @!p0 s3, s7;
	s7 =	simm.s32 @!p0 $0x108  }
0x21: {  	s3 =	sadd.s32 s3, s9;
	s6 =	sadd.s32 @!p0 $0x88, s6;
	s7 =	simm.s32 @p2 $0x1082  }
0x22: {  	[simem:s7], [sflag:s8] =	dma.local @!p0 [hbm:s6], $0xF7A  }
0x23: {  	s9 =	sor.u32 $0xD0000000, s2;
	s6 =	simm.s32 $0x108;
	_ =	swait.ge @!p0 [sflag:s8], $0x0  }
0x24: {  	s3 =	sadd.s32 $0x88, s3;
	s6 =	simm.s32 @!p1 $0x1082;
	[sflag:s4] =	ssyncset.s32 $0xFFFFF086  }
0x25: {  	[simem:s6], [sflag:s4] =	dma.local [hbm:s3], $0xF7A  }
0x26: {  	[smem:$0x3F94] =	sst s1;
	(tag) =	ssettag s2;
	_ =	strace s9  }
0x27: {  	s1 =	sld [smem:$0x3FA4]  }
0x28: {  	s2 =	sld [smem:$0x3FA5]  }
0x29: {  	s4 =	sld [smem:$0x3FA7]  }
0x2a: {  	p0 =	seq.s32 s5, $0x0;
	s5 =	sld [smem:$0x3FA8]  }
0x2b: {  	s6 =	sld [smem:$0x3FA9]  }
0x2c: {  	s7 =	sld [smem:$0x3FAA]  }
0x2d: {  	s3 =	simm.s32 $0x108;
	s8 =	sld [smem:$0x3FAB]  }
0x2e: {  	s3 =	simm.s32 @!p0 $0x1082;
	s9 =	sld [smem:$0x3FAC]  }
0x2f: {  	lr =	sadd.s32 s0, s3;
	s0 =	sld [smem:$0x3FA3]  }
0x30: {  	s3 =	sld [smem:$0x3FA6]  }
0x31: {  	[smem:$0x3FAF] =	sst s10  }
0x32: {  	s10 =	sld [smem:$0x3FAD];
	_ =	sdelay $0x3  }
0x33: {  	p0 =	seq.s32 s10, $0x1;
	s10 =	sld [smem:$0x3FAF];
	_ =	sdelay $0x3  }
0x34: {  	[smem:$0x3FAF] =	sst s10  }
0x35: {  	s10 =	sld [smem:$0x3FAE];
	_ =	sdelay $0x3  }
0x36: {  	p1 =	seq.s32 s10, $0x1;
	s10 =	sld [smem:$0x3FAF];
	_ =	sdelay $0x3  }
0x37: {  	[smem:$0x3FAF] =	sst s10  }
0x38: {  	s10 =	sld [smem:$0x3FB0]  }
0x39: {  	_ = 	snop;
	(pc) =	sbr.ind lr, $3  }
0x3a: {  	_ = 	snop  }
0x3b: {  	_ = 	snop  }
0x3c: {  	p2 =	seq.s32 s10, $0x1;
	s10 =	sld [smem:$0x3FAF]  }
0x3d: {  	_ =	shalt  }
0x3e: {  	_ =	shalt  }
0x3f: {  	_ =	shalt  }
0x40: {  	_ =	shalt  }
0x41: {  	_ =	shalt  }
0x42: {  	_ =	shalt  }
0x43: {  	_ =	shalt  }
0x44: {  	_ =	shalt  }
0x45: {  	_ =	shalt  }
0x46: {  	_ =	shalt  }
0x47: {  	_ =	shalt  }
0x48: {  	_ =	shalt  }
0x49: {  	_ =	shalt  }
0x4a: {  	_ =	shalt  }
0x4b: {  	_ =	shalt  }
0x4c: {  	_ =	shalt  }
0x4d: {  	_ =	shalt  }
0x4e: {  	_ =	shalt  }
0x4f: {  	_ =	shalt  }
0x50: {  	_ =	shalt  }
0x51: {  	_ =	shalt  }
0x52: {  	_ =	shalt  }
0x53: {  	_ =	shalt  }
0x54: {  	_ =	shalt  }
0x55: {  	_ =	shalt  }
0x56: {  	_ =	shalt  }
0x57: {  	_ =	shalt  }
0x58: {  	_ =	shalt  }
0x59: {  	_ =	shalt  }
0x5a: {  	_ =	shalt  }
0x5b: {  	_ =	shalt  }
0x5c: {  	_ =	shalt  }
0x5d: {  	_ =	shalt  }
0x5e: {  	_ =	shalt  }
0x5f: {  	_ =	shalt  }
0x60: {  	_ =	shalt  }
0x61: {  	_ =	shalt  }
0x62: {  	_ =	shalt  }
0x63: {  	_ =	shalt  }
0x64: {  	_ =	shalt  }
0x65: {  	_ =	shalt  }
0x66: {  	_ =	shalt  }
0x67: {  	_ =	shalt  }
0x68: {  	_ =	shalt  }
0x69: {  	_ =	shalt  }
0x6a: {  	_ =	shalt  }
0x6b: {  	_ =	shalt  }
0x6c: {  	_ =	shalt  }
0x6d: {  	_ =	shalt  }
0x6e: {  	_ =	shalt  }
0x6f: {  	_ =	shalt  }
0x70: {  	_ =	shalt  }
0x71: {  	_ =	shalt  }
0x72: {  	_ =	shalt  }
0x73: {  	_ =	shalt  }
0x74: {  	_ =	shalt  }
0x75: {  	_ =	shalt  }
0x76: {  	_ =	shalt  }
0x77: {  	_ =	shalt  }
0x78: {  	_ =	shalt  }
0x79: {  	_ =	shalt  }
0x7a: {  	_ =	shalt  }
0x7b: {  	_ =	shalt  }
0x7c: {  	_ =	shalt  }
0x7d: {  	_ =	shalt  }
0x7e: {  	_ =	shalt  }
0x7f: {  	_ =	shalt  }
0x80: {  	_ =	shalt  }
0x81: {  	_ =	shalt  }
0x82: {  	_ =	shalt  }
0x83: {  	_ =	shalt  }
0x84: {  	_ =	shalt  }
0x85: {  	_ =	shalt  }
0x86: {  	_ =	shalt  }
0x87: {  	_ =	shalt  }
.Lfunc_end0:
.L_simem_size_0:
called_computation.3_lowered:
.L_overlay_start_0:
0x88: {  	s2 =	sld [smem:$0x3FD9]  }
0x89: {  	s3 =	sld [smem:$0x3FFE];
	_ =	sdelay $0x1  }
0x8a: {  	s1 =	srdreg.scid  }
0x8b: {  	s0 =	sand.u32 $0x1, s1  }
0x8c: {  	s17 =	sshll.u32 s0, $0xA;
	s2 =	sadd.s32 s3, s2  }
0x8d: {  	s2 =	sadd.s32 s2, s17  }
0x8e: {  	[smem:$0x3FBB] =	sst s2  }
0x8f: {  	_ = 	snop  }
0x90: {  	s2 =	sld [smem:$0x3FD0];
	(tm) =	ssettm $0x1  }
0x91: {  	s18 =	sld [smem:$0x3FFB];
	_ =	sdelay $0x3  }
0x92: {  	_ =	strace s18  }
0x93: {  	s3 =	sld [smem:$0x3FFC];
	_ =	sdelay $0x3  }
0x94: {  	_ =	strace s3  }
0x95: {  	s3 =	sld [smem:$0x3FFD];
	_ =	sdelay $0x3  }
0x96: {  	_ =	strace s3  }
0x97: {  	_ =	strace $0x8FFFFFFF  }
0x98: {  	s19 =	sld [smem:$0x3FDB];
	_ =	sdelay $0x1  }
0x99: {  	s4 =	simm.s32 $_scs_section_size  }
0x9a: {  	s5 =	simm.s32 $_size__tile_overlayer_lowered;
	s6 =	simm.s32 $_tile_overlayer_lowered  }
0x9b: {  	s22 =	simm.s32 $0x1BFF;
	s21 =	sshll.u32 s6, $0x1;
	s3 =	sadd.s32 s4, s19  }
0x9c: {  	s7 =	simm.s32 $0x0;
	s20 =	sshll.u32 s5, $0x1;
	s5 =	sadd.s32 s21, s3  }
0x9d: {  	[timem:s7], [sflag:s22] =	dma.local [hbm:s5], s20  }
0x9e: {  	_ =	swait.ge [sflag:s22], s20  }
0x9f: {  	s4 =	ssub.s32 $0x0, s20;
	[sflag:s22] =	ssyncset.done $0x0  }
0xa0: {  	[sflag:s22] =	ssyncadd.s32 s4;
	_ =	sdelay $0x1  }
0xa1: {  	s23 =	simm.s32 $0x1B8B  }
0xa2: {  	_ =	swait.ge [sflag:s23], $0x1  }
0xa3: {  	[sflag:s23] =	ssyncset.done $0x0  }
0xa4: {  	s25 =	simm.s32 $0x1B8E;
	s24 =	sld [smem:$0x3FFE];
	[sflag:s23] =	ssyncadd.s32 $0xFFFFFFFF  }
0xa5: {  	s26 =	simm.s32 $execute0_lowered;
	[smem:$0x3FD2] =	sst s25  }
0xa6: {  	s5 =	sshll.u32 s26, $0x1;
	_ =	strace $0x8000004F;
	[dreg:$0x1] =	wrdreg $0xFFFFFFFF  }
0xa7: {  	s28 =	simm.s32 $_size_execute0_lowered;
	s3 =	sadd.s32 s3, s5;
	[dreg:$0x0] =	wrdreg $0x0  }
0xa8: {  	s5 =	sshll.u32 s28, $0x1;
	[dreg:$0x2] =	wrdreg s3  }
0xa9: {  	[dreg:$0x3] =	wrdreg s5  }
0xaa: {  	[dreg:$0x4] =	wrdreg $0xC0  }
0xab: {  	_ =	task [dreg:s7], $0x5FFFF  }
0xac: {  	[dreg:$0x1] =	wrdreg $0xFFFFFFFF  }
0xad: {  	[dreg:$0x0] =	wrdreg $0x60  }
0xae: {  	[dreg:$0x2] =	wrdreg s24  }
0xaf: {  	[dreg:$0x3] =	wrdreg s2  }
0xb0: {  	[dreg:$0x4] =	wrdreg $0x9  }
0xb1: {  	_ =	task.clear_ibuf [dreg:s7], $0x5FFFF;
	_ =	strace $0x9000004F  }
0xb2: {  	s29 =	simm.s32 $0x9;
	_ =	strace $0x80000051  }
0xb3: {  	_ =	swait.ge [sflag:s29], $0x1  }
0xb4: {  	[sflag:s29] =	ssyncadd.s32 $0xFFFFFFFF  }
0xb5: {  	_ =	strace $0x90000051  }
0xb6: {  	_ =	sfence  }
0xb7: {  	s30 =	sld [smem:$0x0];
	_ =	sdelay $0x2  }
0xb8: {  	s31 =	sshll.u32 s1, $0xD;
	s1 =	sshrl.u32 s1, $0x2  }
0xb9: {  	s3 =	sand.u32 $0x4000, s31;
	s1 =	sadd.s32 s1, s30  }
0xba: {  	s0 =	sor.u32 s3, s0;
	s1 =	sshll.u32 s1, $0x11  }
0xbb: {  	s0 =	sor.u32 s1, s0  }
0xbc: {  	s0 =	sadd.s32 $0x8F2B, s0  }
0xbd: {  	[sflag:s0] =	ssyncadd.remote.s32 $0x1  }
0xbe: {  	_ =	sfence.sel $0xFFFF  }
0xbf: {  	[dreg:$0x0] =	wrdreg $0xFFFFFFFF;
	(pc) =	sbr.abs _section_cstart, $3  }
0xc0: {  	[dreg:$0x1] =	wrdreg $0xFFFFFFFF  }
0xc1: {  	_ =	task.clear_ibuf [dreg:s7], $0x2FFFF;
	_ =	strace $0x9FFFFFFF  }
0xc2: {  	(tm) =	ssettm $0x7FFFFFFF  }
0xc3: {  	_ =	shalt  }
tec
execute0_lowered:
.L_overlay_start_1:
0x0: {  	(tag) =	ssettag $0x1  }
0x1: {  	s5 =	rddreg [dreg:$0x0]  }
0x2: {  	s2 =	rddreg [dreg:$0x1]  }
0x3: {  	s1 =	stileid.u32;
	s0 =	rddreg [dreg:$0x2]  }
0x4: {  	s3 =	simm.s32 $0x0;
	s7 =	srdreg.scid;
	s14 =	simm.s32 $0x1000  }
0x5: {  	s15 =	simm.s32 $0x1;
	s16 =	simm.s32 $0x2000;
	s17 =	simm.s32 $0x20  }
0x6: {  	s18 =	simm.s32 $0x0;
	s6 =	sshll.u32 s1, $0x9;
	[smem:$0x7FF] =	sst s3  }
0x7: {  	s9 =	sand.u32 $0x1, s7;
	s31 =	sshll.u32 s1, $0x13;
	s4 =	sand.u32 $0x1000, s6  }
0x8: {  	_ =	strace $0x80000050;
	s30 =	ssub.s32 $0x2, s9;
	s10 =	sshll.u32 s9, $0x8  }
0x9: {  	s13 =	sshll.u32 s9, $0x12;
	s8 =	sshrl.u32 s4, $0x3;
	s11 =	sshrl.u32 s30, $0x1  }
.Ltmp0:
0xa: {  	s12 =	sor.u32 s10, s6;
	s29 =	sadd.s32 s8, s5;
	(pc) =	sbr.rel .LBB2_1-.Ltmp0, $4  }
0xb: {  	s5 =	sadd.s32 $0x43000, s5;
	s8 =	ssub.s32 s30, s11;
	s6 =	sand.u32 $0xF00, s12  }
0xc: {  	s10 =	sshll.u32 s12, $0x7;
	s11 =	sor.u32 s13, s31;
	s12 =	sor.u32 $0x1020, s12  }
0xd: {  	s13 =	simm.s32 $0x2;
	s7 =	sadd.s32 $0x3000, s29;
	s8 =	smax.u32 s8, $0x1  }
0xe: {  	v0 =	vimm.s32 $0x2000;
	v1 =	vlaneseq.u32;
	s9 =	sadd.s32 s2, s10;
	s10 =	sor.u32 $0x1000, s6;
	s11 =	sor.u32 $0x8000, s11  }
.LBB2_8:
0xf: {  	s22 =	smov.u32 s11;
	s19 =	smov.u32 s12  }
.LBB2_12:
0x10: {  	[sflag:s15] =	ssyncadd.s32 @p0 $0xFFFF8000  }
0x11: {  	[hbm4b:s5+s17] =	stream.indirect.scatter @p0 [tilespmem:s21], [sflag:$0x1], $0x400, s25, s17, $0xb8;
	[tilespmem:$0x12000] =	vst v63  }
0x12: {  	s20 =	sshrl.u32 s22, $0x3;
	p0 =	seq.s32 s24, $0x1;
	s21 =	simm.s32 $0xA000  }
0x13: {  	s20 =	sadd.s32 s2, s20;
	s21 =	simm.s32 @!p0 $0x2000  }
0x14: {  	[tilespmem:s21], [sflag:$0x2] =	stream.linear.gather [hbm4b:s20+s3], $0x8000, $0x38;
	[tilespmem:$0x12000] =	vst v63  }
0x15: {  	_ =	swait.ge [sflag:s13], $0x8000  }
0x16: {  	[sflag:s13] =	ssyncset.done $0x0  }
0x17: {  	[sflag:s13] =	ssyncadd.s32 $0xFFFF8000  }
0x18: {  	_ =	swait.ge [sflag:s15], $0x8000  }
0x19: {  	[sflag:s15] =	ssyncset.done $0x0  }
0x1a: {  	[sflag:s15] =	ssyncadd.s32 $0xFFFF8000  }
0x1b: {  	[hbm4b:s5+s17] =	stream.indirect.scatter [tilespmem:s21], [sflag:$0x1], $0x400, s19, s17, $0xb8;
	[tilespmem:$0x12000] =	vst v63  }
.LBB2_13:
0x1c: {  	_ =	swait.ge [sflag:s15], $0x8000  }
0x1d: {  	[sflag:s15] =	ssyncset.done $0x0  }
0x1e: {  	[sflag:s15] =	ssyncadd.s32 $0xFFFF8000  }
.LBB2_14:
0x1f: {  	s18 =	sadd.s32 $0x1, s18  }
0x20: {  	p0 =	sne.s32 s18, s8  }
.Ltmp1:
0x21: {  	_ = 	snop;
	(pc) =	sbr.rel @!p0 .LBB2_15-.Ltmp1, $1  }
0x22: {  	_ =	sdelay $0x3  }
.LBB2_1:
0x23: {  	[tilespmem:s3], [sflag:$0x2] =	stream.linear.gather [hbm4b:s7+s3], $0x1000, $0x38;
	[tilespmem:$0x12000] =	vst v63  }
0x24: {  	_ =	swait.ge [sflag:s13], $0x1000  }
0x25: {  	[sflag:s13] =	ssyncset.done $0x0  }
0x26: {  	s19 =	simm.s32 $0x0;
	[sflag:s13] =	ssyncadd.s32 $0xFFFFF000  }
.LBB2_2:
0x27: {  	p0 =	sne.s32 s19, $0x3F80  }
.Ltmp2:
0x28: {  	_ = 	snop;
	(pc) =	sbr.rel @p0 .LBB2_2-.Ltmp2, $4  }
0x29: {  	_ = 	snop  }
0x2a: {  	s20 =	sshra.s32 s19, $0x2  }
0x2b: {  	[tilespmem:s20+$0x1000] =	vst v0  }
0x2c: {  	s19 =	sadd.s32 $0x80, s19;
	[tilespmem:s20+$0x1010] =	vst v0  }
0x2d: {  	s19 =	simm.s32 $0x0  }
0x2e: {  	v2 =	vld [tilespmem:s19+$0x0];
	_ =	sdelay $0x4  }
0x2f: {  	v3 =	vadd.s32 $0xFFFFFFFF, v2  }
0x30: {  	vm1 =	vgt.s32 v2, $0x0;
	vm0 =	vgt.s32 v3, $0x0  }
0x31: {  	v3 =	vnsel vm0, $0x0, v3;
	_ =	sdelay $0x2  }
0x32: {  	v4 =	vimm.s32 $0x0  }
0x33: {  	v5 =	vor.u32 s4, v1;
	vm15 =	vgt.s32 v4, v2  }
0x34: {  	s21 =	simm.s32 $0x10;
	s20 =	simm.s32 $0x80;
	s19 =	smov.u32 s4;
	v2 =	vsel vm15, v4, v2;
	[tilespmem:v3+s14+$0x0] =	vst.idx.msk vm1, v5  }
.LBB2_4:
0x35: {  	p0 =	sne.s32 s20, $0x3FC0;
	v3 =	vld [tilespmem:s21+$0x0];
	_ =	sdelay $0x4  }
0x36: {  	v4 =	vadd.s32 $0xFFFFFFFF, v3;
	vm0 =	vgt.s32 v2, v3  }
0x37: {  	vm2 =	vgt.s32 v3, $0x0;
	vm1 =	vgt.s32 v4, $0x0;
	v2 =	vsel vm0, v2, v3  }
0x38: {  	v3 =	vnsel vm1, $0x0, v4  }
.Ltmp3:
0x39: {  	(pc) =	sbr.rel @p0 .LBB2_4-.Ltmp3, $4  }
0x3a: {  	_ = 	snop  }
0x3b: {  	s19 =	sadd.s32 $0x10, s19  }
0x3c: {  	v4 =	vor.u32 s19, v1  }
0x3d: {  	s21 =	sshra.s32 s20, $0x2;
	s20 =	sadd.s32 $0x40, s20;
	[tilespmem:v3+s14+$0x0] =	vst.idx.msk vm2, v4  }
0x3e: {  	v3 =	vld [tilespmem:s21+$0x0];
	_ =	sdelay $0x4  }
0x3f: {  	vm0 =	vgt.s32 v2, v3  }
0x40: {  	v2 =	vsel vm0, v2, v3  }
0x41: {  	v2 =	vxor.u32 $0x80000000, v2  }
0x42: {  	(xrf0) =	vmax.scan.msk.u32 $0xffff, v2;
	_ =	sdelay $0x5  }
0x43: {  	v2, _, _ =	vpop (xrf0)  }
0x44: {  	(v2sf) =	vpush v2, $0xF;
	_ =	sdelay $0xe  }
0x45: {  	s20 =	spop (v2sf)  }
0x46: {  	s20 =	sxor.u32 $0x80000000, s20  }
0x47: {  	s20 =	ssub.s32 s20, s6  }
0x48: {  	s20 =	sadd.s32 $0x1F, s20  }
0x49: {  	s30 =	sand.u32 $0x1F, s20  }
0x4a: {  	s31 =	sshra.s32 s20, $0x1F;
	p1 =	slt.s32 s20, $0x1;
	p0 =	sne.s32 s30, $0x0  }
0x4b: {  	s21 =	sshrl.u32 s31, $0x1B;
	p0 =	por !p1, !p0  }
0x4c: {  	s20 =	sadd.s32 s21, s20;
	s21 =	simm.s32 $0x1;
	p0 =	por !p0, !p0  }
0x4d: {  	v2 =	vadd.s32 $0xFFFFFFFF, v3;
	s20 =	sshra.s32 s20, $0x5;
	s21 =	simm.s32 @!p0 $0x0  }
0x4e: {  	vm1 =	vgt.s32 v3, $0x0;
	vm15 =	vgt.s32 v2, $0x0;
	s20 =	ssub.s32 s20, s21  }
0x4f: {  	v2 =	vnsel vm15, $0x0, v2;
	p0 =	slt.s32 s20, $0x1  }
.Ltmp4:
0x50: {  	_ = 	snop;
	(pc) =	sbr.rel @p0 .LBB2_14-.Ltmp4, $4  }
0x51: {  	_ = 	snop  }
0x52: {  	s19 =	sadd.s32 $0x10, s19  }
0x53: {  	v3 =	vor.u32 s19, v1  }
0x54: {  	[tilespmem:v2+s14+$0x0] =	vst.idx.msk vm1, v3  }
0x55: {  	[tilespmem:s16], [sflag:$0x2] =	stream.linear.gather [hbm4b:s9+s3], $0x8000, $0x38;
	[tilespmem:$0x12000] =	vst v63  }
0x56: {  	p0 =	seq.s32 s20, $0x1  }
.Ltmp5:
0x57: {  	_ = 	snop;
	(pc) =	sbr.rel @p0 .LBB2_13-.Ltmp5, $4  }
0x58: {  	_ =	swait.ge [sflag:s13], $0x8000  }
0x59: {  	[sflag:s13] =	ssyncset.done $0x0  }
0x5a: {  	[sflag:s13] =	ssyncadd.s32 $0xFFFF8000  }
0x5b: {  	[hbm4b:s5+s17] =	stream.indirect.scatter [tilespmem:s16], [sflag:$0x1], $0x400, s10, s17, $0xb8;
	[tilespmem:$0x12000] =	vst v63  }
0x5c: {  	p0 =	sgt.s32 s20, $0x0  }
0x5d: {  	s20 =	simm.s32 @!p0 $0x0  }
0x5e: {  	s20 =	smin.u32 s20, $0x8  }
0x5f: {  	p1 =	sne.s32 s20, $0x2  }
.Ltmp6:
0x60: {  	_ = 	snop;
	(pc) =	sbr.rel @!p1 .LBB2_8-.Ltmp6, $3  }
0x61: {  	_ =	sdelay $0x1  }
0x62: {  	s19 =	simm.s32 $0x1  }
0x63: {  	s22 =	simm.s32 $0x2;
	s24 =	sand.u32 $0x1, s19;
	p0 =	por $0x0, $0x0  }
0x64: {  	p0 =	seq.s32 s24, $0x1;
	s19 =	sshrl.u32 s11, $0x3;
	s21 =	simm.s32 $0xA000  }
0x65: {  	p1 =	sne.s32 s20, $0x3;
	s19 =	sadd.s32 s2, s19;
	s21 =	simm.s32 @!p0 $0x2000  }
0x66: {  	[tilespmem:s21], [sflag:$0x2] =	stream.linear.gather [hbm4b:s19+s3], $0x8000, $0x38;
	[tilespmem:$0x12000] =	vst v63  }
.Ltmp7:
0x67: {  	_ =	swait.ge [sflag:s13], $0x8000;
	(pc) =	sbr.rel @!p1 .LBB2_10-.Ltmp7, $4  }
0x68: {  	[sflag:s13] =	ssyncset.done $0x0  }
0x69: {  	s23 =	simm.s32 $0x3;
	s24 =	sand.u32 $0x1, s22;
	[sflag:s13] =	ssyncadd.s32 $0xFFFF8000  }
0x6a: {  	s22 =	sadd.s32 $0x8000, s11;
	s25 =	smov.u32 s12;
	_ =	swait.ge [sflag:s15], $0x8000  }
0x6b: {  	p0 =	por $0x1, $0x1;
	s19 =	sadd.s32 $0x20, s12;
	[sflag:s15] =	ssyncset.done $0x0  }
.LBB2_11:
0x6c: {  	p1 =	seq.s32 s24, $0x1  }
0x6d: {  	s24 =	sshrl.u32 s22, $0x3;
	[sflag:s15] =	ssyncadd.s32 $0xFFFF8000;
	s26 =	smov.u32 s23  }
0x6e: {  	[hbm4b:s5+s17] =	stream.indirect.scatter [tilespmem:s21], [sflag:$0x1], $0x400, s25, s17, $0xb8;
	[tilespmem:$0x12000] =	vst v63  }
0x6f: {  	s23 =	sadd.s32 $0x1, s23;
	s21 =	simm.s32 $0xA000  }
0x70: {  	s24 =	sadd.s32 s2, s24;
	s21 =	simm.s32 @!p1 $0x2000;
	p1 =	sne.s32 s20, s23  }
0x71: {  	[tilespmem:s21], [sflag:$0x2] =	stream.linear.gather [hbm4b:s24+s3], $0x8000, $0x38;
	[tilespmem:$0x12000] =	vst v63  }
.Ltmp8:
0x72: {  	_ =	swait.ge [sflag:s13], $0x8000;
	(pc) =	sbr.rel @p1 .LBB2_11-.Ltmp8, $4  }
0x73: {  	s25 =	smov.u32 s19;
	[sflag:s13] =	ssyncset.done $0x0  }
0x74: {  	[sflag:s13] =	ssyncadd.s32 $0xFFFF8000  }
0x75: {  	s19 =	sadd.s32 $0x20, s19;
	_ =	swait.ge [sflag:s15], $0x8000  }
0x76: {  	s22 =	sadd.s32 $0x8000, s22;
	s24 =	sand.u32 $0x1, s26;
	[sflag:s15] =	ssyncset.done $0x0  }
.Ltmp9:
0x77: {  	_ = 	snop;
	(pc) =	sbr.rel .LBB2_12-.Ltmp9, $1  }
0x78: {  	_ =	sdelay $0x3  }
.LBB2_10:
.Ltmp10:
0x79: {  	(pc) =	sbr.rel .LBB2_12-.Ltmp10, $2  }
0x7a: {  	_ =	sdelay $0x2  }
0x7b: {  	s25 =	smov.u32 s12  }
.LBB2_15:
0x7c: {  	_ =	sfence.sel $0x180000  }
0x7d: {  	[bflag:$0x0] =	sbarrier.arrive $0xFFFF  }
0x7e: {  	p0 =	sne.s32 s1, $0x0;
	_ =	strace $0x90000050  }
0x7f: {  	s0 =	sadd.s32 @!p0 $0x100000, s0;
	[bflag:$0x2] =	sbarrier.arrive $0xFFFF  }
0x80: {  	[sflag:s0] =	ssyncadd.tile.s32 @!p0 $0x1;
	_ =	shalt  }
.Lfunc_end2:
_tile_overlayer_lowered:
.L_overlay_start_2:
0x81: {  	(tag) =	ssettag $0x2  }
0x82: {  	s0 =	rddreg [dreg:$0x0];
	s2 =	stileid.u32  }
0x83: {  	s1 =	rddreg [dreg:$0x1];
	p0 =	sne.s32 s2, $0x0  }
0x84: {  	s3 =	rddreg [dreg:$0x2];
	[bflag:$0x3] =	sbarrier.arrive $0xFFFF;
	s2 =	simm.s32 @!p0 $0x1C02  }
0x85: {  	[timem:s3], [sflag:s2] =	dma.local @!p0 [hbm:s0], s1  }
0x86: {  	s0 =	simm.s32 @!p0 $0x2  }
0x87: {  	_ =	swait.ge @!p0 [sflag:s0], s1  }
0x88: {  	s1 =	ssub.s32 @!p0 $0x0, s1;
	[sflag:s0] =	ssyncset.done @!p0 $0x0  }
0x89: {  	[sflag:s0] =	ssyncadd.s32 @!p0 s1  }
0x8a: {  	[bflag:$0x3] =	sbarrier.arrive $0xFFFF  }
0x8b: {  	_ =	shalt  }

// kernel: kernel.7.cloned.1.call-start
scs
__scs_entry_jumppad:
0x0: {  	(pc) =	sbr.rel $0x88, $3  }
0x1: {  	(tag) =	ssettag $0x0;
	lr =	simm.s32 $0x1  }
0x2: {  	[smem:$0x3F94] =	sst lr;
	_ =	strace $0xD0000000  }
0x3: {  	_ = 	snop  }
0x4: {  	_ = 	snop  }
0x5: {  	_ = 	snop  }
0x6: {  	_ = 	snop  }
0x7: {  	_ = 	snop  }
__scs_overlays_trampoline_lowered:
0x8: {  	[smem:$0x3FA3] =	sst s0  }
0x9: {  	[smem:$0x3FA4] =	sst s1  }
0xa: {  	[smem:$0x3FA5] =	sst s2  }
0xb: {  	[smem:$0x3FA6] =	sst s3  }
0xc: {  	[smem:$0x3FA7] =	sst s4  }
0xd: {  	[smem:$0x3FA8] =	sst s5  }
0xe: {  	[smem:$0x3FA9] =	sst s6  }
0xf: {  	[smem:$0x3FAA] =	sst s7  }
0x10: {  	[smem:$0x3FAB] =	sst s8  }
0x11: {  	[smem:$0x3FAC] =	sst s9;
	s0 =	simm.s32 @!p0 $0x0  }
0x12: {  	s1 =	sld [smem:$0x3F92];
	s0 =	simm.s32 @p0 $0x1  }
0x13: {  	[smem:$0x3FAD] =	sst s0;
	s0 =	simm.s32 @!p1 $0x0  }
0x14: {  	s2 =	sld [smem:$0x3F91];
	s0 =	simm.s32 @p1 $0x1  }
0x15: {  	[smem:$0x3FAE] =	sst s0;
	s0 =	simm.s32 @!p2 $0x0  }
0x16: {  	s3 =	sld [smem:$0x3FDB];
	s0 =	simm.s32 @p2 $0x1  }
0x17: {  	s4 =	simm.s32 $0x1BF5;
	[smem:$0x3FB0] =	sst s0  }
0x18: {  	s0 =	sld [smem:$0x3F93];
	_ =	swait.ge [sflag:s4], $0x0  }
0x19: {  	s7 =	sld [smem:$0x3F94]  }
0x1a: {  	s8 =	sadd.s32 $0xFFFFE003, lr  }
0x1b: {  	s9 =	sadd.s32 $0xFFFFFEF7, lr;
	s5 =	simm.s32 $0xFFFFFFFF;
	p2 =	slt.u32 s8, $0xFFFFF086  }
0x1c: {  	p1 =	slt.u32 s9, $0xF7A;
	s5 =	simm.s32 @!p2 $0x0  }
0x1d: {  	s5 =	simm.s32 @p1 $0x1;
	p0 =	seq.s32 s7, s2  }
0x1e: {  	s7 =	smul.u32 @!p0 $0xF7A, s2;
	p2 =	seq.s32 @!p0 s5, $0x0  }
0x1f: {  	s9 =	smul.u32 $0xF7A, s1;
	s8 =	simm.s32 @!p0 $0x1BF5;
	p2 =	por !p2, p0  }
0x20: {  	[sflag:s8] =	ssyncset.s32 @!p0 $0xFFFFF086;
	s6 =	sadd.s32 @!p0 s3, s7;
	s7 =	simm.s32 @!p0 $0x108  }
0x21: {  	s3 =	sadd.s32 s3, s9;
	s6 =	sadd.s32 @!p0 $0x88, s6;
	s7 =	simm.s32 @p2 $0x1082  }
0x22: {  	[simem:s7], [sflag:s8] =	dma.local @!p0 [hbm:s6], $0xF7A  }
0x23: {  	s9 =	sor.u32 $0xD0000000, s2;
	s6 =	simm.s32 $0x108;
	_ =	swait.ge @!p0 [sflag:s8], $0x0  }
0x24: {  	s3 =	sadd.s32 $0x88, s3;
	s6 =	simm.s32 @!p1 $0x1082;
	[sflag:s4] =	ssyncset.s32 $0xFFFFF086  }
0x25: {  	[simem:s6], [sflag:s4] =	dma.local [hbm:s3], $0xF7A  }
0x26: {  	[smem:$0x3F94] =	sst s1;
	(tag) =	ssettag s2;
	_ =	strace s9  }
0x27: {  	s1 =	sld [smem:$0x3FA4]  }
0x28: {  	s2 =	sld [smem:$0x3FA5]  }
0x29: {  	s4 =	sld [smem:$0x3FA7]  }
0x2a: {  	p0 =	seq.s32 s5, $0x0;
	s5 =	sld [smem:$0x3FA8]  }
0x2b: {  	s6 =	sld [smem:$0x3FA9]  }
0x2c: {  	s7 =	sld [smem:$0x3FAA]  }
0x2d: {  	s3 =	simm.s32 $0x108;
	s8 =	sld [smem:$0x3FAB]  }
0x2e: {  	s3 =	simm.s32 @!p0 $0x1082;
	s9 =	sld [smem:$0x3FAC]  }
0x2f: {  	lr =	sadd.s32 s0, s3;
	s0 =	sld [smem:$0x3FA3]  }
0x30: {  	s3 =	sld [smem:$0x3FA6]  }
0x31: {  	[smem:$0x3FAF] =	sst s10  }
0x32: {  	s10 =	sld [smem:$0x3FAD];
	_ =	sdelay $0x3  }
0x33: {  	p0 =	seq.s32 s10, $0x1;
	s10 =	sld [smem:$0x3FAF];
	_ =	sdelay $0x3  }
0x34: {  	[smem:$0x3FAF] =	sst s10  }
0x35: {  	s10 =	sld [smem:$0x3FAE];
	_ =	sdelay $0x3  }
0x36: {  	p1 =	seq.s32 s10, $0x1;
	s10 =	sld [smem:$0x3FAF];
	_ =	sdelay $0x3  }
0x37: {  	[smem:$0x3FAF] =	sst s10  }
0x38: {  	s10 =	sld [smem:$0x3FB0]  }
0x39: {  	_ = 	snop;
	(pc) =	sbr.ind lr, $3  }
0x3a: {  	_ = 	snop  }
0x3b: {  	_ = 	snop  }
0x3c: {  	p2 =	seq.s32 s10, $0x1;
	s10 =	sld [smem:$0x3FAF]  }
0x3d: {  	_ =	shalt  }
0x3e: {  	_ =	shalt  }
0x3f: {  	_ =	shalt  }
0x40: {  	_ =	shalt  }
0x41: {  	_ =	shalt  }
0x42: {  	_ =	shalt  }
0x43: {  	_ =	shalt  }
0x44: {  	_ =	shalt  }
0x45: {  	_ =	shalt  }
0x46: {  	_ =	shalt  }
0x47: {  	_ =	shalt  }
0x48: {  	_ =	shalt  }
0x49: {  	_ =	shalt  }
0x4a: {  	_ =	shalt  }
0x4b: {  	_ =	shalt  }
0x4c: {  	_ =	shalt  }
0x4d: {  	_ =	shalt  }
0x4e: {  	_ =	shalt  }
0x4f: {  	_ =	shalt  }
0x50: {  	_ =	shalt  }
0x51: {  	_ =	shalt  }
0x52: {  	_ =	shalt  }
0x53: {  	_ =	shalt  }
0x54: {  	_ =	shalt  }
0x55: {  	_ =	shalt  }
0x56: {  	_ =	shalt  }
0x57: {  	_ =	shalt  }
0x58: {  	_ =	shalt  }
0x59: {  	_ =	shalt  }
0x5a: {  	_ =	shalt  }
0x5b: {  	_ =	shalt  }
0x5c: {  	_ =	shalt  }
0x5d: {  	_ =	shalt  }
0x5e: {  	_ =	shalt  }
0x5f: {  	_ =	shalt  }
0x60: {  	_ =	shalt  }
0x61: {  	_ =	shalt  }
0x62: {  	_ =	shalt  }
0x63: {  	_ =	shalt  }
0x64: {  	_ =	shalt  }
0x65: {  	_ =	shalt  }
0x66: {  	_ =	shalt  }
0x67: {  	_ =	shalt  }
0x68: {  	_ =	shalt  }
0x69: {  	_ =	shalt  }
0x6a: {  	_ =	shalt  }
0x6b: {  	_ =	shalt  }
0x6c: {  	_ =	shalt  }
0x6d: {  	_ =	shalt  }
0x6e: {  	_ =	shalt  }
0x6f: {  	_ =	shalt  }
0x70: {  	_ =	shalt  }
0x71: {  	_ =	shalt  }
0x72: {  	_ =	shalt  }
0x73: {  	_ =	shalt  }
0x74: {  	_ =	shalt  }
0x75: {  	_ =	shalt  }
0x76: {  	_ =	shalt  }
0x77: {  	_ =	shalt  }
0x78: {  	_ =	shalt  }
0x79: {  	_ =	shalt  }
0x7a: {  	_ =	shalt  }
0x7b: {  	_ =	shalt  }
0x7c: {  	_ =	shalt  }
0x7d: {  	_ =	shalt  }
0x7e: {  	_ =	shalt  }
0x7f: {  	_ =	shalt  }
0x80: {  	_ =	shalt  }
0x81: {  	_ =	shalt  }
0x82: {  	_ =	shalt  }
0x83: {  	_ =	shalt  }
0x84: {  	_ =	shalt  }
0x85: {  	_ =	shalt  }
0x86: {  	_ =	shalt  }
0x87: {  	_ =	shalt  }
.Lfunc_end0:
.L_simem_size_0:
called_computation.2_lowered:
.L_overlay_start_0:
0x88: {  	s2 =	sld [smem:$0x3FD9]  }
0x89: {  	s3 =	sld [smem:$0x3FFE];
	_ =	sdelay $0x1  }
0x8a: {  	s1 =	srdreg.scid  }
0x8b: {  	s0 =	sand.u32 $0x1, s1  }
0x8c: {  	s16 =	sshll.u32 s0, $0xA;
	s2 =	sadd.s32 s3, s2  }
0x8d: {  	s2 =	sadd.s32 s2, s16  }
0x8e: {  	[smem:$0x3FBB] =	sst s2  }
0x8f: {  	_ = 	snop  }
0x90: {  	(tm) =	ssettm $0x1  }
0x91: {  	s17 =	sld [smem:$0x3FFB];
	_ =	sdelay $0x3  }
0x92: {  	_ =	strace s17  }
0x93: {  	s2 =	sld [smem:$0x3FFC];
	_ =	sdelay $0x3  }
0x94: {  	_ =	strace s2  }
0x95: {  	s2 =	sld [smem:$0x3FFD];
	_ =	sdelay $0x3  }
0x96: {  	_ =	strace s2  }
0x97: {  	_ =	strace $0x8FFFFFFF  }
0x98: {  	s18 =	sld [smem:$0x3FDB];
	_ =	sdelay $0x1  }
0x99: {  	s19 =	simm.s32 $_scs_section_size  }
0x9a: {  	s4 =	simm.s32 $_size__tile_overlayer_lowered;
	s5 =	simm.s32 $_tile_overlayer_lowered  }
0x9b: {  	s22 =	simm.s32 $0x1BFF;
	s21 =	sshll.u32 s5, $0x1;
	s2 =	sadd.s32 s19, s18  }
0x9c: {  	s6 =	simm.s32 $0x0;
	s20 =	sshll.u32 s4, $0x1;
	s4 =	sadd.s32 s21, s2  }
0x9d: {  	[timem:s6], [sflag:s22] =	dma.local [hbm:s4], s20  }
0x9e: {  	_ =	swait.ge [sflag:s22], s20  }
0x9f: {  	s3 =	ssub.s32 $0x0, s20;
	[sflag:s22] =	ssyncset.done $0x0  }
0xa0: {  	[sflag:s22] =	ssyncadd.s32 s3;
	_ =	sdelay $0x1  }
0xa1: {  	s23 =	simm.s32 $0x1B8B  }
0xa2: {  	_ =	swait.ge [sflag:s23], $0x1  }
0xa3: {  	[sflag:s23] =	ssyncset.done $0x0  }
0xa4: {  	s25 =	simm.s32 $0x1B8E;
	s24 =	sld [smem:$0x3FFE];
	[sflag:s23] =	ssyncadd.s32 $0xFFFFFFFF  }
0xa5: {  	s26 =	simm.s32 $execute0_lowered;
	[smem:$0x3FD2] =	sst s25  }
0xa6: {  	s4 =	sshll.u32 s26, $0x1;
	_ =	strace $0x80000049;
	[dreg:$0x1] =	wrdreg $0xFFFFFFFF  }
0xa7: {  	s28 =	simm.s32 $_size_execute0_lowered;
	s2 =	sadd.s32 s2, s4;
	[dreg:$0x0] =	wrdreg $0x0  }
0xa8: {  	s4 =	sshll.u32 s28, $0x1;
	[dreg:$0x2] =	wrdreg s2  }
0xa9: {  	[dreg:$0x3] =	wrdreg s4  }
0xaa: {  	[dreg:$0x4] =	wrdreg $0xC0  }
0xab: {  	_ =	task [dreg:s6], $0x5FFFF  }
0xac: {  	[dreg:$0x1] =	wrdreg $0xFFFFFFFF  }
0xad: {  	[dreg:$0x0] =	wrdreg $0x60  }
0xae: {  	[dreg:$0x2] =	wrdreg s24  }
0xaf: {  	[dreg:$0x3] =	wrdreg $0x9  }
0xb0: {  	_ =	task.clear_ibuf [dreg:s6], $0x4FFFF;
	_ =	strace $0x90000049  }
0xb1: {  	s29 =	simm.s32 $0x9;
	_ =	strace $0x8000004B  }
0xb2: {  	_ =	swait.ge [sflag:s29], $0x1  }
0xb3: {  	[sflag:s29] =	ssyncadd.s32 $0xFFFFFFFF  }
0xb4: {  	_ =	strace $0x9000004B  }
0xb5: {  	_ =	sfence  }
0xb6: {  	s30 =	sld [smem:$0x0];
	_ =	sdelay $0x2  }
0xb7: {  	s31 =	sshll.u32 s1, $0xD;
	s1 =	sshrl.u32 s1, $0x2  }
0xb8: {  	s3 =	sand.u32 $0x4000, s31;
	s1 =	sadd.s32 s1, s30  }
0xb9: {  	s0 =	sor.u32 s3, s0;
	s1 =	sshll.u32 s1, $0x11  }
0xba: {  	s0 =	sor.u32 s1, s0  }
0xbb: {  	s0 =	sadd.s32 $0x8F2B, s0  }
0xbc: {  	[sflag:s0] =	ssyncadd.remote.s32 $0x1  }
0xbd: {  	_ =	sfence.sel $0xFFFF  }
0xbe: {  	[dreg:$0x0] =	wrdreg $0xFFFFFFFF;
	(pc) =	sbr.abs _section_cstart, $3  }
0xbf: {  	[dreg:$0x1] =	wrdreg $0xFFFFFFFF  }
0xc0: {  	_ =	task.clear_ibuf [dreg:s6], $0x2FFFF;
	_ =	strace $0x9FFFFFFF  }
0xc1: {  	(tm) =	ssettm $0x7FFFFFFF  }
tec
execute0_lowered:
.L_overlay_start_1:
0x0: {  	(tag) =	ssettag $0x1  }
0x1: {  	s0 =	rddreg [dreg:$0x0];
	s2 =	simm.s32 $0x0  }
0x2: {  	s1 =	srdreg.scid;
	s25 =	stileid.u32;
	s13 =	simm.s32 $0xFFFFFFFF  }
0x3: {  	s29 =	simm.s32 $0x2;
	s30 =	simm.s32 $0x1000;
	[smem:$0x7FF] =	sst s2  }
0x4: {  	s1 =	sand.u32 $0x1, s1;
	s3 =	sshll.u32 s25, $0x1;
	s18 =	sadd.s32 $0x3000, s0  }
0x5: {  	s4 =	sadd.s32 $0x143000, s0;
	s5 =	sadd.s32 $0x43000, s0;
	s6 =	sadd.s32 $0x283000, s0  }
0x6: {  	s8 =	sadd.s32 $0x183000, s0;
	s22 =	sand.u32 $0xC, s25;
	p2 =	sgt.u32 s25, $0x7  }
0x7: {  	_ =	strace $0x8000004A;
	s9 =	sor.u32 s1, s3;
	s11 =	ssub.s32 $0x2, s1  }
0x8: {  	s3 =	sadd.s32 $0x163000, s0;
	s14 =	sadd.s32 $0x3FFFF0, s9;
	s12 =	sshrl.u32 s11, $0x1  }
0x9: {  	s21 =	sadd.s32 $0x3FFFE8, s9;
	s10 =	sshll.u32 s14, $0xA;
	s7 =	sand.u32 $0x3, s14  }
0xa: {  	s15 =	sshll.u32 s21, $0xA;
	s20 =	sand.u32 $0x3, s21;
	s14 =	sshll.u32 s14, $0x12  }
0xb: {  	s21 =	sshll.u32 s21, $0x12;
	p0 =	slt.s32 s10, $0x1;
	p1 =	sne.s32 s7, $0x0  }
0xc: {  	s7 =	sadd.s32 $0x2A3000, s0;
	s0 =	ssub.s32 s11, s12;
	s23 =	sshra.s32 s15, $0x1F  }
0xd: {  	p5 =	slt.s32 s15, $0x1;
	p6 =	sne.s32 s20, $0x0;
	s12 =	simm.s32 $0x1  }
0xe: {  	s20 =	sshll.u32 s1, $0x9;
	s1 =	sshll.u32 s1, $0xA;
	p0 =	por !p0, !p1  }
0xf: {  	s24 =	sshrl.u32 s23, $0x14;
	p1 =	slt.u32 s25, $0xC;
	p0 =	por !p0, !p0  }
0x10: {  	s11 =	sadd.s32 s24, s15;
	s13 =	simm.s32 @!p0 $0x0;
	p0 =	por !p5, !p6  }
0x11: {  	s11 =	sshrl.u32 s11, $0xC;
	s19 =	sshll.u32 s13, $0xC;
	p0 =	por !p0, !p0  }
0x12: {  	s17 =	sadd.s32 s10, s19;
	s12 =	simm.s32 @!p0 $0x0;
	p0 =	sne.s32 s22, $0x8  }
0x13: {  	s9 =	sand.u32 $0xFFFFF000, s17;
	s28 =	ssub.s32 s11, s12;
	s17 =	sshll.u32 s25, $0xA  }
0x14: {  	s12 =	sshll.u32 s25, $0xB;
	s26 =	sshrl.u32 s9, $0x3;
	s9 =	ssub.s32 s10, s9  }
0x15: {  	s13 =	sshll.u32 s28, $0xC;
	s23 =	sor.u32 s20, s17;
	s17 =	sand.u32 $0x1000, s17  }
0x16: {  	s20 =	sadd.s32 s12, s19;
	s10 =	sadd.s32 s18, s26;
	s11 =	sshra.s32 s9, $0x5  }
0x17: {  	s31 =	sadd.s32 $0x1000, s9;
	s15 =	ssub.s32 s15, s13;
	s16 =	sshrl.u32 s13, $0x3  }
0x18: {  	s24 =	sshrl.u32 s17, $0x3;
	s1 =	sor.u32 s1, s20;
	s22 =	sand.u32 $0xE00, s23  }
.Ltmp0:
0x19: {  	s23 =	sshll.u32 s23, $0xA;
	[dreg:$0x2] =	wrdreg s31;
	(pc) =	sbr.rel .LBB2_1-.Ltmp0, $4  }
0x1a: {  	s16 =	sadd.s32 s18, s16;
	s26 =	sadd.s32 s18, s24;
	s19 =	sshra.s32 s15, $0x5  }
0x1b: {  	s28 =	sadd.s32 $0x1000, s15;
	s1 =	sadd.s32 $0xFFFFC000, s1;
	[dreg:$0x3] =	wrdreg s26  }
0x1c: {  	s24 =	smax.u32 s0, $0x1;
	s31 =	sor.u32 $0x1000, s22;
	[dreg:$0x4] =	wrdreg s28  }
0x1d: {  	v0 =	vlaneseq.u32;
	s0 =	sand.u32 $0xFFFFF000, s1;
	s26 =	sshrl.u32 s22, $0x5;
	[dreg:$0x5] =	wrdreg s31  }
.LBB2_25:
0x1e: {  	s2 =	sadd.s32 $0x1, s2  }
0x1f: {  	p3 =	sne.s32 s2, s24  }
.Ltmp1:
0x20: {  	_ = 	snop;
	(pc) =	sbr.rel @!p3 .LBB2_26-.Ltmp1, $1  }
0x21: {  	_ =	sdelay $0x3  }
.LBB2_1:
.Ltmp2:
0x22: {  	(pc) =	sbr.rel @p0 .LBB2_9-.Ltmp2, $1  }
0x23: {  	_ =	sdelay $0x3  }
0x24: {  	s1 =	simm.s32 $0x0  }
0x25: {  	[tilespmem:s1], [sflag:$0x2] =	stream.linear.gather [hbm4b:s10+s1], $0x1000, $0x38;
	[tilespmem:$0x16000] =	vst v63  }
0x26: {  	_ =	swait.ge [sflag:s29], $0x1000  }
0x27: {  	[sflag:s29] =	ssyncset.done $0x0  }
0x28: {  	s25 =	simm.s32 $0x0;
	v1 =	vimm.s32 $0x0;
	s1 =	simm.s32 $0x80;
	[sflag:s29] =	ssyncadd.s32 $0xFFFFF000  }
.LBB2_3:
0x29: {  	p3 =	sne.s32 s1, $0x3F80;
	[tilespmem:s25+$0x1000] =	vst v1;
	s28 =	smov.u32 s1;
	s1 =	sadd.s32 $0x80, s1  }
.Ltmp3:
0x2a: {  	[tilespmem:s25+$0x1010] =	vst v1;
	(pc) =	sbr.rel @p3 .LBB2_3-.Ltmp3, $2  }
0x2b: {  	_ =	sdelay $0x2  }
0x2c: {  	s25 =	sshra.s32 s28, $0x2  }
0x2d: {  	[tilespmem:s25+$0x1000] =	vst v1  }
0x2e: {  	[tilespmem:s25+$0x1010] =	vst v1;
	s1 =	simm.s32 $0x0  }
0x2f: {  	v2 =	vld [tilespmem:s1+$0x0];
	_ =	sdelay $0x4  }
0x30: {  	v3 =	vadd.s32 $0xFFFFFFFF, v2  }
0x31: {  	vm1 =	vgt.s32 v2, $0x0;
	vm0 =	vgt.s32 v3, $0x0  }
0x32: {  	v3 =	vnsel vm0, $0x0, v3;
	_ =	sdelay $0x3  }
0x33: {  	v4 =	vor.u32 s0, v0;
	vm15 =	vgt.s32 v1, v2  }
0x34: {  	s28 =	simm.s32 $0x10;
	s25 =	smov.u32 s0;
	s1 =	simm.s32 $0x80;
	v1 =	vsel vm15, v1, v2;
	[tilespmem:v3+s30+$0x0] =	vst.idx.msk vm1, v4  }
.LBB2_5:
0x35: {  	p3 =	sne.s32 s1, $0x3FC0;
	v2 =	vld [tilespmem:s28+$0x0];
	_ =	sdelay $0x4  }
0x36: {  	v3 =	vadd.s32 $0xFFFFFFFF, v2;
	vm0 =	vgt.s32 v1, v2  }
0x37: {  	vm2 =	vgt.s32 v2, $0x0;
	vm1 =	vgt.s32 v3, $0x0;
	v1 =	vsel vm0, v1, v2  }
0x38: {  	v2 =	vnsel vm1, $0x0, v3  }
.Ltmp4:
0x39: {  	(pc) =	sbr.rel @p3 .LBB2_5-.Ltmp4, $4  }
0x3a: {  	_ = 	snop  }
0x3b: {  	s25 =	sadd.s32 $0x10, s25  }
0x3c: {  	v3 =	vor.u32 s25, v0  }
0x3d: {  	s28 =	sshra.s32 s1, $0x2;
	s1 =	sadd.s32 $0x40, s1;
	[tilespmem:v2+s30+$0x0] =	vst.idx.msk vm2, v3  }
0x3e: {  	v2 =	vld [tilespmem:s28+$0x0];
	_ =	sdelay $0x4  }
0x3f: {  	vm0 =	vgt.s32 v1, v2  }
0x40: {  	v1 =	vsel vm0, v1, v2  }
0x41: {  	v1 =	vxor.u32 $0x80000000, v1  }
0x42: {  	(xrf0) =	vmax.scan.msk.u32 $0xffff, v1;
	_ =	sdelay $0x5  }
0x43: {  	v1, _, _ =	vpop (xrf0)  }
0x44: {  	(v2sf) =	vpush v1, $0xF;
	_ =	sdelay $0xe  }
0x45: {  	s1 =	spop (v2sf)  }
0x46: {  	s1 =	sadd.s32 $0x8000007F, s1  }
0x47: {  	s20 =	sand.u32 $0x7F, s1  }
0x48: {  	s12 =	sshra.s32 s1, $0x1F;
	p3 =	slt.s32 s1, $0x1;
	p4 =	sne.s32 s20, $0x0  }
0x49: {  	s12 =	sshrl.u32 s12, $0x19;
	p3 =	por !p3, !p4  }
0x4a: {  	s1 =	sadd.s32 s12, s1;
	s12 =	simm.s32 $0x1;
	p3 =	por !p3, !p3  }
0x4b: {  	s1 =	sshrl.u32 s1, $0x7;
	s12 =	simm.s32 @!p3 $0x0  }
0x4c: {  	s1 =	ssub.s32 s1, s12  }
0x4d: {  	s1 =	sshll.u32 s1, $0x7  }
0x4e: {  	s1 =	ssub.s32 s1, s9  }
0x4f: {  	s31 =	sshra.s32 s1, $0x1F;
	s18 =	sxor.u32 $0xFFFFFFFF, s1  }
0x50: {  	s20 =	sshrl.u32 s31, $0x1B;
	s28 =	sshrl.u32 s18, $0x1F  }
0x51: {  	s1 =	sadd.s32 s1, s20;
	s12 =	sadd.s32 s28, s31  }
0x52: {  	s1 =	sadd.s32 $0x1F, s1;
	p3 =	sne.s32 s12, $0x1;
	s12 =	simm.s32 $0x1  }
0x53: {  	v1 =	vadd.s32 $0xFFFFFFFF, v2;
	s1 =	sshra.s32 s1, $0x5;
	s12 =	simm.s32 @!p3 $0x0  }
0x54: {  	vm1 =	vgt.s32 v2, $0x0;
	vm15 =	vgt.s32 v1, $0x0;
	s1 =	ssub.s32 s1, s12  }
0x55: {  	v1 =	vnsel vm15, $0x0, v1;
	p3 =	slt.s32 s1, $0x1  }
.Ltmp5:
0x56: {  	_ = 	snop;
	(pc) =	sbr.rel @p3 .LBB2_9-.Ltmp5, $4  }
0x57: {  	_ = 	snop  }
0x58: {  	s31 =	sadd.s32 $0x10, s25  }
0x59: {  	v2 =	vor.u32 s31, v0  }
0x5a: {  	[tilespmem:v1+s30+$0x0] =	vst.idx.msk vm1, v2  }
0x5b: {  	p3 =	sgt.s32 s1, $0x0  }
0x5c: {  	s12 =	rddreg [dreg:$0x2];
	s18 =	simm.s32 $0x20;
	s20 =	simm.s32 $0x2000  }
0x5d: {  	[tilespmem:s20], [sflag:$0x1] =	stream.indirect.gather [hbm4b:s3+s18], $0x80, s12, s18, $0xb8;
	[tilespmem:$0x16000] =	vst v63  }
0x5e: {  	s1 =	simm.s32 @!p3 $0x0  }
0x5f: {  	s25 =	smin.u32 s1, $0x20;
	s1 =	simm.s32 $0x0  }
.LBB2_8:
0x60: {  	s12 =	sand.u32 $0x1, s1  }
0x61: {  	p3 =	seq.s32 s12, $0x1  }
0x62: {  	s12 =	sadd.s32 @p3 $0x1, s1  }
0x63: {  	p4 =	sge.u32 @p3 s12, s25  }
0x64: {  	p4 =	por p4, !p3  }
0x65: {  	s20 =	sadd.s32 @!p4 s11, s1  }
0x66: {  	s20 =	sshll.u32 @!p4 s20, $0x7  }
0x67: {  	s20 =	sshra.s32 @!p4 s20, $0x2  }
0x68: {  	s28 =	simm.s32 @!p4 $0x20;
	s18 =	simm.s32 @!p4 $0x2000;
	s20 =	sadd.s32 @!p4 $0x1020, s20  }
0x69: {  	[tilespmem:s18], [sflag:$0x1] =	stream.indirect.gather @!p4 [hbm4b:s3+s28], $0x80, s20, s28, $0xb8;
	[tilespmem:$0x16000] =	vst v63  }
0x6a: {  	s18 =	simm.s32 @p3 $0x1  }
0x6b: {  	s20 =	sshll.u32 @p3 s1, $0xD;
	_ =	swait.ge @p3 [sflag:s18], $0x1000  }
0x6c: {  	s20 =	sadd.s32 @p3 s14, s20;
	[sflag:s18] =	ssyncset.done @p3 $0x0  }
0x6d: {  	[sflag:s18] =	ssyncadd.s32 @p3 $0xFFFFF000;
	s18 =	sshrl.u32 @p3 s20, $0x4  }
0x6e: {  	s28 =	simm.s32 @p3 $0x3000;
	s20 =	simm.s32 @p3 $0x0;
	s18 =	sadd.s32 @p3 s6, s18  }
0x6f: {  	[hbm4b:s18+s20] =	stream.linear.scatter @p3 [tilespmem:s28], [sflag:$0x2], $0x1000, $0x38;
	[tilespmem:$0x16000] =	vst v63  }
0x70: {  	s18 =	sor.u32 @!p3 $0x1, s1  }
0x71: {  	p4 =	sge.u32 @!p3 s18, s25  }
0x72: {  	s20 =	simm.s32 @p3 $0x2;
	p4 =	por p4, p3  }
0x73: {  	_ =	swait.ge @p3 [sflag:s20], $0x1000;
	s28 =	sadd.s32 @!p4 s11, s1  }
0x74: {  	[sflag:s20] =	ssyncset.done @p3 $0x0;
	s28 =	sshll.u32 @!p4 s28, $0x7  }
0x75: {  	[sflag:s20] =	ssyncadd.s32 @p3 $0xFFFFF000;
	s31 =	simm.s32 @!p4 $0x3000;
	s20 =	sshra.s32 @!p4 s28, $0x2  }
0x76: {  	s1 =	sshll.u32 @!p3 s1, $0xD;
	s28 =	simm.s32 @!p4 $0x20;
	s20 =	sadd.s32 @!p4 $0x1020, s20  }
0x77: {  	[tilespmem:s31], [sflag:$0x1] =	stream.indirect.gather @!p4 [hbm4b:s3+s28], $0x80, s20, s28, $0xb8;
	[tilespmem:$0x16000] =	vst v63  }
0x78: {  	s1 =	sadd.s32 @!p3 s14, s1;
	s20 =	simm.s32 @!p3 $0x1  }
0x79: {  	s18 =	smov.u32 @p3 s12;
	s1 =	sshrl.u32 @!p3 s1, $0x4;
	_ =	swait.ge @!p3 [sflag:s20], $0x1000  }
0x7a: {  	s1 =	sadd.s32 @!p3 s6, s1;
	s28 =	simm.s32 @!p3 $0x2000;
	[sflag:s20] =	ssyncset.done @!p3 $0x0  }
0x7b: {  	p4 =	sne.s32 s18, s25;
	[sflag:s20] =	ssyncadd.s32 @!p3 $0xFFFFF000;
	s20 =	simm.s32 @!p3 $0x0  }
0x7c: {  	[hbm4b:s1+s20] =	stream.linear.scatter @!p3 [tilespmem:s28], [sflag:$0x3], $0x1000, $0x38;
	[tilespmem:$0x16000] =	vst v63  }
.Ltmp6:
0x7d: {  	_ = 	snop;
	(pc) =	sbr.rel @p4 .LBB2_8-.Ltmp6, $4  }
0x7e: {  	s1 =	simm.s32 @!p3 $0x3  }
0x7f: {  	_ =	swait.ge @!p3 [sflag:s1], $0x1000  }
0x80: {  	[sflag:s1] =	ssyncset.done @!p3 $0x0  }
0x81: {  	[sflag:s1] =	ssyncadd.s32 @!p3 $0xFFFFF000;
	s1 =	smov.u32 s18  }
.LBB2_9:
.Ltmp7:
0x82: {  	(pc) =	sbr.rel @p1 .LBB2_17-.Ltmp7, $1  }
0x83: {  	_ =	sdelay $0x3  }
0x84: {  	s1 =	simm.s32 $0x0  }
0x85: {  	[tilespmem:s1], [sflag:$0x2] =	stream.linear.gather [hbm4b:s16+s1], $0x1000, $0x38;
	[tilespmem:$0x16000] =	vst v63  }
0x86: {  	_ =	swait.ge [sflag:s29], $0x1000  }
0x87: {  	[sflag:s29] =	ssyncset.done $0x0  }
0x88: {  	s25 =	simm.s32 $0x0;
	v1 =	vimm.s32 $0x0;
	s1 =	simm.s32 $0x80;
	[sflag:s29] =	ssyncadd.s32 $0xFFFFF000  }
.LBB2_11:
0x89: {  	p3 =	sne.s32 s1, $0x3F80;
	[tilespmem:s25+$0x1000] =	vst v1;
	s12 =	smov.u32 s1;
	s1 =	sadd.s32 $0x80, s1  }
.Ltmp8:
0x8a: {  	[tilespmem:s25+$0x1010] =	vst v1;
	(pc) =	sbr.rel @p3 .LBB2_11-.Ltmp8, $2  }
0x8b: {  	_ =	sdelay $0x2  }
0x8c: {  	s25 =	sshra.s32 s12, $0x2  }
0x8d: {  	[tilespmem:s25+$0x1000] =	vst v1  }
0x8e: {  	[tilespmem:s25+$0x1010] =	vst v1;
	s1 =	simm.s32 $0x0  }
0x8f: {  	v2 =	vld [tilespmem:s1+$0x0];
	_ =	sdelay $0x4  }
0x90: {  	v3 =	vadd.s32 $0xFFFFFFFF, v2  }
0x91: {  	vm1 =	vgt.s32 v2, $0x0;
	vm0 =	vgt.s32 v3, $0x0  }
0x92: {  	v3 =	vnsel vm0, $0x0, v3;
	_ =	sdelay $0x3  }
0x93: {  	v4 =	vor.u32 s13, v0;
	vm15 =	vgt.s32 v1, v2  }
0x94: {  	s28 =	simm.s32 $0x10;
	s25 =	smov.u32 s13;
	s1 =	simm.s32 $0x80;
	v1 =	vsel vm15, v1, v2;
	[tilespmem:v3+s30+$0x0] =	vst.idx.msk vm1, v4  }
.LBB2_13:
0x95: {  	p3 =	sne.s32 s1, $0x3FC0;
	v2 =	vld [tilespmem:s28+$0x0];
	_ =	sdelay $0x4  }
0x96: {  	v3 =	vadd.s32 $0xFFFFFFFF, v2;
	vm0 =	vgt.s32 v1, v2  }
0x97: {  	vm2 =	vgt.s32 v2, $0x0;
	vm1 =	vgt.s32 v3, $0x0;
	v1 =	vsel vm0, v1, v2  }
0x98: {  	v2 =	vnsel vm1, $0x0, v3  }
.Ltmp9:
0x99: {  	(pc) =	sbr.rel @p3 .LBB2_13-.Ltmp9, $4  }
0x9a: {  	_ = 	snop  }
0x9b: {  	s25 =	sadd.s32 $0x10, s25  }
0x9c: {  	v3 =	vor.u32 s25, v0  }
0x9d: {  	s28 =	sshra.s32 s1, $0x2;
	s1 =	sadd.s32 $0x40, s1;
	[tilespmem:v2+s30+$0x0] =	vst.idx.msk vm2, v3  }
0x9e: {  	v2 =	vld [tilespmem:s28+$0x0];
	_ =	sdelay $0x4  }
0x9f: {  	vm0 =	vgt.s32 v1, v2  }
0xa0: {  	v1 =	vsel vm0, v1, v2  }
0xa1: {  	v1 =	vxor.u32 $0x80000000, v1  }
0xa2: {  	(xrf0) =	vmax.scan.msk.u32 $0xffff, v1;
	_ =	sdelay $0x5  }
0xa3: {  	v1, _, _ =	vpop (xrf0)  }
0xa4: {  	(v2sf) =	vpush v1, $0xF;
	_ =	sdelay $0xe  }
0xa5: {  	s1 =	spop (v2sf)  }
0xa6: {  	s1 =	sadd.s32 $0x8000007F, s1  }
0xa7: {  	s12 =	sand.u32 $0x7F, s1  }
0xa8: {  	s18 =	sshra.s32 s1, $0x1F;
	p3 =	slt.s32 s1, $0x1;
	p4 =	sne.s32 s12, $0x0  }
0xa9: {  	s28 =	sshrl.u32 s18, $0x19;
	p3 =	por !p3, !p4  }
0xaa: {  	s12 =	simm.s32 $0x1;
	s1 =	sadd.s32 s28, s1;
	p3 =	por !p3, !p3  }
0xab: {  	s1 =	sshrl.u32 s1, $0x7;
	s12 =	simm.s32 @!p3 $0x0  }
0xac: {  	s1 =	ssub.s32 s1, s12  }
0xad: {  	s1 =	sshll.u32 s1, $0x7  }
0xae: {  	s1 =	ssub.s32 s1, s15  }
0xaf: {  	s31 =	sshra.s32 s1, $0x1F;
	s28 =	sxor.u32 $0xFFFFFFFF, s1  }
0xb0: {  	s20 =	sshrl.u32 s31, $0x1B;
	s18 =	sshrl.u32 s28, $0x1F  }
0xb1: {  	s1 =	sadd.s32 s1, s20;
	s12 =	sadd.s32 s18, s31  }
0xb2: {  	s1 =	sadd.s32 $0x1F, s1;
	p3 =	sne.s32 s12, $0x1;
	s12 =	simm.s32 $0x1  }
0xb3: {  	v1 =	vadd.s32 $0xFFFFFFFF, v2;
	s1 =	sshra.s32 s1, $0x5;
	s12 =	simm.s32 @!p3 $0x0  }
0xb4: {  	vm1 =	vgt.s32 v2, $0x0;
	vm15 =	vgt.s32 v1, $0x0;
	s1 =	ssub.s32 s1, s12  }
0xb5: {  	v1 =	vnsel vm15, $0x0, v1;
	p3 =	slt.s32 s1, $0x1  }
.Ltmp10:
0xb6: {  	_ = 	snop;
	(pc) =	sbr.rel @p3 .LBB2_25-.Ltmp10, $4  }
0xb7: {  	_ = 	snop  }
0xb8: {  	s31 =	sadd.s32 $0x10, s25  }
0xb9: {  	v2 =	vor.u32 s31, v0  }
0xba: {  	[tilespmem:v1+s30+$0x0] =	vst.idx.msk vm1, v2  }
0xbb: {  	p3 =	sgt.s32 s1, $0x0  }
0xbc: {  	s12 =	rddreg [dreg:$0x4];
	s18 =	simm.s32 $0x20;
	s20 =	simm.s32 $0x4000  }
0xbd: {  	[tilespmem:s20], [sflag:$0x1] =	stream.indirect.gather [hbm4b:s4+s18], $0x80, s12, s18, $0xb8;
	[tilespmem:$0x16000] =	vst v63  }
0xbe: {  	s1 =	simm.s32 @!p3 $0x0  }
0xbf: {  	s25 =	smin.u32 s1, $0x20;
	s1 =	simm.s32 $0x0  }
.LBB2_16:
0xc0: {  	s12 =	sand.u32 $0x1, s1  }
0xc1: {  	p3 =	seq.s32 s12, $0x1  }
0xc2: {  	s12 =	sadd.s32 @p3 $0x1, s1  }
0xc3: {  	p4 =	sge.u32 @p3 s12, s25  }
0xc4: {  	p4 =	por p4, !p3  }
0xc5: {  	s18 =	sadd.s32 @!p4 s19, s1  }
0xc6: {  	s18 =	sshll.u32 @!p4 s18, $0x7  }
0xc7: {  	s18 =	sshra.s32 @!p4 s18, $0x2  }
0xc8: {  	s20 =	simm.s32 @!p4 $0x20;
	s28 =	simm.s32 @!p4 $0x4000;
	s18 =	sadd.s32 @!p4 $0x1020, s18  }
0xc9: {  	[tilespmem:s28], [sflag:$0x1] =	stream.indirect.gather @!p4 [hbm4b:s4+s20], $0x80, s18, s20, $0xb8;
	[tilespmem:$0x16000] =	vst v63  }
0xca: {  	s18 =	simm.s32 @p3 $0x1  }
0xcb: {  	s20 =	sshll.u32 @p3 s1, $0xD;
	_ =	swait.ge @p3 [sflag:s18], $0x1000  }
0xcc: {  	s20 =	sadd.s32 @p3 s21, s20;
	[sflag:s18] =	ssyncset.done @p3 $0x0  }
0xcd: {  	[sflag:s18] =	ssyncadd.s32 @p3 $0xFFFFF000;
	s18 =	sshrl.u32 @p3 s20, $0x4  }
0xce: {  	s28 =	simm.s32 @p3 $0x5000;
	s20 =	simm.s32 @p3 $0x0;
	s18 =	sadd.s32 @p3 s7, s18  }
0xcf: {  	[hbm4b:s18+s20] =	stream.linear.scatter @p3 [tilespmem:s28], [sflag:$0x2], $0x1000, $0x38;
	[tilespmem:$0x16000] =	vst v63  }
0xd0: {  	s18 =	sor.u32 @!p3 $0x1, s1  }
0xd1: {  	p4 =	sge.u32 @!p3 s18, s25  }
0xd2: {  	s20 =	simm.s32 @p3 $0x2;
	p4 =	por p4, p3  }
0xd3: {  	_ =	swait.ge @p3 [sflag:s20], $0x1000;
	s28 =	sadd.s32 @!p4 s19, s1  }
0xd4: {  	[sflag:s20] =	ssyncset.done @p3 $0x0;
	s28 =	sshll.u32 @!p4 s28, $0x7  }
0xd5: {  	[sflag:s20] =	ssyncadd.s32 @p3 $0xFFFFF000;
	s31 =	simm.s32 @!p4 $0x5000;
	s20 =	sshra.s32 @!p4 s28, $0x2  }
0xd6: {  	s1 =	sshll.u32 @!p3 s1, $0xD;
	s28 =	simm.s32 @!p4 $0x20;
	s20 =	sadd.s32 @!p4 $0x1020, s20  }
0xd7: {  	[tilespmem:s31], [sflag:$0x1] =	stream.indirect.gather @!p4 [hbm4b:s4+s28], $0x80, s20, s28, $0xb8;
	[tilespmem:$0x16000] =	vst v63  }
0xd8: {  	s1 =	sadd.s32 @!p3 s21, s1;
	s20 =	simm.s32 @!p3 $0x1  }
0xd9: {  	s18 =	smov.u32 @p3 s12;
	s1 =	sshrl.u32 @!p3 s1, $0x4;
	_ =	swait.ge @!p3 [sflag:s20], $0x1000  }
0xda: {  	s1 =	sadd.s32 @!p3 s7, s1;
	s28 =	simm.s32 @!p3 $0x4000;
	[sflag:s20] =	ssyncset.done @!p3 $0x0  }
0xdb: {  	p4 =	sne.s32 s18, s25;
	[sflag:s20] =	ssyncadd.s32 @!p3 $0xFFFFF000;
	s20 =	simm.s32 @!p3 $0x0  }
0xdc: {  	[hbm4b:s1+s20] =	stream.linear.scatter @!p3 [tilespmem:s28], [sflag:$0x3], $0x1000, $0x38;
	[tilespmem:$0x16000] =	vst v63  }
.Ltmp11:
0xdd: {  	_ = 	snop;
	(pc) =	sbr.rel @p4 .LBB2_16-.Ltmp11, $4  }
0xde: {  	s1 =	simm.s32 @!p3 $0x3  }
0xdf: {  	_ =	swait.ge @!p3 [sflag:s1], $0x1000  }
0xe0: {  	[sflag:s1] =	ssyncset.done @!p3 $0x0  }
0xe1: {  	[sflag:s1] =	ssyncadd.s32 @!p3 $0xFFFFF000;
	s1 =	smov.u32 s18  }
.LBB2_17:
.Ltmp12:
0xe2: {  	(pc) =	sbr.rel @p2 .LBB2_25-.Ltmp12, $1  }
0xe3: {  	_ =	sdelay $0x3  }
0xe4: {  	s1 =	simm.s32 $0x0;
	s12 =	rddreg [dreg:$0x3]  }
0xe5: {  	[tilespmem:s1], [sflag:$0x2] =	stream.linear.gather [hbm4b:s12+s1], $0x1000, $0x38;
	[tilespmem:$0x16000] =	vst v63  }
0xe6: {  	_ =	swait.ge [sflag:s29], $0x1000  }
0xe7: {  	[sflag:s29] =	ssyncset.done $0x0  }
0xe8: {  	s25 =	simm.s32 $0x0;
	v1 =	vimm.s32 $0x0;
	s1 =	simm.s32 $0x80;
	[sflag:s29] =	ssyncadd.s32 $0xFFFFF000  }
.LBB2_19:
0xe9: {  	p3 =	sne.s32 s1, $0x3F80;
	[tilespmem:s25+$0x1000] =	vst v1;
	s12 =	smov.u32 s1;
	s1 =	sadd.s32 $0x80, s1  }
.Ltmp13:
0xea: {  	[tilespmem:s25+$0x1010] =	vst v1;
	(pc) =	sbr.rel @p3 .LBB2_19-.Ltmp13, $2  }
0xeb: {  	_ =	sdelay $0x2  }
0xec: {  	s25 =	sshra.s32 s12, $0x2  }
0xed: {  	[tilespmem:s25+$0x1000] =	vst v1  }
0xee: {  	[tilespmem:s25+$0x1010] =	vst v1;
	s1 =	simm.s32 $0x0  }
0xef: {  	v2 =	vld [tilespmem:s1+$0x0];
	_ =	sdelay $0x4  }
0xf0: {  	v3 =	vadd.s32 $0xFFFFFFFF, v2  }
0xf1: {  	vm1 =	vgt.s32 v2, $0x0;
	vm0 =	vgt.s32 v3, $0x0  }
0xf2: {  	v3 =	vnsel vm0, $0x0, v3;
	_ =	sdelay $0x3  }
0xf3: {  	v4 =	vor.u32 s17, v0;
	vm15 =	vgt.s32 v1, v2  }
0xf4: {  	s28 =	simm.s32 $0x10;
	s25 =	smov.u32 s17;
	s1 =	simm.s32 $0x80;
	v1 =	vsel vm15, v1, v2;
	[tilespmem:v3+s30+$0x0] =	vst.idx.msk vm1, v4  }
.LBB2_21:
0xf5: {  	p3 =	sne.s32 s1, $0x3FC0;
	v2 =	vld [tilespmem:s28+$0x0];
	_ =	sdelay $0x4  }
0xf6: {  	v3 =	vadd.s32 $0xFFFFFFFF, v2;
	vm0 =	vgt.s32 v1, v2  }
0xf7: {  	vm2 =	vgt.s32 v2, $0x0;
	vm1 =	vgt.s32 v3, $0x0;
	v1 =	vsel vm0, v1, v2  }
0xf8: {  	v2 =	vnsel vm1, $0x0, v3  }
.Ltmp14:
0xf9: {  	(pc) =	sbr.rel @p3 .LBB2_21-.Ltmp14, $4  }
0xfa: {  	_ = 	snop  }
0xfb: {  	s25 =	sadd.s32 $0x10, s25  }
0xfc: {  	v3 =	vor.u32 s25, v0  }
0xfd: {  	s28 =	sshra.s32 s1, $0x2;
	s1 =	sadd.s32 $0x40, s1;
	[tilespmem:v2+s30+$0x0] =	vst.idx.msk vm2, v3  }
0xfe: {  	v2 =	vld [tilespmem:s28+$0x0];
	_ =	sdelay $0x4  }
0xff: {  	vm0 =	vgt.s32 v1, v2  }
0x100: {  	v1 =	vsel vm0, v1, v2  }
0x101: {  	v1 =	vxor.u32 $0x80000000, v1  }
0x102: {  	(xrf0) =	vmax.scan.msk.u32 $0xffff, v1;
	_ =	sdelay $0x5  }
0x103: {  	v1, _, _ =	vpop (xrf0)  }
0x104: {  	(v2sf) =	vpush v1, $0xF;
	_ =	sdelay $0xe  }
0x105: {  	s1 =	spop (v2sf)  }
0x106: {  	s1 =	sadd.s32 $0x8000007F, s1  }
0x107: {  	s12 =	sand.u32 $0x7F, s1  }
0x108: {  	s18 =	sshra.s32 s1, $0x1F;
	p3 =	slt.s32 s1, $0x1;
	p4 =	sne.s32 s12, $0x0  }
0x109: {  	s28 =	sshrl.u32 s18, $0x19;
	p3 =	por !p3, !p4  }
0x10a: {  	s12 =	simm.s32 $0x1;
	s1 =	sadd.s32 s28, s1;
	p3 =	por !p3, !p3  }
0x10b: {  	s1 =	sshrl.u32 s1, $0x7;
	s12 =	simm.s32 @!p3 $0x0  }
0x10c: {  	s1 =	ssub.s32 s1, s12  }
0x10d: {  	s1 =	sshll.u32 s1, $0x7  }
0x10e: {  	s1 =	ssub.s32 s1, s22  }
0x10f: {  	s31 =	sshra.s32 s1, $0x1F;
	s28 =	sxor.u32 $0xFFFFFFFF, s1  }
0x110: {  	s20 =	sshrl.u32 s31, $0x1B;
	s18 =	sshrl.u32 s28, $0x1F  }
0x111: {  	s1 =	sadd.s32 s1, s20;
	s12 =	sadd.s32 s18, s31  }
0x112: {  	s1 =	sadd.s32 $0x1F, s1;
	p3 =	sne.s32 s12, $0x1;
	s12 =	simm.s32 $0x1  }
0x113: {  	v1 =	vadd.s32 $0xFFFFFFFF, v2;
	s1 =	sshra.s32 s1, $0x5;
	s12 =	simm.s32 @!p3 $0x0  }
0x114: {  	vm1 =	vgt.s32 v2, $0x0;
	vm15 =	vgt.s32 v1, $0x0;
	s1 =	ssub.s32 s1, s12  }
0x115: {  	v1 =	vnsel vm15, $0x0, v1;
	p3 =	slt.s32 s1, $0x1  }
.Ltmp15:
0x116: {  	_ = 	snop;
	(pc) =	sbr.rel @p3 .LBB2_25-.Ltmp15, $4  }
0x117: {  	_ = 	snop  }
0x118: {  	s31 =	sadd.s32 $0x10, s25  }
0x119: {  	v2 =	vor.u32 s31, v0  }
0x11a: {  	[tilespmem:v1+s30+$0x0] =	vst.idx.msk vm1, v2  }
0x11b: {  	p3 =	sgt.s32 s1, $0x0  }
0x11c: {  	s12 =	rddreg [dreg:$0x5];
	s18 =	simm.s32 $0x20;
	s20 =	simm.s32 $0x6000  }
0x11d: {  	[tilespmem:s20], [sflag:$0x1] =	stream.indirect.gather [hbm4b:s5+s18], $0x400, s12, s18, $0xb8;
	[tilespmem:$0x16000] =	vst v63  }
0x11e: {  	s1 =	simm.s32 @!p3 $0x0  }
0x11f: {  	s25 =	smin.u32 s1, $0x10;
	s1 =	simm.s32 $0x0  }
.LBB2_24:
0x120: {  	s12 =	sand.u32 $0x1, s1  }
0x121: {  	p3 =	seq.s32 s12, $0x1  }
0x122: {  	s12 =	sadd.s32 @p3 $0x1, s1  }
0x123: {  	p4 =	sge.u32 @p3 s12, s25  }
0x124: {  	p4 =	por p4, !p3  }
0x125: {  	s18 =	sadd.s32 @!p4 s26, s1  }
0x126: {  	s18 =	sshll.u32 @!p4 s18, $0x7  }
0x127: {  	s18 =	sshra.s32 @!p4 s18, $0x2  }
0x128: {  	s20 =	simm.s32 @!p4 $0x20;
	s28 =	simm.s32 @!p4 $0x6000;
	s18 =	sadd.s32 @!p4 $0x1020, s18  }
0x129: {  	[tilespmem:s28], [sflag:$0x1] =	stream.indirect.gather @!p4 [hbm4b:s5+s20], $0x400, s18, s20, $0xb8;
	[tilespmem:$0x16000] =	vst v63  }
0x12a: {  	s18 =	simm.s32 @p3 $0x1  }
0x12b: {  	s20 =	sshll.u32 @p3 s1, $0xF;
	_ =	swait.ge @p3 [sflag:s18], $0x8000  }
0x12c: {  	s20 =	sadd.s32 @p3 s23, s20;
	[sflag:s18] =	ssyncset.done @p3 $0x0  }
0x12d: {  	[sflag:s18] =	ssyncadd.s32 @p3 $0xFFFF8000;
	s18 =	sshrl.u32 @p3 s20, $0x3  }
0x12e: {  	s28 =	simm.s32 @p3 $0xE000;
	s20 =	simm.s32 @p3 $0x0;
	s18 =	sadd.s32 @p3 s8, s18  }
0x12f: {  	[hbm4b:s18+s20] =	stream.linear.scatter @p3 [tilespmem:s28], [sflag:$0x2], $0x8000, $0x38;
	[tilespmem:$0x16000] =	vst v63  }
0x130: {  	s18 =	sor.u32 @!p3 $0x1, s1  }
0x131: {  	p4 =	sge.u32 @!p3 s18, s25  }
0x132: {  	s20 =	simm.s32 @p3 $0x2;
	p4 =	por p4, p3  }
0x133: {  	_ =	swait.ge @p3 [sflag:s20], $0x8000;
	s28 =	sadd.s32 @!p4 s26, s1  }
0x134: {  	[sflag:s20] =	ssyncset.done @p3 $0x0;
	s28 =	sshll.u32 @!p4 s28, $0x7  }
0x135: {  	[sflag:s20] =	ssyncadd.s32 @p3 $0xFFFF8000;
	s31 =	simm.s32 @!p4 $0xE000;
	s20 =	sshra.s32 @!p4 s28, $0x2  }
0x136: {  	s1 =	sshll.u32 @!p3 s1, $0xF;
	s28 =	simm.s32 @!p4 $0x20;
	s20 =	sadd.s32 @!p4 $0x1020, s20  }
0x137: {  	[tilespmem:s31], [sflag:$0x1] =	stream.indirect.gather @!p4 [hbm4b:s5+s28], $0x400, s20, s28, $0xb8;
	[tilespmem:$0x16000] =	vst v63  }
0x138: {  	s1 =	sadd.s32 @!p3 s23, s1;
	s20 =	simm.s32 @!p3 $0x1  }
0x139: {  	s18 =	smov.u32 @p3 s12;
	s1 =	sshrl.u32 @!p3 s1, $0x3;
	_ =	swait.ge @!p3 [sflag:s20], $0x8000  }
0x13a: {  	s1 =	sadd.s32 @!p3 s8, s1;
	s28 =	simm.s32 @!p3 $0x6000;
	[sflag:s20] =	ssyncset.done @!p3 $0x0  }
0x13b: {  	p4 =	sne.s32 s18, s25;
	[sflag:s20] =	ssyncadd.s32 @!p3 $0xFFFF8000;
	s20 =	simm.s32 @!p3 $0x0  }
0x13c: {  	[hbm4b:s1+s20] =	stream.linear.scatter @!p3 [tilespmem:s28], [sflag:$0x3], $0x8000, $0x38;
	[tilespmem:$0x16000] =	vst v63  }
.Ltmp16:
0x13d: {  	_ = 	snop;
	(pc) =	sbr.rel @p4 .LBB2_24-.Ltmp16, $4  }
0x13e: {  	s1 =	simm.s32 @!p3 $0x3  }
0x13f: {  	_ =	swait.ge @!p3 [sflag:s1], $0x8000  }
0x140: {  	[sflag:s1] =	ssyncset.done @!p3 $0x0  }
0x141: {  	[sflag:s1] =	ssyncadd.s32 @!p3 $0xFFFF8000;
	s1 =	smov.u32 s18  }
.Ltmp17:
0x142: {  	_ = 	snop;
	(pc) =	sbr.rel .LBB2_25-.Ltmp17, $1  }
0x143: {  	_ =	sdelay $0x3  }
.LBB2_26:
0x144: {  	_ =	sfence.sel $0x180000  }
0x145: {  	[bflag:$0x0] =	sbarrier.arrive $0xFFFF  }
0x146: {  	_ =	strace $0x9000004A  }
0x147: {  	s0 =	stileid.u32;
	[bflag:$0x2] =	sbarrier.arrive $0xFFFF  }
0x148: {  	p0 =	sne.s32 s0, $0x0;
	s0 =	rddreg [dreg:$0x1]  }
0x149: {  	s0 =	sadd.s32 @!p0 $0x100000, s0  }
0x14a: {  	[sflag:s0] =	ssyncadd.tile.s32 @!p0 $0x1;
	_ =	shalt  }
.Lfunc_end2:
_tile_overlayer_lowered:
.L_overlay_start_2:
0x14b: {  	(tag) =	ssettag $0x2  }
0x14c: {  	s0 =	rddreg [dreg:$0x0];
	s2 =	stileid.u32  }
0x14d: {  	s1 =	rddreg [dreg:$0x1];
	p0 =	sne.s32 s2, $0x0  }
0x14e: {  	s3 =	rddreg [dreg:$0x2];
	[bflag:$0x3] =	sbarrier.arrive $0xFFFF;
	s2 =	simm.s32 @!p0 $0x1C02  }
0x14f: {  	[timem:s3], [sflag:s2] =	dma.local @!p0 [hbm:s0], s1  }
0x150: {  	s0 =	simm.s32 @!p0 $0x2  }
0x151: {  	_ =	swait.ge @!p0 [sflag:s0], s1  }
0x152: {  	s1 =	ssub.s32 @!p0 $0x0, s1;
	[sflag:s0] =	ssyncset.done @!p0 $0x0  }
0x153: {  	[sflag:s0] =	ssyncadd.s32 @!p0 s1  }
0x154: {  	[bflag:$0x3] =	sbarrier.arrive $0xFFFF  }
0x155: {  	_ =	shalt  }

// kernel: sparse-core-data-format-call.1.cloned.1.call-start
scs
called_computation.1_lowered:
.L_overlay_start_0:
0x0: {  	s2 =	sld [smem:$0x3FD9]  }
0x1: {  	s3 =	sld [smem:$0x3FFE];
	_ =	sdelay $0x1  }
0x2: {  	s1 =	srdreg.scid  }
0x3: {  	s0 =	sand.u32 $0x1, s1  }
0x4: {  	s18 =	sshll.u32 s0, $0xA;
	s2 =	sadd.s32 s3, s2  }
0x5: {  	s2 =	sadd.s32 s2, s18  }
0x6: {  	[smem:$0x3FBB] =	sst s2  }
0x7: {  	_ = 	snop  }
0x8: {  	s2 =	sld [smem:$0x3FD0];
	(tm) =	ssettm $0x1  }
0x9: {  	s19 =	sld [smem:$0x3FFB];
	_ =	sdelay $0x3  }
0xa: {  	_ =	strace s19  }
0xb: {  	s3 =	sld [smem:$0x3FFC];
	_ =	sdelay $0x3  }
0xc: {  	_ =	strace s3  }
0xd: {  	s3 =	sld [smem:$0x3FFD];
	_ =	sdelay $0x3  }
0xe: {  	_ =	strace s3  }
0xf: {  	_ =	strace $0x8FFFFFFF  }
0x10: {  	s20 =	sld [smem:$0x3FDB];
	_ =	sdelay $0x1  }
0x11: {  	s4 =	simm.s32 $_scs_section_size  }
0x12: {  	s5 =	simm.s32 $_size__tile_overlayer_lowered;
	s6 =	simm.s32 $_tile_overlayer_lowered  }
0x13: {  	s23 =	simm.s32 $0x1BFF;
	s22 =	sshll.u32 s6, $0x1;
	s3 =	sadd.s32 s4, s20  }
0x14: {  	s7 =	simm.s32 $0x0;
	s21 =	sshll.u32 s5, $0x1;
	s5 =	sadd.s32 s22, s3  }
0x15: {  	[timem:s7], [sflag:s23] =	dma.local [hbm:s5], s21  }
0x16: {  	_ =	swait.ge [sflag:s23], s21  }
0x17: {  	s4 =	ssub.s32 $0x0, s21;
	[sflag:s23] =	ssyncset.done $0x0  }
0x18: {  	[sflag:s23] =	ssyncadd.s32 s4;
	_ =	sdelay $0x1  }
0x19: {  	s24 =	simm.s32 $0x1B8B  }
0x1a: {  	_ =	swait.ge [sflag:s24], $0x1  }
0x1b: {  	[sflag:s24] =	ssyncset.done $0x0  }
0x1c: {  	s26 =	simm.s32 $0x1B8E;
	s25 =	sld [smem:$0x3FFE];
	[sflag:s24] =	ssyncadd.s32 $0xFFFFFFFF  }
0x1d: {  	s27 =	simm.s32 $execute0_lowered;
	[smem:$0x3FD2] =	sst s26  }
0x1e: {  	s5 =	sshll.u32 s27, $0x1;
	_ =	strace $0x80000046;
	[dreg:$0x1] =	wrdreg $0xFFFFFFFF  }
0x1f: {  	s28 =	simm.s32 $_size_execute0_lowered;
	s3 =	sadd.s32 s3, s5;
	[dreg:$0x0] =	wrdreg $0x0  }
0x20: {  	s5 =	sshll.u32 s28, $0x1;
	[dreg:$0x2] =	wrdreg s3  }
0x21: {  	[dreg:$0x3] =	wrdreg s5  }
0x22: {  	[dreg:$0x4] =	wrdreg $0xC0  }
0x23: {  	_ =	task [dreg:s7], $0x5FFFF  }
0x24: {  	[dreg:$0x1] =	wrdreg $0xFFFFFFFF  }
0x25: {  	[dreg:$0x0] =	wrdreg $0x60  }
0x26: {  	[dreg:$0x2] =	wrdreg s2  }
0x27: {  	[dreg:$0x3] =	wrdreg s25  }
0x28: {  	[dreg:$0x4] =	wrdreg $0x9  }
0x29: {  	_ =	task.clear_ibuf [dreg:s7], $0x5FFFF;
	_ =	strace $0x90000046  }
0x2a: {  	s29 =	simm.s32 $0x9;
	_ =	strace $0x80000048  }
0x2b: {  	_ =	swait.ge [sflag:s29], $0x1  }
0x2c: {  	[sflag:s29] =	ssyncadd.s32 $0xFFFFFFFF  }
0x2d: {  	_ =	strace $0x90000048  }
0x2e: {  	_ =	sfence  }
0x2f: {  	s30 =	sld [smem:$0x0];
	_ =	sdelay $0x2  }
0x30: {  	s31 =	sshll.u32 s1, $0xD;
	s1 =	sshrl.u32 s1, $0x2  }
0x31: {  	s3 =	sand.u32 $0x4000, s31;
	s1 =	sadd.s32 s1, s30  }
0x32: {  	s0 =	sor.u32 s3, s0;
	s1 =	sshll.u32 s1, $0x11  }
0x33: {  	s0 =	sor.u32 s1, s0  }
0x34: {  	s0 =	sadd.s32 $0x8F2B, s0  }
0x35: {  	[sflag:s0] =	ssyncadd.remote.s32 $0x1  }
0x36: {  	_ =	sfence.sel $0xFFFF  }
0x37: {  	[dreg:$0x0] =	wrdreg $0xFFFFFFFF;
	(pc) =	sbr.abs _section_cstart, $3  }
0x38: {  	[dreg:$0x1] =	wrdreg $0xFFFFFFFF  }
0x39: {  	_ =	task.clear_ibuf [dreg:s7], $0x2FFFF;
	_ =	strace $0x9FFFFFFF  }
0x3a: {  	(tm) =	ssettm $0x7FFFFFFF  }
0x3b: {  	_ =	shalt  }
tec
execute0_lowered:
.L_overlay_start_1:
0x0: {  	(tag) =	ssettag $0x1  }
0x1: {  	s0 =	srdreg.scid  }
0x2: {  	s1 =	sshll.u32 s0, $0x4  }
0x3: {  	s2 =	rddreg [dreg:$0x0];
	s0 =	stileid.u32;
	s1 =	sand.u32 $0x10, s1  }
0x4: {  	s4 =	rddreg [dreg:$0x1];
	s7 =	simm.s32 $0x1;
	s1 =	sor.u32 s0, s1  }
0x5: {  	s8 =	simm.s32 $0x2;
	s9 =	simm.s32 $0x0;
	s3 =	sshll.u32 s1, $0x1  }
0x6: {  	s12 =	simm.s32 $0x0;
	s11 =	simm.s32 $0x0;
	s6 =	ssub.s32 $0x400, s3  }
.Ltmp0:
0x7: {  	s4 =	sadd.s32 $0x43000, s4;
	s5 =	sand.u32 $0x3E, s6;
	(pc) =	sbr.rel .LBB1_1-.Ltmp0, $4  }
0x8: {  	s1 =	rddreg [dreg:$0x2];
	_ =	strace $0x80000047;
	p0 =	sne.s32 s5, $0x0  }
0x9: {  	s6 =	sshrl.u32 s6, $0x6;
	s5 =	simm.s32 $0x1;
	s7 =	simm.s32 @!p0 $0x0  }
0xa: {  	s10 =	smov.u32 s3;
	[sflag:s5] =	ssyncpa.u1 $0x0;
	s6 =	sadd.s32 s7, s6  }
0xb: {  	[sflag:s8] =	ssyncpa.u1 $0x0;
	s8 =	simm.s32 $0x0;
	s7 =	sadd.s32 $0x1, s6  }
.LBB1_9:
0xc: {  	s14 =	sadd.s32 $0x40, s10  }
0xd: {  	p1 =	sgt.s32 s14, $0x3FF  }
0xe: {  	s14 =	smov.u32 @p1 s3;
	p1 =	sne.s32 s11, s7  }
.Ltmp1:
0xf: {  	p0 =	slt.u32 s11, $0x2;
	(pc) =	sbr.rel @!p1 .LBB1_10-.Ltmp1, $4  }
0x10: {  	s13 =	simm.s32 @!p0 $0x2  }
0x11: {  	s15 =	sadd.s32 $0x1, s11;
	_ =	swait.ge @!p0 [sflag:s13], $0x4000  }
0x12: {  	s12 =	smov.u32 s10;
	s9 =	sadd.s32 $0x4000, s9;
	[sflag:s13] =	ssyncset.done @!p0 $0x0  }
0x13: {  	s11 =	smov.u32 s15;
	s10 =	smov.u32 s14;
	[sflag:s13] =	ssyncadd.s32 @!p0 $0xFFFFC000  }
.LBB1_1:
0x14: {  	p0 =	sge.u32 s11, s6  }
0x15: {  	s13 =	sxor.u32 @!p0 $0xFFFFFFFF, s11  }
0x16: {  	s31 =	sadd.s32 $0xFFFFFFFF, s11;
	s14 =	sshll.u32 @!p0 s10, $0xA;
	s13 =	sshll.u32 @!p0 s13, $0xE  }
0x17: {  	s15 =	simm.s32 @!p0 $0x0;
	s14 =	sadd.s32 @!p0 s2, s14;
	s13 =	sand.u32 @!p0 $0x4000, s13  }
0x18: {  	[tilespmem:s13], [sflag:$0x1] =	stream.linear.gather @!p0 [hbm4b:s14+s15], $0x4000, $0x38;
	[tilespmem:$0x10000] =	vst v63  }
0x19: {  	p0 =	sge.u32 s31, s6  }
.Ltmp2:
0x1a: {  	_ = 	snop;
	(pc) =	sbr.rel @p0 .LBB1_9-.Ltmp2, $1  }
0x1b: {  	_ =	sdelay $0x3  }
0x1c: {  	s13 =	sshll.u32 s9, $0x2  }
0x1d: {  	_ =	swait.ge [sflag:s5], $0x4000;
	s14 =	sshll.u32 s11, $0xE;
	s16 =	simm.s32 $0x0  }
0x1e: {  	p1 =	por $0x1, $0x1;
	s13 =	sand.u32 $0x10000, s13;
	[sflag:s5] =	ssyncset.done $0x0  }
0x1f: {  	s14 =	sand.u32 $0x4000, s14;
	s15 =	sshrl.u32 s13, $0x2;
	[sflag:s5] =	ssyncadd.s32 $0xFFFFC000  }
0x20: {  	s13 =	sor.u32 $0x8000, s14;
	s14 =	sadd.s32 $0x8040, s15;
	s15 =	sadd.s32 $0x40, s15  }
.LBB1_3:
0x21: {  	s16 =	sshll.u32 s16, $0x2  }
0x22: {  	p0 =	por p1, p1;
	s17 =	sshra.s32 s16, $0x2  }
0x23: {  	s18 =	simm.s32 $0x0;
	s16 =	sadd.s32 s17, s14;
	s17 =	sadd.s32 s17, s15  }
.LBB1_4:
0x24: {  	v0 =	vmov s17;
	_ =	sdelay $0x3  }
0x25: {  	s20 =	simm.s32 $0x0  }
0x26: {  	v6 =	vld.idx.msk [tilespmem:v0+s20+$0x30 ss:$0x1], $0xffff  }
0x27: {  	v7 =	vld.idx.msk [tilespmem:v0+s20+$0xFFFFFFC0 ss:$0x1], $0xffff  }
0x28: {  	v5 =	vld.idx.msk [tilespmem:v0+s20+$0xFFFFFFD0 ss:$0x1], $0xffff  }
0x29: {  	v4 =	vld.idx.msk [tilespmem:v0+s20+$0xFFFFFFE0 ss:$0x1], $0xffff  }
0x2a: {  	v3 =	vld.idx.msk [tilespmem:v0+s20+$0xFFFFFFF0 ss:$0x1], $0xffff  }
0x2b: {  	v1 =	vld.idx.msk [tilespmem:v0+s20+$0x0 ss:$0x1], $0xffff  }
0x2c: {  	v2 =	vld.idx.msk [tilespmem:v0+s20+$0x10 ss:$0x1], $0xffff;
	[tilespmem:s16+$0x30] =	vst v6  }
0x2d: {  	s19 =	simm.s32 $0x80;
	s21 =	simm.s32 $0x400;
	[tilespmem:s16+$0xFFFFFFC0] =	vst v7;
	v6 =	vld.idx.msk [tilespmem:v0+s20+$0x20 ss:$0x1], $0xffff;
	s20 =	smov.u32 s16  }
.LBB1_5:
0x2e: {  	p1 =	sne.s32 s21, $0xE00;
	v7 =	vld.idx.msk [tilespmem:v0+s19+$0x30 ss:$0x1], $0xffff;
	[tilespmem:s20+$0xFFFFFFD0] =	vst v5  }
0x2f: {  	v8 =	vld.idx.msk [tilespmem:v0+s19+$0xFFFFFFC0 ss:$0x1], $0xffff;
	[tilespmem:s20+$0xFFFFFFE0] =	vst v4  }
0x30: {  	v5 =	vld.idx.msk [tilespmem:v0+s19+$0xFFFFFFD0 ss:$0x1], $0xffff;
	[tilespmem:s20+$0xFFFFFFF0] =	vst v3  }
.Ltmp3:
0x31: {  	v4 =	vld.idx.msk [tilespmem:v0+s19+$0xFFFFFFE0 ss:$0x1], $0xffff;
	[tilespmem:s20+$0x0] =	vst v1;
	(pc) =	sbr.rel @p1 .LBB1_5-.Ltmp3, $4  }
0x32: {  	v3 =	vld.idx.msk [tilespmem:v0+s19+$0xFFFFFFF0 ss:$0x1], $0xffff;
	[tilespmem:s20+$0x10] =	vst v2  }
0x33: {  	v1 =	vld.idx.msk [tilespmem:v0+s19+$0x0 ss:$0x1], $0xffff;
	[tilespmem:s20+$0x20] =	vst v6;
	s20 =	sadd.s32 $0x400, s20  }
0x34: {  	v2 =	vld.idx.msk [tilespmem:v0+s19+$0x10 ss:$0x1], $0xffff;
	[tilespmem:s20+$0x30] =	vst v7  }
0x35: {  	[tilespmem:s20+$0xFFFFFFC0] =	vst v8;
	v6 =	vld.idx.msk [tilespmem:v0+s19+$0x20 ss:$0x1], $0xffff;
	s19 =	sshra.s32 s21, $0x2;
	s21 =	sadd.s32 $0x200, s21  }
0x36: {  	_ =	sdelay $0x2  }
0x37: {  	[tilespmem:s20+$0xFFFFFFD0] =	vst v5  }
0x38: {  	v56 =	vld.idx.msk [tilespmem:v0+s19+$0x30 ss:$0x1], $0xffff;
	[tilespmem:s20+$0xFFFFFFE0] =	vst v4  }
0x39: {  	v57 =	vld.idx.msk [tilespmem:v0+s19+$0xFFFFFFC0 ss:$0x1], $0xffff;
	[tilespmem:s20+$0xFFFFFFF0] =	vst v3  }
0x3a: {  	v58 =	vld.idx.msk [tilespmem:v0+s19+$0xFFFFFFD0 ss:$0x1], $0xffff;
	[tilespmem:s20+$0x0] =	vst v1  }
0x3b: {  	v59 =	vld.idx.msk [tilespmem:v0+s19+$0xFFFFFFE0 ss:$0x1], $0xffff;
	[tilespmem:s20+$0x10] =	vst v2  }
0x3c: {  	v60 =	vld.idx.msk [tilespmem:v0+s19+$0xFFFFFFF0 ss:$0x1], $0xffff;
	s31 =	sadd.s32 $0x400, s20;
	[tilespmem:s20+$0x20] =	vst v6  }
0x3d: {  	v61 =	vld.idx.msk [tilespmem:v0+s19+$0x0 ss:$0x1], $0xffff;
	[tilespmem:s31+$0x30] =	vst v56  }
0x3e: {  	v62 =	vld.idx.msk [tilespmem:v0+s19+$0x10 ss:$0x1], $0xffff;
	s18 =	sadd.s32 $0x1, s18;
	[tilespmem:s31+$0xFFFFFFC0] =	vst v57  }
0x3f: {  	v63 =	vld.idx.msk [tilespmem:v0+s19+$0x20 ss:$0x1], $0xffff;
	p1 =	sne.s32 s18, $0x8;
	[tilespmem:s31+$0xFFFFFFD0] =	vst v58  }
.Ltmp4:
0x40: {  	[tilespmem:s31+$0xFFFFFFE0] =	vst v59;
	(pc) =	sbr.rel @p1 .LBB1_4-.Ltmp4, $4  }
0x41: {  	[tilespmem:s31+$0xFFFFFFF0] =	vst v60  }
0x42: {  	[tilespmem:s31+$0x0] =	vst v61  }
0x43: {  	[tilespmem:s31+$0x10] =	vst v62  }
0x44: {  	s16 =	sadd.s32 $0x80, s16;
	s17 =	sadd.s32 $0x400, s17;
	[tilespmem:s31+$0x20] =	vst v63  }
.Ltmp5:
0x45: {  	(pc) =	sbr.rel @p0 .LBB1_3-.Ltmp5, $2  }
0x46: {  	_ =	sdelay $0x2  }
0x47: {  	s16 =	simm.s32 $0x2000;
	p1 =	por $0x0, $0x0  }
.Ltmp6:
0x48: {  	(pc) =	sbr.rel .LBB1_9-.Ltmp6, $4  }
0x49: {  	_ = 	snop  }
0x4a: {  	s12 =	sshll.u32 s12, $0xA  }
0x4b: {  	s12 =	sadd.s32 s4, s12  }
0x4c: {  	[hbm4b:s12+s8] =	stream.linear.scatter [tilespmem:s13], [sflag:$0x2], $0x4000, $0x38;
	[tilespmem:$0x10000] =	vst v63  }
.LBB1_10:
0x4d: {  	_ =	sfence.sel $0x180000  }
0x4e: {  	s2 =	simm.s32 $0x1;
	[bflag:$0x0] =	sbarrier.arrive $0xFFFF  }
0x4f: {  	s31 =	simm.s32 $0x2;
	[sflag:s2] =	ssyncpa.u1 $0x1  }
0x50: {  	[sflag:s31] =	ssyncpa.u1 $0x1  }
0x51: {  	p0 =	sne.s32 s0, $0x0;
	_ =	strace $0x90000047  }
0x52: {  	s0 =	sadd.s32 @!p0 $0x100000, s1;
	[bflag:$0x2] =	sbarrier.arrive $0xFFFF  }
0x53: {  	[sflag:s0] =	ssyncadd.tile.s32 @!p0 $0x1;
	_ =	shalt  }
.Lfunc_end1:
_tile_overlayer_lowered:
.L_overlay_start_2:
0x54: {  	(tag) =	ssettag $0x2  }
0x55: {  	s0 =	rddreg [dreg:$0x0];
	s2 =	stileid.u32  }
0x56: {  	s1 =	rddreg [dreg:$0x1];
	p0 =	sne.s32 s2, $0x0  }
0x57: {  	s3 =	rddreg [dreg:$0x2];
	[bflag:$0x3] =	sbarrier.arrive $0xFFFF;
	s2 =	simm.s32 @!p0 $0x1C01  }
0x58: {  	[timem:s3], [sflag:s2] =	dma.local @!p0 [hbm:s0], s1  }
0x59: {  	s0 =	simm.s32 @!p0 $0x1  }
0x5a: {  	_ =	swait.ge @!p0 [sflag:s0], s1  }
0x5b: {  	s1 =	ssub.s32 @!p0 $0x0, s1;
	[sflag:s0] =	ssyncset.done @!p0 $0x0  }
0x5c: {  	[sflag:s0] =	ssyncadd.s32 @!p0 s1  }
0x5d: {  	[bflag:$0x3] =	sbarrier.arrive $0xFFFF  }
0x5e: {  	_ =	shalt  }

// kernel: sparse-core-data-format-call.cloned.1.call-start
scs
called_computation_lowered:
.L_overlay_start_0:
0x0: {  	s2 =	sld [smem:$0x3FD9]  }
0x1: {  	s3 =	sld [smem:$0x3FFE];
	_ =	sdelay $0x1  }
0x2: {  	s1 =	srdreg.scid  }
0x3: {  	s0 =	sand.u32 $0x1, s1  }
0x4: {  	s18 =	sshll.u32 s0, $0xA;
	s2 =	sadd.s32 s3, s2  }
0x5: {  	s2 =	sadd.s32 s2, s18  }
0x6: {  	[smem:$0x3FBB] =	sst s2  }
0x7: {  	_ = 	snop  }
0x8: {  	s2 =	sld [smem:$0x3FD0];
	(tm) =	ssettm $0x1  }
0x9: {  	s19 =	sld [smem:$0x3FFB];
	_ =	sdelay $0x3  }
0xa: {  	_ =	strace s19  }
0xb: {  	s3 =	sld [smem:$0x3FFC];
	_ =	sdelay $0x3  }
0xc: {  	_ =	strace s3  }
0xd: {  	s3 =	sld [smem:$0x3FFD];
	_ =	sdelay $0x3  }
0xe: {  	_ =	strace s3  }
0xf: {  	_ =	strace $0x8FFFFFFF  }
0x10: {  	s20 =	sld [smem:$0x3FDB];
	_ =	sdelay $0x1  }
0x11: {  	s4 =	simm.s32 $_scs_section_size  }
0x12: {  	s5 =	simm.s32 $_size__tile_overlayer_lowered;
	s6 =	simm.s32 $_tile_overlayer_lowered  }
0x13: {  	s23 =	simm.s32 $0x1BFF;
	s22 =	sshll.u32 s6, $0x1;
	s3 =	sadd.s32 s4, s20  }
0x14: {  	s7 =	simm.s32 $0x0;
	s21 =	sshll.u32 s5, $0x1;
	s5 =	sadd.s32 s22, s3  }
0x15: {  	[timem:s7], [sflag:s23] =	dma.local [hbm:s5], s21  }
0x16: {  	_ =	swait.ge [sflag:s23], s21  }
0x17: {  	s4 =	ssub.s32 $0x0, s21;
	[sflag:s23] =	ssyncset.done $0x0  }
0x18: {  	[sflag:s23] =	ssyncadd.s32 s4;
	_ =	sdelay $0x1  }
0x19: {  	s24 =	simm.s32 $0x1B8B  }
0x1a: {  	_ =	swait.ge [sflag:s24], $0x1  }
0x1b: {  	[sflag:s24] =	ssyncset.done $0x0  }
0x1c: {  	s26 =	simm.s32 $0x1B8E;
	s25 =	sld [smem:$0x3FFE];
	[sflag:s24] =	ssyncadd.s32 $0xFFFFFFFF  }
0x1d: {  	s27 =	simm.s32 $execute0_lowered;
	[smem:$0x3FD2] =	sst s26  }
0x1e: {  	s5 =	sshll.u32 s27, $0x1;
	_ =	strace $0x8000004C;
	[dreg:$0x1] =	wrdreg $0xFFFFFFFF  }
0x1f: {  	s28 =	simm.s32 $_size_execute0_lowered;
	s3 =	sadd.s32 s3, s5;
	[dreg:$0x0] =	wrdreg $0x0  }
0x20: {  	s5 =	sshll.u32 s28, $0x1;
	[dreg:$0x2] =	wrdreg s3  }
0x21: {  	[dreg:$0x3] =	wrdreg s5  }
0x22: {  	[dreg:$0x4] =	wrdreg $0xC0  }
0x23: {  	_ =	task [dreg:s7], $0x5FFFF  }
0x24: {  	[dreg:$0x1] =	wrdreg $0xFFFFFFFF  }
0x25: {  	[dreg:$0x0] =	wrdreg $0x60  }
0x26: {  	[dreg:$0x2] =	wrdreg s25  }
0x27: {  	[dreg:$0x3] =	wrdreg s2  }
0x28: {  	[dreg:$0x4] =	wrdreg $0x9  }
0x29: {  	_ =	task.clear_ibuf [dreg:s7], $0x5FFFF;
	_ =	strace $0x9000004C  }
0x2a: {  	s29 =	simm.s32 $0x9;
	_ =	strace $0x8000004E  }
0x2b: {  	_ =	swait.ge [sflag:s29], $0x1  }
0x2c: {  	[sflag:s29] =	ssyncadd.s32 $0xFFFFFFFF  }
0x2d: {  	_ =	strace $0x9000004E  }
0x2e: {  	_ =	sfence  }
0x2f: {  	s30 =	sld [smem:$0x0];
	_ =	sdelay $0x2  }
0x30: {  	s31 =	sshll.u32 s1, $0xD;
	s1 =	sshrl.u32 s1, $0x2  }
0x31: {  	s3 =	sand.u32 $0x4000, s31;
	s1 =	sadd.s32 s1, s30  }
0x32: {  	s0 =	sor.u32 s3, s0;
	s1 =	sshll.u32 s1, $0x11  }
0x33: {  	s0 =	sor.u32 s1, s0  }
0x34: {  	s0 =	sadd.s32 $0x8F2B, s0  }
0x35: {  	[sflag:s0] =	ssyncadd.remote.s32 $0x1  }
0x36: {  	_ =	sfence.sel $0xFFFF  }
0x37: {  	[dreg:$0x0] =	wrdreg $0xFFFFFFFF;
	(pc) =	sbr.abs _section_cstart, $3  }
0x38: {  	[dreg:$0x1] =	wrdreg $0xFFFFFFFF  }
0x39: {  	_ =	task.clear_ibuf [dreg:s7], $0x2FFFF;
	_ =	strace $0x9FFFFFFF  }
0x3a: {  	(tm) =	ssettm $0x7FFFFFFF  }
0x3b: {  	_ =	shalt  }
tec
execute0_lowered:
.L_overlay_start_1:
0x0: {  	(tag) =	ssettag $0x1  }
0x1: {  	s0 =	srdreg.scid  }
0x2: {  	s1 =	sshll.u32 s0, $0x4  }
0x3: {  	s4 =	rddreg [dreg:$0x0];
	s0 =	stileid.u32;
	s1 =	sand.u32 $0x10, s1  }
0x4: {  	s2 =	rddreg [dreg:$0x1];
	s7 =	simm.s32 $0x1;
	s1 =	sor.u32 s0, s1  }
0x5: {  	s8 =	simm.s32 $0x2;
	s9 =	simm.s32 $0x0;
	s3 =	sshll.u32 s1, $0x1  }
0x6: {  	s12 =	simm.s32 $0x0;
	s11 =	simm.s32 $0x0;
	s6 =	ssub.s32 $0x400, s3  }
.Ltmp0:
0x7: {  	s4 =	sadd.s32 $0x43000, s4;
	s5 =	sand.u32 $0x3E, s6;
	(pc) =	sbr.rel .LBB1_1-.Ltmp0, $4  }
0x8: {  	s1 =	rddreg [dreg:$0x2];
	_ =	strace $0x8000004D;
	p0 =	sne.s32 s5, $0x0  }
0x9: {  	s6 =	sshrl.u32 s6, $0x6;
	s5 =	simm.s32 $0x1;
	s7 =	simm.s32 @!p0 $0x0  }
0xa: {  	s10 =	smov.u32 s3;
	[sflag:s5] =	ssyncpa.u1 $0x0;
	s6 =	sadd.s32 s7, s6  }
0xb: {  	[sflag:s8] =	ssyncpa.u1 $0x0;
	s8 =	simm.s32 $0x0;
	s7 =	sadd.s32 $0x1, s6  }
.LBB1_9:
0xc: {  	s14 =	sadd.s32 $0x40, s10  }
0xd: {  	p1 =	sgt.s32 s14, $0x3FF  }
0xe: {  	s14 =	smov.u32 @p1 s3;
	p1 =	sne.s32 s11, s7  }
.Ltmp1:
0xf: {  	p0 =	slt.u32 s11, $0x2;
	(pc) =	sbr.rel @!p1 .LBB1_10-.Ltmp1, $4  }
0x10: {  	s13 =	simm.s32 @!p0 $0x2  }
0x11: {  	s15 =	sadd.s32 $0x1, s11;
	_ =	swait.ge @!p0 [sflag:s13], $0x4000  }
0x12: {  	s12 =	smov.u32 s10;
	s9 =	sadd.s32 $0x4000, s9;
	[sflag:s13] =	ssyncset.done @!p0 $0x0  }
0x13: {  	s11 =	smov.u32 s15;
	s10 =	smov.u32 s14;
	[sflag:s13] =	ssyncadd.s32 @!p0 $0xFFFFC000  }
.LBB1_1:
0x14: {  	p0 =	sge.u32 s11, s6  }
0x15: {  	s13 =	sxor.u32 @!p0 $0xFFFFFFFF, s11  }
0x16: {  	s31 =	sadd.s32 $0xFFFFFFFF, s11;
	s14 =	sshll.u32 @!p0 s10, $0xA;
	s13 =	sshll.u32 @!p0 s13, $0xE  }
0x17: {  	s15 =	simm.s32 @!p0 $0x0;
	s14 =	sadd.s32 @!p0 s4, s14;
	s13 =	sand.u32 @!p0 $0x4000, s13  }
0x18: {  	[tilespmem:s13], [sflag:$0x1] =	stream.linear.gather @!p0 [hbm4b:s14+s15], $0x4000, $0x38;
	[tilespmem:$0x10000] =	vst v63  }
0x19: {  	p0 =	sge.u32 s31, s6  }
.Ltmp2:
0x1a: {  	_ = 	snop;
	(pc) =	sbr.rel @p0 .LBB1_9-.Ltmp2, $1  }
0x1b: {  	_ =	sdelay $0x3  }
0x1c: {  	s13 =	sshll.u32 s9, $0x2  }
0x1d: {  	_ =	swait.ge [sflag:s5], $0x4000;
	s14 =	sshll.u32 s11, $0xE;
	s16 =	simm.s32 $0x0  }
0x1e: {  	p1 =	por $0x1, $0x1;
	s13 =	sand.u32 $0x10000, s13;
	[sflag:s5] =	ssyncset.done $0x0  }
0x1f: {  	s14 =	sand.u32 $0x4000, s14;
	s15 =	sshrl.u32 s13, $0x2;
	[sflag:s5] =	ssyncadd.s32 $0xFFFFC000  }
0x20: {  	s13 =	sor.u32 $0x8000, s14;
	s14 =	sadd.s32 $0x8040, s15;
	s15 =	sadd.s32 $0x40, s15  }
.LBB1_3:
0x21: {  	s16 =	sshll.u32 s16, $0x2  }
0x22: {  	p0 =	por p1, p1;
	s17 =	sshra.s32 s16, $0x2  }
0x23: {  	s18 =	simm.s32 $0x0;
	s16 =	sadd.s32 s17, s14;
	s17 =	sadd.s32 s17, s15  }
.LBB1_4:
0x24: {  	v0 =	vmov s17;
	_ =	sdelay $0x3  }
0x25: {  	s20 =	simm.s32 $0x0  }
0x26: {  	v6 =	vld.idx.msk [tilespmem:v0+s20+$0x30 ss:$0x1], $0xffff  }
0x27: {  	v7 =	vld.idx.msk [tilespmem:v0+s20+$0xFFFFFFC0 ss:$0x1], $0xffff  }
0x28: {  	v5 =	vld.idx.msk [tilespmem:v0+s20+$0xFFFFFFD0 ss:$0x1], $0xffff  }
0x29: {  	v4 =	vld.idx.msk [tilespmem:v0+s20+$0xFFFFFFE0 ss:$0x1], $0xffff  }
0x2a: {  	v3 =	vld.idx.msk [tilespmem:v0+s20+$0xFFFFFFF0 ss:$0x1], $0xffff  }
0x2b: {  	v1 =	vld.idx.msk [tilespmem:v0+s20+$0x0 ss:$0x1], $0xffff  }
0x2c: {  	v2 =	vld.idx.msk [tilespmem:v0+s20+$0x10 ss:$0x1], $0xffff;
	[tilespmem:s16+$0x30] =	vst v6  }
0x2d: {  	s19 =	simm.s32 $0x80;
	s21 =	simm.s32 $0x400;
	[tilespmem:s16+$0xFFFFFFC0] =	vst v7;
	v6 =	vld.idx.msk [tilespmem:v0+s20+$0x20 ss:$0x1], $0xffff;
	s20 =	smov.u32 s16  }
.LBB1_5:
0x2e: {  	p1 =	sne.s32 s21, $0xE00;
	v7 =	vld.idx.msk [tilespmem:v0+s19+$0x30 ss:$0x1], $0xffff;
	[tilespmem:s20+$0xFFFFFFD0] =	vst v5  }
0x2f: {  	v8 =	vld.idx.msk [tilespmem:v0+s19+$0xFFFFFFC0 ss:$0x1], $0xffff;
	[tilespmem:s20+$0xFFFFFFE0] =	vst v4  }
0x30: {  	v5 =	vld.idx.msk [tilespmem:v0+s19+$0xFFFFFFD0 ss:$0x1], $0xffff;
	[tilespmem:s20+$0xFFFFFFF0] =	vst v3  }
.Ltmp3:
0x31: {  	v4 =	vld.idx.msk [tilespmem:v0+s19+$0xFFFFFFE0 ss:$0x1], $0xffff;
	[tilespmem:s20+$0x0] =	vst v1;
	(pc) =	sbr.rel @p1 .LBB1_5-.Ltmp3, $4  }
0x32: {  	v3 =	vld.idx.msk [tilespmem:v0+s19+$0xFFFFFFF0 ss:$0x1], $0xffff;
	[tilespmem:s20+$0x10] =	vst v2  }
0x33: {  	v1 =	vld.idx.msk [tilespmem:v0+s19+$0x0 ss:$0x1], $0xffff;
	[tilespmem:s20+$0x20] =	vst v6;
	s20 =	sadd.s32 $0x400, s20  }
0x34: {  	v2 =	vld.idx.msk [tilespmem:v0+s19+$0x10 ss:$0x1], $0xffff;
	[tilespmem:s20+$0x30] =	vst v7  }
0x35: {  	[tilespmem:s20+$0xFFFFFFC0] =	vst v8;
	v6 =	vld.idx.msk [tilespmem:v0+s19+$0x20 ss:$0x1], $0xffff;
	s19 =	sshra.s32 s21, $0x2;
	s21 =	sadd.s32 $0x200, s21  }
0x36: {  	_ =	sdelay $0x2  }
0x37: {  	[tilespmem:s20+$0xFFFFFFD0] =	vst v5  }
0x38: {  	v56 =	vld.idx.msk [tilespmem:v0+s19+$0x30 ss:$0x1], $0xffff;
	[tilespmem:s20+$0xFFFFFFE0] =	vst v4  }
0x39: {  	v57 =	vld.idx.msk [tilespmem:v0+s19+$0xFFFFFFC0 ss:$0x1], $0xffff;
	[tilespmem:s20+$0xFFFFFFF0] =	vst v3  }
0x3a: {  	v58 =	vld.idx.msk [tilespmem:v0+s19+$0xFFFFFFD0 ss:$0x1], $0xffff;
	[tilespmem:s20+$0x0] =	vst v1  }
0x3b: {  	v59 =	vld.idx.msk [tilespmem:v0+s19+$0xFFFFFFE0 ss:$0x1], $0xffff;
	[tilespmem:s20+$0x10] =	vst v2  }
0x3c: {  	v60 =	vld.idx.msk [tilespmem:v0+s19+$0xFFFFFFF0 ss:$0x1], $0xffff;
	s31 =	sadd.s32 $0x400, s20;
	[tilespmem:s20+$0x20] =	vst v6  }
0x3d: {  	v61 =	vld.idx.msk [tilespmem:v0+s19+$0x0 ss:$0x1], $0xffff;
	[tilespmem:s31+$0x30] =	vst v56  }
0x3e: {  	v62 =	vld.idx.msk [tilespmem:v0+s19+$0x10 ss:$0x1], $0xffff;
	s18 =	sadd.s32 $0x1, s18;
	[tilespmem:s31+$0xFFFFFFC0] =	vst v57  }
0x3f: {  	v63 =	vld.idx.msk [tilespmem:v0+s19+$0x20 ss:$0x1], $0xffff;
	p1 =	sne.s32 s18, $0x8;
	[tilespmem:s31+$0xFFFFFFD0] =	vst v58  }
.Ltmp4:
0x40: {  	[tilespmem:s31+$0xFFFFFFE0] =	vst v59;
	(pc) =	sbr.rel @p1 .LBB1_4-.Ltmp4, $4  }
0x41: {  	[tilespmem:s31+$0xFFFFFFF0] =	vst v60  }
0x42: {  	[tilespmem:s31+$0x0] =	vst v61  }
0x43: {  	[tilespmem:s31+$0x10] =	vst v62  }
0x44: {  	s16 =	sadd.s32 $0x80, s16;
	s17 =	sadd.s32 $0x400, s17;
	[tilespmem:s31+$0x20] =	vst v63  }
.Ltmp5:
0x45: {  	(pc) =	sbr.rel @p0 .LBB1_3-.Ltmp5, $2  }
0x46: {  	_ =	sdelay $0x2  }
0x47: {  	s16 =	simm.s32 $0x2000;
	p1 =	por $0x0, $0x0  }
.Ltmp6:
0x48: {  	(pc) =	sbr.rel .LBB1_9-.Ltmp6, $4  }
0x49: {  	_ = 	snop  }
0x4a: {  	s12 =	sshll.u32 s12, $0xA  }
0x4b: {  	s12 =	sadd.s32 s2, s12  }
0x4c: {  	[hbm4b:s12+s8] =	stream.linear.scatter [tilespmem:s13], [sflag:$0x2], $0x4000, $0x38;
	[tilespmem:$0x10000] =	vst v63  }
.LBB1_10:
0x4d: {  	_ =	sfence.sel $0x180000  }
0x4e: {  	s2 =	simm.s32 $0x1;
	[bflag:$0x0] =	sbarrier.arrive $0xFFFF  }
0x4f: {  	s31 =	simm.s32 $0x2;
	[sflag:s2] =	ssyncpa.u1 $0x1  }
0x50: {  	[sflag:s31] =	ssyncpa.u1 $0x1  }
0x51: {  	p0 =	sne.s32 s0, $0x0;
	_ =	strace $0x9000004D  }
0x52: {  	s0 =	sadd.s32 @!p0 $0x100000, s1;
	[bflag:$0x2] =	sbarrier.arrive $0xFFFF  }
0x53: {  	[sflag:s0] =	ssyncadd.tile.s32 @!p0 $0x1;
	_ =	shalt  }
.Lfunc_end1:
_tile_overlayer_lowered:
.L_overlay_start_2:
0x54: {  	(tag) =	ssettag $0x2  }
0x55: {  	s0 =	rddreg [dreg:$0x0];
	s2 =	stileid.u32  }
0x56: {  	s1 =	rddreg [dreg:$0x1];
	p0 =	sne.s32 s2, $0x0  }
0x57: {  	s3 =	rddreg [dreg:$0x2];
	[bflag:$0x3] =	sbarrier.arrive $0xFFFF;
	s2 =	simm.s32 @!p0 $0x1C01  }
0x58: {  	[timem:s3], [sflag:s2] =	dma.local @!p0 [hbm:s0], s1  }
0x59: {  	s0 =	simm.s32 @!p0 $0x1  }
0x5a: {  	_ =	swait.ge @!p0 [sflag:s0], s1  }
0x5b: {  	s1 =	ssub.s32 @!p0 $0x0, s1;
	[sflag:s0] =	ssyncset.done @!p0 $0x0  }
0x5c: {  	[sflag:s0] =	ssyncadd.s32 @!p0 s1  }
0x5d: {  	[bflag:$0x3] =	sbarrier.arrive $0xFFFF  }
0x5e: {  	_ =	shalt  }

</sc_bundles>
